<compile_context>
chip_gen: v7x
topology: tpu7x:2x2x1
jax: 0.10.2.dev20260603
libtpu: 0.0.44.dev20260713+nightly
codegen_flags: <defaults>
</compile_context>

<pallas_src>
import functools

import jax
import jax.numpy as jnp
from jax import lax
from jax.experimental import pallas as pl
from jax.experimental.pallas import tpu as pltpu
from jax.experimental.pallas import tpu_sc as plsc

N = 10000
D = 256
DH = 128
E = 160000

NC = 2
NS = 16
CH = 80

N_PAD = 10240
ROWS_PER_TILE = N_PAD // NS
DROWS = N_PAD // 128
E_PAD = 163840
CHUNKS = E_PAD // (NS * CH)
EROWS = E_PAD // CH
SUP = 16
NSUP = CHUNKS // SUP


def _sc_aggregate(xflat, srcm, dstm, zeros80, iota8):
    mesh = plsc.VectorSubcoreMesh(core_axis_name="c", subcore_axis_name="s")

    @functools.partial(
        pl.kernel,
        out_type=(
            jax.ShapeDtypeStruct((N_PAD, D), jnp.float32),
            jax.ShapeDtypeStruct((NC, DROWS, 128), jnp.float32),
        ),
        mesh=mesh,
        compiler_params=pltpu.CompilerParams(needs_layout_passes=False),
        scratch_types=[
            pltpu.VMEM_SHARED((N_PAD, DH), jnp.float32),
            pltpu.VMEM_SHARED((DROWS, 128), jnp.float32),
            pltpu.VMEM((SUP, CH), jnp.int32),
            pltpu.VMEM((SUP, CH), jnp.int32),
            pltpu.VMEM((CH, DH), jnp.float32),
            pltpu.VMEM((CH, DH), jnp.float32),
            pltpu.VMEM((DROWS, 128), jnp.float32),
            pltpu.VMEM((8, DROWS), jnp.int32),
            pltpu.SemaphoreType.DMA,
            pltpu.SemaphoreType.DMA,
            pltpu.SemaphoreType.DMA,
            pltpu.SemaphoreType.DMA,
        ],
    )
    def sc_kernel(xflat_h, srcm_h, dstm_h, zeros80_h, iota8_h,
                  agg_h, deg_h, acc, degacc, srcv, dstv, rows0, rows1,
                  degl, iotav, sem0, sem1, sem2, sem3):
        c = lax.axis_index("c")
        s = lax.axis_index("s")
        rbase = s * ROWS_PER_TILE
        bufs = (rows0, rows1)
        gsems = (sem0, sem1)
        ssems = (sem2, sem3)
        pltpu.sync_copy(zeros80_h, degl)
        pltpu.sync_copy(iota8_h, iotav)

        zds = [
            pltpu.async_copy(
                degl,
                acc.at[pl.ds(pl.multiple_of(rbase + i * DROWS, 8), DROWS)],
                gsems[i % 2])
            for i in range(ROWS_PER_TILE // DROWS)
        ]
        for zd in zds:
            zd.wait()

        @pl.when(s < DROWS // 8)
        def _():
            zoff = pl.multiple_of(s * 8, 8)
            pltpu.sync_copy(degl.at[pl.ds(0, 8)], degacc.at[pl.ds(zoff, 8)])

        plsc.subcore_barrier()

        sbase = c * EROWS + s * CHUNKS
        dbase = s * CHUNKS
        one16 = jnp.full((16,), 1.0, jnp.float32)

        @pl.loop(0, NSUP)
        def body(j):
            soff = pl.multiple_of(sbase + j * SUP, 8)
            doff = pl.multiple_of(dbase + j * SUP, 8)
            pltpu.sync_copy(srcm_h.at[pl.ds(soff, SUP)], srcv)
            pltpu.sync_copy(dstm_h.at[pl.ds(doff, SUP)], dstv)
            gd = [None, None]
            sd = [None, None]
            gd[0] = pltpu.async_copy(xflat_h.at[srcv.at[0]], bufs[0],
                                     gsems[0])
            for k in range(SUP):
                b = k % 2
                gd[b].wait()
                if k > 0:
                    sd[1 - b].wait()
                sd[b] = pltpu.async_copy(bufs[b], acc.at[dstv.at[k]],
                                         ssems[b], add=True)
                if k < SUP - 1:
                    gd[1 - b] = pltpu.async_copy(
                        xflat_h.at[srcv.at[k + 1]], bufs[1 - b],
                        gsems[1 - b])

                @pl.when(c == (k % 2))
                def _():
                    for t in range(CH // 16):
                        v = dstv[k, pl.ds(t * 16, 16)]
                        hi = lax.shift_right_logical(v, 7)
                        lo = lax.bitwise_and(v, 127)
                        plsc.addupdate_scatter(degl, [hi, lo], one16)
            sd[(SUP - 1) % 2].wait()

        pltpu.sync_copy(degl, degacc.at[iotav.at[0]], add=True)
        plsc.subcore_barrier()

        coff = pl.multiple_of(c * DH, 8)
        npieces = ROWS_PER_TILE // CH
        rd = [None, None]
        wr = [None, None]
        rd[0] = pltpu.async_copy(acc.at[pl.ds(rbase, CH)], bufs[0], gsems[0])
        for i in range(npieces):
            b = i % 2
            off = pl.multiple_of(rbase + i * CH, 8)
            rd[b].wait()
            wr[b] = pltpu.async_copy(
                bufs[b], agg_h.at[pl.ds(off, CH), pl.ds(coff, DH)], ssems[b])
            if i < npieces - 1:
                if i > 0:
                    wr[1 - b].wait()
                noff = pl.multiple_of(rbase + (i + 1) * CH, 8)
                rd[1 - b] = pltpu.async_copy(acc.at[pl.ds(noff, CH)],
                                             bufs[1 - b], gsems[1 - b])
        wr[0].wait()
        wr[1].wait()

        @pl.when(s < DROWS // 8)
        def _():
            zoff = pl.multiple_of(s * 8, 8)
            pltpu.sync_copy(degacc.at[pl.ds(zoff, 8)], rows1.at[pl.ds(0, 8)])
            pltpu.sync_copy(rows1.at[pl.ds(0, 8)], deg_h.at[c, pl.ds(zoff, 8)])

    return sc_kernel(xflat, srcm, dstm, zeros80, iota8)


def _tc_finish(agg, degt, W, b2):
    def body(agg_ref, deg_ref, w_ref, b_ref, out_ref):
        deg = deg_ref[:, 0:1] + deg_ref[:, 1:2]
        dinv = jnp.where(deg > 0, 1.0 / deg, 0.0)
        a = agg_ref[...] * dinv
        out_ref[...] = jnp.dot(a, w_ref[...],
                               preferred_element_type=jnp.float32) + b_ref[...]

    blk = 1000
    return pl.pallas_call(
        body,
        grid=(N // blk,),
        in_specs=[
            pl.BlockSpec((blk, D), lambda i: (i, 0)),
            pl.BlockSpec((blk, NC), lambda i: (i, 0)),
            pl.BlockSpec((D, D), lambda i: (0, 0)),
            pl.BlockSpec((1, D), lambda i: (0, 0)),
        ],
        out_specs=pl.BlockSpec((blk, D), lambda i: (i, 0)),
        out_shape=jax.ShapeDtypeStruct((N, D), jnp.float32),
    )(agg, degt, W, b2)


def kernel(x, edge_index, W, b):
    src = edge_index[0]
    dst = edge_index[1]
    pad = E_PAD - E
    src_p = jnp.concatenate([src, jnp.zeros((pad,), jnp.int32)])
    dst_p = jnp.concatenate(
        [dst, N + (jnp.arange(pad, dtype=jnp.int32) % (N_PAD - N))])
    srcm = jnp.concatenate([2 * src_p, 2 * src_p + 1]).reshape(2 * EROWS, CH)
    dstm = dst_p.reshape(EROWS, CH)
    xflat = x.reshape(2 * N, DH)
    zeros80 = jnp.zeros((DROWS, 128), jnp.float32)
    iota8 = jnp.broadcast_to(jnp.arange(DROWS, dtype=jnp.int32), (8, DROWS))

    agg, degb = _sc_aggregate(xflat, srcm, dstm, zeros80, iota8)
    degt = degb.reshape(NC, N_PAD).T
    return _tc_finish(agg, degt, W, b.reshape(1, D))

# --- scband reference (transcript-rebuilt; emitter-appended) ---
"""Pipeline reference for scband-control-gcnconv-52390011076696 (READ-ONLY COPY).

The authoritative reference and input builder live on the scoring server;
editing this copy changes nothing except your own understanding.
"""

import jax, jax.numpy as jnp
import numpy as np

N = 10000
E = 160000
D = 256

def setup_inputs(seed: int = 0) -> dict:
    key = jax.random.key(seed)
    k1, k2, k3, k4 = jax.random.split(key, 4)
    x = jax.random.normal(k1, (N, D), dtype=jnp.float32)
    edge_index = jax.random.randint(k2, (2, E), 0, N, dtype=jnp.int32)
    # GCNConv linear weight (in_channels -> out_channels, no bias in lin) + conv bias
    W = jax.random.normal(k3, (D, D), dtype=jnp.float32) * (1.0 / np.sqrt(D))
    b = jax.random.normal(k4, (D,), dtype=jnp.float32) * 0.01
    return {"x": x, "edge_index": edge_index, "W": W, "b": b}

def reference(x, edge_index, W, b):
    src = edge_index[0]
    dst = edge_index[1]
    n = x.shape[0]
    # _normalize: in-degree based asymmetric normalization
    deg = jax.ops.segment_sum(jnp.ones(dst.shape[0], dtype=x.dtype), dst, num_segments=n)
    deg_inv = jnp.where(deg == 0, jnp.zeros_like(deg), 1.0 / deg)
    edge_weight = deg_inv[dst]
    # GCNConv with add_self_loops=False, normalize=False:
    # h = x @ W; messages = edge_weight * h[src]; aggregate sum at dst; add bias
    h = x @ W
    msg = h[src] * edge_weight[:, None]
    out = jax.ops.segment_sum(msg, dst, num_segments=n)
    return out + b

if __name__ == "__main__":
    import jax
    _d = setup_inputs()
    print(jax.jit(kernel)(*tuple(_d.values())))

</pallas_src>

<mosaic_0001>
#map = affine_map<(d0, d1) -> (0, 0)>
#map1 = affine_map<(d0, d1) -> (0, 0, 0)>
module attributes {stable_mosaic.version = 14 : i64} {
  func.func @sc_kernel(%arg0: i32, %arg1: i32, %arg2: memref<20000x128xf32, #tpu.memory_space<hbm>>, %arg3: memref<4096x80xi32, #tpu.memory_space<hbm>>, %arg4: memref<2048x80xi32, #tpu.memory_space<hbm>>, %arg5: memref<80x128xf32, #tpu.memory_space<hbm>>, %arg6: memref<8x80xi32, #tpu.memory_space<hbm>>, %arg7: memref<10240x256xf32, #tpu.memory_space<hbm>>, %arg8: memref<2x80x128xf32, #tpu.memory_space<hbm>>, %arg9: memref<10240x128xf32, #tpu.memory_space<vmem_shared>>, %arg10: memref<80x128xf32, #tpu.memory_space<vmem_shared>>, %arg11: memref<16x80xi32, #tpu.memory_space<vmem>>, %arg12: memref<16x80xi32, #tpu.memory_space<vmem>>, %arg13: memref<80x128xf32, #tpu.memory_space<vmem>>, %arg14: memref<80x128xf32, #tpu.memory_space<vmem>>, %arg15: memref<80x128xf32, #tpu.memory_space<vmem>>, %arg16: memref<8x80xi32, #tpu.memory_space<vmem>>, %arg17: memref<!tpu.dma_semaphore, #tpu.memory_space<semaphore_mem>>, %arg18: memref<!tpu.dma_semaphore, #tpu.memory_space<semaphore_mem>>, %arg19: memref<!tpu.dma_semaphore, #tpu.memory_space<semaphore_mem>>, %arg20: memref<!tpu.dma_semaphore, #tpu.memory_space<semaphore_mem>>) attributes {dimension_semantics = [#tpu.dimension_semantics<core_parallel>, #tpu.dimension_semantics<subcore_parallel>], iteration_bounds = array<i64: 2, 16>, scalar_prefetch = 0 : i64, scratch_operands = 12 : i64, tpu.core_type = #tpu.core_type<sc_vector_subcore>, window_params = [{transform_indices = #map}, {transform_indices = #map}, {transform_indices = #map}, {transform_indices = #map}, {transform_indices = #map}, {transform_indices = #map}, {transform_indices = #map1}]} {
    %mul3A = arith.constant 640 : i32
    %mul3A_0 = arith.muli %arg1, %mul3A : i32
    "tpu.region"() ({
      %run_scoped3A_249 = tpu.sem_alloc : memref<!tpu.dma_semaphore, #tpu.memory_space<semaphore_mem>>
      tpu.enqueue_dma source(%arg5 : memref<80x128xf32, #tpu.memory_space<hbm>>) target(%arg15 : memref<80x128xf32, #tpu.memory_space<vmem>>) target_semaphore(%run_scoped3A_249 : memref<!tpu.dma_semaphore, #tpu.memory_space<semaphore_mem>>)
      tpu.wait_dma2 semaphore(%run_scoped3A_249 : memref<!tpu.dma_semaphore, #tpu.memory_space<semaphore_mem>>) src(%arg5 : memref<80x128xf32, #tpu.memory_space<hbm>>) dst(%arg15 : memref<80x128xf32, #tpu.memory_space<vmem>>)
      tpu.yield
    }) : () -> ()
    "tpu.region"() ({
      %run_scoped3A_249 = tpu.sem_alloc : memref<!tpu.dma_semaphore, #tpu.memory_space<semaphore_mem>>
      tpu.enqueue_dma source(%arg6 : memref<8x80xi32, #tpu.memory_space<hbm>>) target(%arg16 : memref<8x80xi32, #tpu.memory_space<vmem>>) target_semaphore(%run_scoped3A_249 : memref<!tpu.dma_semaphore, #tpu.memory_space<semaphore_mem>>)
      tpu.wait_dma2 semaphore(%run_scoped3A_249 : memref<!tpu.dma_semaphore, #tpu.memory_space<semaphore_mem>>) src(%arg6 : memref<8x80xi32, #tpu.memory_space<hbm>>) dst(%arg16 : memref<8x80xi32, #tpu.memory_space<vmem>>)
      tpu.yield
    }) : () -> ()
    %add3A = arith.constant 0 : i32
    %add3A_1 = arith.addi %mul3A_0, %add3A : i32
    %multiple_of3A = tpu.assume_multiple %add3A_1, 8 : i32
    %dma_start3A = arith.constant 0 : i32
    %dma_start3A_2 = tpu.memref_slice %arg9[%multiple_of3A, %dma_start3A] : memref<10240x128xf32, #tpu.memory_space<vmem_shared>> -> memref<80x128xf32, #tpu.memory_space<vmem_shared>>
    %dma_start3A_3 = arith.constant 0 : i32
    %dma_start3A_4 = tpu.memref_slice %arg9[%multiple_of3A, %dma_start3A_3] : memref<10240x128xf32, #tpu.memory_space<vmem_shared>> -> memref<80x128xf32, #tpu.memory_space<vmem_shared>>
    tpu.enqueue_dma source(%arg15 : memref<80x128xf32, #tpu.memory_space<vmem>>) target(%dma_start3A_4 : memref<80x128xf32, #tpu.memory_space<vmem_shared>>) target_semaphore(%arg17 : memref<!tpu.dma_semaphore, #tpu.memory_space<semaphore_mem>>)
    %add3A_5 = arith.constant 80 : i32
    %add3A_6 = arith.addi %mul3A_0, %add3A_5 : i32
    %multiple_of3A_7 = tpu.assume_multiple %add3A_6, 8 : i32
    %dma_start3A_8 = arith.constant 0 : i32
    %dma_start3A_9 = tpu.memref_slice %arg9[%multiple_of3A_7, %dma_start3A_8] : memref<10240x128xf32, #tpu.memory_space<vmem_shared>> -> memref<80x128xf32, #tpu.memory_space<vmem_shared>>
    %dma_start3A_10 = arith.constant 0 : i32
    %dma_start3A_11 = tpu.memref_slice %arg9[%multiple_of3A_7, %dma_start3A_10] : memref<10240x128xf32, #tpu.memory_space<vmem_shared>> -> memref<80x128xf32, #tpu.memory_space<vmem_shared>>
    tpu.enqueue_dma source(%arg15 : memref<80x128xf32, #tpu.memory_space<vmem>>) target(%dma_start3A_11 : memref<80x128xf32, #tpu.memory_space<vmem_shared>>) target_semaphore(%arg18 : memref<!tpu.dma_semaphore, #tpu.memory_space<semaphore_mem>>)
    %add3A_12 = arith.constant 160 : i32
    %add3A_13 = arith.addi %mul3A_0, %add3A_12 : i32
    %multiple_of3A_14 = tpu.assume_multiple %add3A_13, 8 : i32
    %dma_start3A_15 = arith.constant 0 : i32
    %dma_start3A_16 = tpu.memref_slice %arg9[%multiple_of3A_14, %dma_start3A_15] : memref<10240x128xf32, #tpu.memory_space<vmem_shared>> -> memref<80x128xf32, #tpu.memory_space<vmem_shared>>
    %dma_start3A_17 = arith.constant 0 : i32
    %dma_start3A_18 = tpu.memref_slice %arg9[%multiple_of3A_14, %dma_start3A_17] : memref<10240x128xf32, #tpu.memory_space<vmem_shared>> -> memref<80x128xf32, #tpu.memory_space<vmem_shared>>
    tpu.enqueue_dma source(%arg15 : memref<80x128xf32, #tpu.memory_space<vmem>>) target(%dma_start3A_18 : memref<80x128xf32, #tpu.memory_space<vmem_shared>>) target_semaphore(%arg17 : memref<!tpu.dma_semaphore, #tpu.memory_space<semaphore_mem>>)
    %add3A_19 = arith.constant 240 : i32
    %add3A_20 = arith.addi %mul3A_0, %add3A_19 : i32
    %multiple_of3A_21 = tpu.assume_multiple %add3A_20, 8 : i32
    %dma_start3A_22 = arith.constant 0 : i32
    %dma_start3A_23 = tpu.memref_slice %arg9[%multiple_of3A_21, %dma_start3A_22] : memref<10240x128xf32, #tpu.memory_space<vmem_shared>> -> memref<80x128xf32, #tpu.memory_space<vmem_shared>>
    %dma_start3A_24 = arith.constant 0 : i32
    %dma_start3A_25 = tpu.memref_slice %arg9[%multiple_of3A_21, %dma_start3A_24] : memref<10240x128xf32, #tpu.memory_space<vmem_shared>> -> memref<80x128xf32, #tpu.memory_space<vmem_shared>>
    tpu.enqueue_dma source(%arg15 : memref<80x128xf32, #tpu.memory_space<vmem>>) target(%dma_start3A_25 : memref<80x128xf32, #tpu.memory_space<vmem_shared>>) target_semaphore(%arg18 : memref<!tpu.dma_semaphore, #tpu.memory_space<semaphore_mem>>)
    %add3A_26 = arith.constant 320 : i32
    %add3A_27 = arith.addi %mul3A_0, %add3A_26 : i32
    %multiple_of3A_28 = tpu.assume_multiple %add3A_27, 8 : i32
    %dma_start3A_29 = arith.constant 0 : i32
    %dma_start3A_30 = tpu.memref_slice %arg9[%multiple_of3A_28, %dma_start3A_29] : memref<10240x128xf32, #tpu.memory_space<vmem_shared>> -> memref<80x128xf32, #tpu.memory_space<vmem_shared>>
    %dma_start3A_31 = arith.constant 0 : i32
    %dma_start3A_32 = tpu.memref_slice %arg9[%multiple_of3A_28, %dma_start3A_31] : memref<10240x128xf32, #tpu.memory_space<vmem_shared>> -> memref<80x128xf32, #tpu.memory_space<vmem_shared>>
    tpu.enqueue_dma source(%arg15 : memref<80x128xf32, #tpu.memory_space<vmem>>) target(%dma_start3A_32 : memref<80x128xf32, #tpu.memory_space<vmem_shared>>) target_semaphore(%arg17 : memref<!tpu.dma_semaphore, #tpu.memory_space<semaphore_mem>>)
    %add3A_33 = arith.constant 400 : i32
    %add3A_34 = arith.addi %mul3A_0, %add3A_33 : i32
    %multiple_of3A_35 = tpu.assume_multiple %add3A_34, 8 : i32
    %dma_start3A_36 = arith.constant 0 : i32
    %dma_start3A_37 = tpu.memref_slice %arg9[%multiple_of3A_35, %dma_start3A_36] : memref<10240x128xf32, #tpu.memory_space<vmem_shared>> -> memref<80x128xf32, #tpu.memory_space<vmem_shared>>
    %dma_start3A_38 = arith.constant 0 : i32
    %dma_start3A_39 = tpu.memref_slice %arg9[%multiple_of3A_35, %dma_start3A_38] : memref<10240x128xf32, #tpu.memory_space<vmem_shared>> -> memref<80x128xf32, #tpu.memory_space<vmem_shared>>
    tpu.enqueue_dma source(%arg15 : memref<80x128xf32, #tpu.memory_space<vmem>>) target(%dma_start3A_39 : memref<80x128xf32, #tpu.memory_space<vmem_shared>>) target_semaphore(%arg18 : memref<!tpu.dma_semaphore, #tpu.memory_space<semaphore_mem>>)
    %add3A_40 = arith.constant 480 : i32
    %add3A_41 = arith.addi %mul3A_0, %add3A_40 : i32
    %multiple_of3A_42 = tpu.assume_multiple %add3A_41, 8 : i32
    %dma_start3A_43 = arith.constant 0 : i32
    %dma_start3A_44 = tpu.memref_slice %arg9[%multiple_of3A_42, %dma_start3A_43] : memref<10240x128xf32, #tpu.memory_space<vmem_shared>> -> memref<80x128xf32, #tpu.memory_space<vmem_shared>>
    %dma_start3A_45 = arith.constant 0 : i32
    %dma_start3A_46 = tpu.memref_slice %arg9[%multiple_of3A_42, %dma_start3A_45] : memref<10240x128xf32, #tpu.memory_space<vmem_shared>> -> memref<80x128xf32, #tpu.memory_space<vmem_shared>>
    tpu.enqueue_dma source(%arg15 : memref<80x128xf32, #tpu.memory_space<vmem>>) target(%dma_start3A_46 : memref<80x128xf32, #tpu.memory_space<vmem_shared>>) target_semaphore(%arg17 : memref<!tpu.dma_semaphore, #tpu.memory_space<semaphore_mem>>)
    %add3A_47 = arith.constant 560 : i32
    %add3A_48 = arith.addi %mul3A_0, %add3A_47 : i32
    %multiple_of3A_49 = tpu.assume_multiple %add3A_48, 8 : i32
    %dma_start3A_50 = arith.constant 0 : i32
    %dma_start3A_51 = tpu.memref_slice %arg9[%multiple_of3A_49, %dma_start3A_50] : memref<10240x128xf32, #tpu.memory_space<vmem_shared>> -> memref<80x128xf32, #tpu.memory_space<vmem_shared>>
    %dma_start3A_52 = arith.constant 0 : i32
    %dma_start3A_53 = tpu.memref_slice %arg9[%multiple_of3A_49, %dma_start3A_52] : memref<10240x128xf32, #tpu.memory_space<vmem_shared>> -> memref<80x128xf32, #tpu.memory_space<vmem_shared>>
    tpu.enqueue_dma source(%arg15 : memref<80x128xf32, #tpu.memory_space<vmem>>) target(%dma_start3A_53 : memref<80x128xf32, #tpu.memory_space<vmem_shared>>) target_semaphore(%arg18 : memref<!tpu.dma_semaphore, #tpu.memory_space<semaphore_mem>>)
    %dma_wait3A = arith.constant 0 : i32
    %dma_wait3A_54 = tpu.memref_slice %arg9[%multiple_of3A, %dma_wait3A] : memref<10240x128xf32, #tpu.memory_space<vmem_shared>> -> memref<80x128xf32, #tpu.memory_space<vmem_shared>>
    %dma_wait3A_55 = arith.constant 0 : i32
    %dma_wait3A_56 = tpu.memref_slice %arg9[%multiple_of3A, %dma_wait3A_55] : memref<10240x128xf32, #tpu.memory_space<vmem_shared>> -> memref<80x128xf32, #tpu.memory_space<vmem_shared>>
    tpu.wait_dma2 semaphore(%arg17 : memref<!tpu.dma_semaphore, #tpu.memory_space<semaphore_mem>>) src(%arg15 : memref<80x128xf32, #tpu.memory_space<vmem>>) dst(%dma_wait3A_56 : memref<80x128xf32, #tpu.memory_space<vmem_shared>>)
    %dma_wait3A_57 = arith.constant 0 : i32
    %dma_wait3A_58 = tpu.memref_slice %arg9[%multiple_of3A_7, %dma_wait3A_57] : memref<10240x128xf32, #tpu.memory_space<vmem_shared>> -> memref<80x128xf32, #tpu.memory_space<vmem_shared>>
    %dma_wait3A_59 = arith.constant 0 : i32
    %dma_wait3A_60 = tpu.memref_slice %arg9[%multiple_of3A_7, %dma_wait3A_59] : memref<10240x128xf32, #tpu.memory_space<vmem_shared>> -> memref<80x128xf32, #tpu.memory_space<vmem_shared>>
    tpu.wait_dma2 semaphore(%arg18 : memref<!tpu.dma_semaphore, #tpu.memory_space<semaphore_mem>>) src(%arg15 : memref<80x128xf32, #tpu.memory_space<vmem>>) dst(%dma_wait3A_60 : memref<80x128xf32, #tpu.memory_space<vmem_shared>>)
    %dma_wait3A_61 = arith.constant 0 : i32
    %dma_wait3A_62 = tpu.memref_slice %arg9[%multiple_of3A_14, %dma_wait3A_61] : memref<10240x128xf32, #tpu.memory_space<vmem_shared>> -> memref<80x128xf32, #tpu.memory_space<vmem_shared>>
    %dma_wait3A_63 = arith.constant 0 : i32
    %dma_wait3A_64 = tpu.memref_slice %arg9[%multiple_of3A_14, %dma_wait3A_63] : memref<10240x128xf32, #tpu.memory_space<vmem_shared>> -> memref<80x128xf32, #tpu.memory_space<vmem_shared>>
    tpu.wait_dma2 semaphore(%arg17 : memref<!tpu.dma_semaphore, #tpu.memory_space<semaphore_mem>>) src(%arg15 : memref<80x128xf32, #tpu.memory_space<vmem>>) dst(%dma_wait3A_64 : memref<80x128xf32, #tpu.memory_space<vmem_shared>>)
    %dma_wait3A_65 = arith.constant 0 : i32
    %dma_wait3A_66 = tpu.memref_slice %arg9[%multiple_of3A_21, %dma_wait3A_65] : memref<10240x128xf32, #tpu.memory_space<vmem_shared>> -> memref<80x128xf32, #tpu.memory_space<vmem_shared>>
    %dma_wait3A_67 = arith.constant 0 : i32
    %dma_wait3A_68 = tpu.memref_slice %arg9[%multiple_of3A_21, %dma_wait3A_67] : memref<10240x128xf32, #tpu.memory_space<vmem_shared>> -> memref<80x128xf32, #tpu.memory_space<vmem_shared>>
    tpu.wait_dma2 semaphore(%arg18 : memref<!tpu.dma_semaphore, #tpu.memory_space<semaphore_mem>>) src(%arg15 : memref<80x128xf32, #tpu.memory_space<vmem>>) dst(%dma_wait3A_68 : memref<80x128xf32, #tpu.memory_space<vmem_shared>>)
    %dma_wait3A_69 = arith.constant 0 : i32
    %dma_wait3A_70 = tpu.memref_slice %arg9[%multiple_of3A_28, %dma_wait3A_69] : memref<10240x128xf32, #tpu.memory_space<vmem_shared>> -> memref<80x128xf32, #tpu.memory_space<vmem_shared>>
    %dma_wait3A_71 = arith.constant 0 : i32
    %dma_wait3A_72 = tpu.memref_slice %arg9[%multiple_of3A_28, %dma_wait3A_71] : memref<10240x128xf32, #tpu.memory_space<vmem_shared>> -> memref<80x128xf32, #tpu.memory_space<vmem_shared>>
    tpu.wait_dma2 semaphore(%arg17 : memref<!tpu.dma_semaphore, #tpu.memory_space<semaphore_mem>>) src(%arg15 : memref<80x128xf32, #tpu.memory_space<vmem>>) dst(%dma_wait3A_72 : memref<80x128xf32, #tpu.memory_space<vmem_shared>>)
    %dma_wait3A_73 = arith.constant 0 : i32
    %dma_wait3A_74 = tpu.memref_slice %arg9[%multiple_of3A_35, %dma_wait3A_73] : memref<10240x128xf32, #tpu.memory_space<vmem_shared>> -> memref<80x128xf32, #tpu.memory_space<vmem_shared>>
    %dma_wait3A_75 = arith.constant 0 : i32
    %dma_wait3A_76 = tpu.memref_slice %arg9[%multiple_of3A_35, %dma_wait3A_75] : memref<10240x128xf32, #tpu.memory_space<vmem_shared>> -> memref<80x128xf32, #tpu.memory_space<vmem_shared>>
    tpu.wait_dma2 semaphore(%arg18 : memref<!tpu.dma_semaphore, #tpu.memory_space<semaphore_mem>>) src(%arg15 : memref<80x128xf32, #tpu.memory_space<vmem>>) dst(%dma_wait3A_76 : memref<80x128xf32, #tpu.memory_space<vmem_shared>>)
    %dma_wait3A_77 = arith.constant 0 : i32
    %dma_wait3A_78 = tpu.memref_slice %arg9[%multiple_of3A_42, %dma_wait3A_77] : memref<10240x128xf32, #tpu.memory_space<vmem_shared>> -> memref<80x128xf32, #tpu.memory_space<vmem_shared>>
    %dma_wait3A_79 = arith.constant 0 : i32
    %dma_wait3A_80 = tpu.memref_slice %arg9[%multiple_of3A_42, %dma_wait3A_79] : memref<10240x128xf32, #tpu.memory_space<vmem_shared>> -> memref<80x128xf32, #tpu.memory_space<vmem_shared>>
    tpu.wait_dma2 semaphore(%arg17 : memref<!tpu.dma_semaphore, #tpu.memory_space<semaphore_mem>>) src(%arg15 : memref<80x128xf32, #tpu.memory_space<vmem>>) dst(%dma_wait3A_80 : memref<80x128xf32, #tpu.memory_space<vmem_shared>>)
    %dma_wait3A_81 = arith.constant 0 : i32
    %dma_wait3A_82 = tpu.memref_slice %arg9[%multiple_of3A_49, %dma_wait3A_81] : memref<10240x128xf32, #tpu.memory_space<vmem_shared>> -> memref<80x128xf32, #tpu.memory_space<vmem_shared>>
    %dma_wait3A_83 = arith.constant 0 : i32
    %dma_wait3A_84 = tpu.memref_slice %arg9[%multiple_of3A_49, %dma_wait3A_83] : memref<10240x128xf32, #tpu.memory_space<vmem_shared>> -> memref<80x128xf32, #tpu.memory_space<vmem_shared>>
    tpu.wait_dma2 semaphore(%arg18 : memref<!tpu.dma_semaphore, #tpu.memory_space<semaphore_mem>>) src(%arg15 : memref<80x128xf32, #tpu.memory_space<vmem>>) dst(%dma_wait3A_84 : memref<80x128xf32, #tpu.memory_space<vmem_shared>>)
    %lt3A = arith.constant 10 : i32
    %lt3A_85 = arith.cmpi slt, %arg1, %lt3A : i32
    %convert_element_type3A = arith.extui %lt3A_85 : i1 to i32
    %cond3A = arith.constant 0 : i32
    %cond3A_86 = arith.cmpi ne, %convert_element_type3A, %cond3A : i32
    scf.if %cond3A_86 {
      %mul3A_249 = arith.constant 8 : i32
      %mul3A_250 = arith.muli %arg1, %mul3A_249 : i32
      %multiple_of3A_251 = tpu.assume_multiple %mul3A_250, 8 : i32
      "tpu.region"() ({
        %run_scoped3A_252 = tpu.sem_alloc : memref<!tpu.dma_semaphore, #tpu.memory_space<semaphore_mem>>
        %dma_start3A_253 = arith.constant 0 : i32
        %dma_start3A_254 = arith.constant 0 : i32
        %dma_start3A_255 = tpu.memref_slice %arg15[%dma_start3A_253, %dma_start3A_254] : memref<80x128xf32, #tpu.memory_space<vmem>> -> memref<8x128xf32, #tpu.memory_space<vmem>>
        %dma_start3A_256 = arith.constant 0 : i32
        %dma_start3A_257 = tpu.memref_slice %arg10[%multiple_of3A_251, %dma_start3A_256] : memref<80x128xf32, #tpu.memory_space<vmem_shared>> -> memref<8x128xf32, #tpu.memory_space<vmem_shared>>
        %dma_start3A_258 = arith.constant 0 : i32
        %dma_start3A_259 = tpu.memref_slice %arg10[%multiple_of3A_251, %dma_start3A_258] : memref<80x128xf32, #tpu.memory_space<vmem_shared>> -> memref<8x128xf32, #tpu.memory_space<vmem_shared>>
        %dma_start3A_260 = arith.constant 0 : i32
        %dma_start3A_261 = arith.constant 0 : i32
        %dma_start3A_262 = tpu.memref_slice %arg15[%dma_start3A_260, %dma_start3A_261] : memref<80x128xf32, #tpu.memory_space<vmem>> -> memref<8x128xf32, #tpu.memory_space<vmem>>
        tpu.enqueue_dma source(%dma_start3A_262 : memref<8x128xf32, #tpu.memory_space<vmem>>) target(%dma_start3A_259 : memref<8x128xf32, #tpu.memory_space<vmem_shared>>) target_semaphore(%run_scoped3A_252 : memref<!tpu.dma_semaphore, #tpu.memory_space<semaphore_mem>>)
        %dma_wait3A_263 = arith.constant 0 : i32
        %dma_wait3A_264 = arith.constant 0 : i32
        %dma_wait3A_265 = tpu.memref_slice %arg15[%dma_wait3A_263, %dma_wait3A_264] : memref<80x128xf32, #tpu.memory_space<vmem>> -> memref<8x128xf32, #tpu.memory_space<vmem>>
        %dma_wait3A_266 = arith.constant 0 : i32
        %dma_wait3A_267 = tpu.memref_slice %arg10[%multiple_of3A_251, %dma_wait3A_266] : memref<80x128xf32, #tpu.memory_space<vmem_shared>> -> memref<8x128xf32, #tpu.memory_space<vmem_shared>>
        %dma_wait3A_268 = arith.constant 0 : i32
        %dma_wait3A_269 = tpu.memref_slice %arg10[%multiple_of3A_251, %dma_wait3A_268] : memref<80x128xf32, #tpu.memory_space<vmem_shared>> -> memref<8x128xf32, #tpu.memory_space<vmem_shared>>
        %dma_wait3A_270 = arith.constant 0 : i32
        %dma_wait3A_271 = arith.constant 0 : i32
        %dma_wait3A_272 = tpu.memref_slice %arg15[%dma_wait3A_270, %dma_wait3A_271] : memref<80x128xf32, #tpu.memory_space<vmem>> -> memref<8x128xf32, #tpu.memory_space<vmem>>
        tpu.wait_dma2 semaphore(%run_scoped3A_252 : memref<!tpu.dma_semaphore, #tpu.memory_space<semaphore_mem>>) src(%dma_wait3A_272 : memref<8x128xf32, #tpu.memory_space<vmem>>) dst(%dma_wait3A_269 : memref<8x128xf32, #tpu.memory_space<vmem_shared>>)
        tpu.yield
      }) : () -> ()
    } else {
    }
    %barrier3A = arith.constant 0 : index
    tpu.barrier barrier_id(%barrier3A)
    %mul3A_87 = arith.constant 2048 : i32
    %mul3A_88 = arith.muli %arg0, %mul3A_87 : i32
    %mul3A_89 = arith.constant 128 : i32
    %mul3A_90 = arith.muli %arg1, %mul3A_89 : i32
    %add3A_91 = arith.addi %mul3A_88, %mul3A_90 : i32
    %mul3A_92 = arith.constant 128 : i32
    %mul3A_93 = arith.muli %arg1, %mul3A_92 : i32
    %broadcast_in_dim3A = arith.constant 1.000000e+00 : f32
    %broadcast_in_dim3A_94 = vector.broadcast %broadcast_in_dim3A : f32 to vector<16xf32>
    %scan3A = arith.constant 0 : i32
    %scan3A_95 = arith.constant 8 : i32
    %scan3A_96 = arith.addi %scan3A, %scan3A_95 : i32
    %scan3A_97 = arith.constant 1 : i32
    scf.for %scan3A_249 = %scan3A to %scan3A_96 step %scan3A_97  : i32 {
      %mul3A_250 = arith.constant 1 : i32
      %mul3A_251 = arith.muli %scan3A_249, %mul3A_250 : i32
      %add3A_252 = arith.constant 0 : i32
      %add3A_253 = arith.addi %add3A_252, %mul3A_251 : i32
      %mul3A_254 = arith.constant 16 : i32
      %mul3A_255 = arith.muli %add3A_253, %mul3A_254 : i32
      %add3A_256 = arith.addi %add3A_91, %mul3A_255 : i32
      %multiple_of3A_257 = tpu.assume_multiple %add3A_256, 8 : i32
      %mul3A_258 = arith.constant 16 : i32
      %mul3A_259 = arith.muli %add3A_253, %mul3A_258 : i32
      %add3A_260 = arith.addi %mul3A_93, %mul3A_259 : i32
      %multiple_of3A_261 = tpu.assume_multiple %add3A_260, 8 : i32
      "tpu.region"() ({
        %run_scoped3A_789 = tpu.sem_alloc : memref<!tpu.dma_semaphore, #tpu.memory_space<semaphore_mem>>
        %dma_start3A_790 = arith.constant 0 : i32
        %dma_start3A_791 = tpu.memref_slice %arg3[%multiple_of3A_257, %dma_start3A_790] : memref<4096x80xi32, #tpu.memory_space<hbm>> -> memref<16x80xi32, #tpu.memory_space<hbm>>
        %dma_start3A_792 = arith.constant 0 : i32
        %dma_start3A_793 = tpu.memref_slice %arg3[%multiple_of3A_257, %dma_start3A_792] : memref<4096x80xi32, #tpu.memory_space<hbm>> -> memref<16x80xi32, #tpu.memory_space<hbm>>
        tpu.enqueue_dma source(%dma_start3A_793 : memref<16x80xi32, #tpu.memory_space<hbm>>) target(%arg11 : memref<16x80xi32, #tpu.memory_space<vmem>>) target_semaphore(%run_scoped3A_789 : memref<!tpu.dma_semaphore, #tpu.memory_space<semaphore_mem>>)
        %dma_wait3A_794 = arith.constant 0 : i32
        %dma_wait3A_795 = tpu.memref_slice %arg3[%multiple_of3A_257, %dma_wait3A_794] : memref<4096x80xi32, #tpu.memory_space<hbm>> -> memref<16x80xi32, #tpu.memory_space<hbm>>
        %dma_wait3A_796 = arith.constant 0 : i32
        %dma_wait3A_797 = tpu.memref_slice %arg3[%multiple_of3A_257, %dma_wait3A_796] : memref<4096x80xi32, #tpu.memory_space<hbm>> -> memref<16x80xi32, #tpu.memory_space<hbm>>
        tpu.wait_dma2 semaphore(%run_scoped3A_789 : memref<!tpu.dma_semaphore, #tpu.memory_space<semaphore_mem>>) src(%dma_wait3A_797 : memref<16x80xi32, #tpu.memory_space<hbm>>) dst(%arg11 : memref<16x80xi32, #tpu.memory_space<vmem>>)
        tpu.yield
      }) : () -> ()
      "tpu.region"() ({
        %run_scoped3A_789 = tpu.sem_alloc : memref<!tpu.dma_semaphore, #tpu.memory_space<semaphore_mem>>
        %dma_start3A_790 = arith.constant 0 : i32
        %dma_start3A_791 = tpu.memref_slice %arg4[%multiple_of3A_261, %dma_start3A_790] : memref<2048x80xi32, #tpu.memory_space<hbm>> -> memref<16x80xi32, #tpu.memory_space<hbm>>
        %dma_start3A_792 = arith.constant 0 : i32
        %dma_start3A_793 = tpu.memref_slice %arg4[%multiple_of3A_261, %dma_start3A_792] : memref<2048x80xi32, #tpu.memory_space<hbm>> -> memref<16x80xi32, #tpu.memory_space<hbm>>
        tpu.enqueue_dma source(%dma_start3A_793 : memref<16x80xi32, #tpu.memory_space<hbm>>) target(%arg12 : memref<16x80xi32, #tpu.memory_space<vmem>>) target_semaphore(%run_scoped3A_789 : memref<!tpu.dma_semaphore, #tpu.memory_space<semaphore_mem>>)
        %dma_wait3A_794 = arith.constant 0 : i32
        %dma_wait3A_795 = tpu.memref_slice %arg4[%multiple_of3A_261, %dma_wait3A_794] : memref<2048x80xi32, #tpu.memory_space<hbm>> -> memref<16x80xi32, #tpu.memory_space<hbm>>
        %dma_wait3A_796 = arith.constant 0 : i32
        %dma_wait3A_797 = tpu.memref_slice %arg4[%multiple_of3A_261, %dma_wait3A_796] : memref<2048x80xi32, #tpu.memory_space<hbm>> -> memref<16x80xi32, #tpu.memory_space<hbm>>
        tpu.wait_dma2 semaphore(%run_scoped3A_789 : memref<!tpu.dma_semaphore, #tpu.memory_space<semaphore_mem>>) src(%dma_wait3A_797 : memref<16x80xi32, #tpu.memory_space<hbm>>) dst(%arg12 : memref<16x80xi32, #tpu.memory_space<vmem>>)
        tpu.yield
      }) : () -> ()
      %dma_start3A_262 = arith.constant 0 : i32
      %dma_start3A_263 = arith.constant 0 : i32
      %dma_start3A_264 = tpu.memref_slice %arg11[%dma_start3A_262, %dma_start3A_263] : memref<16x80xi32, #tpu.memory_space<vmem>> -> memref<1x80xi32, #tpu.memory_space<vmem>>
      %dma_start3A_265 = tpu.memref_squeeze %dma_start3A_264 : memref<1x80xi32, #tpu.memory_space<vmem>> -> memref<80xi32, #tpu.memory_space<vmem>>
      %dma_start3A_266 = arith.constant 0 : i32
      %dma_start3A_267 = arith.constant 0 : i32
      %dma_start3A_268 = tpu.memref_slice %arg2[%dma_start3A_266, %dma_start3A_267] : memref<20000x128xf32, #tpu.memory_space<hbm>> -> memref<20000x128xf32, #tpu.memory_space<hbm>>
      tpu.enqueue_indirect_dma source(%dma_start3A_268 : memref<20000x128xf32, #tpu.memory_space<hbm>>) target(%arg13 : memref<80x128xf32, #tpu.memory_space<vmem>>) offsets(%dma_start3A_265 : memref<80xi32, #tpu.memory_space<vmem>>) semaphore(%arg17 : memref<!tpu.dma_semaphore, #tpu.memory_space<semaphore_mem>>)
      %dma_wait3A_269 = arith.constant 0 : i32
      %dma_wait3A_270 = arith.constant 0 : i32
      %dma_wait3A_271 = tpu.memref_slice %arg11[%dma_wait3A_269, %dma_wait3A_270] : memref<16x80xi32, #tpu.memory_space<vmem>> -> memref<1x80xi32, #tpu.memory_space<vmem>>
      %dma_wait3A_272 = tpu.memref_squeeze %dma_wait3A_271 : memref<1x80xi32, #tpu.memory_space<vmem>> -> memref<80xi32, #tpu.memory_space<vmem>>
      %dma_wait3A_273 = arith.constant 0 : i32
      %dma_wait3A_274 = arith.constant 0 : i32
      %dma_wait3A_275 = tpu.memref_slice %arg2[%dma_wait3A_273, %dma_wait3A_274] : memref<20000x128xf32, #tpu.memory_space<hbm>> -> memref<20000x128xf32, #tpu.memory_space<hbm>>
      tpu.wait_indirect_dma semaphore(%arg17 : memref<!tpu.dma_semaphore, #tpu.memory_space<semaphore_mem>>) src(%dma_wait3A_275 : memref<20000x128xf32, #tpu.memory_space<hbm>>) dst(%arg13 : memref<80x128xf32, #tpu.memory_space<vmem>>)
      %dma_start3A_276 = arith.constant 0 : i32
      %dma_start3A_277 = arith.constant 0 : i32
      %dma_start3A_278 = tpu.memref_slice %arg12[%dma_start3A_276, %dma_start3A_277] : memref<16x80xi32, #tpu.memory_space<vmem>> -> memref<1x80xi32, #tpu.memory_space<vmem>>
      %dma_start3A_279 = tpu.memref_squeeze %dma_start3A_278 : memref<1x80xi32, #tpu.memory_space<vmem>> -> memref<80xi32, #tpu.memory_space<vmem>>
      %dma_start3A_280 = arith.constant 0 : i32
      %dma_start3A_281 = arith.constant 0 : i32
      %dma_start3A_282 = tpu.memref_slice %arg9[%dma_start3A_280, %dma_start3A_281] : memref<10240x128xf32, #tpu.memory_space<vmem_shared>> -> memref<10240x128xf32, #tpu.memory_space<vmem_shared>>
      tpu.enqueue_indirect_dma source(%arg13 : memref<80x128xf32, #tpu.memory_space<vmem>>) target(%dma_start3A_282 : memref<10240x128xf32, #tpu.memory_space<vmem_shared>>) offsets(%dma_start3A_279 : memref<80xi32, #tpu.memory_space<vmem>>) semaphore(%arg19 : memref<!tpu.dma_semaphore, #tpu.memory_space<semaphore_mem>>) {add = true}
      %dma_start3A_283 = arith.constant 1 : i32
      %dma_start3A_284 = arith.constant 0 : i32
      %dma_start3A_285 = tpu.memref_slice %arg11[%dma_start3A_283, %dma_start3A_284] : memref<16x80xi32, #tpu.memory_space<vmem>> -> memref<1x80xi32, #tpu.memory_space<vmem>>
      %dma_start3A_286 = tpu.memref_squeeze %dma_start3A_285 : memref<1x80xi32, #tpu.memory_space<vmem>> -> memref<80xi32, #tpu.memory_space<vmem>>
      %dma_start3A_287 = arith.constant 0 : i32
      %dma_start3A_288 = arith.constant 0 : i32
      %dma_start3A_289 = tpu.memref_slice %arg2[%dma_start3A_287, %dma_start3A_288] : memref<20000x128xf32, #tpu.memory_space<hbm>> -> memref<20000x128xf32, #tpu.memory_space<hbm>>
      tpu.enqueue_indirect_dma source(%dma_start3A_289 : memref<20000x128xf32, #tpu.memory_space<hbm>>) target(%arg14 : memref<80x128xf32, #tpu.memory_space<vmem>>) offsets(%dma_start3A_286 : memref<80xi32, #tpu.memory_space<vmem>>) semaphore(%arg18 : memref<!tpu.dma_semaphore, #tpu.memory_space<semaphore_mem>>)
      %eq3A = arith.constant 0 : i32
      %eq3A_290 = arith.cmpi eq, %arg0, %eq3A : i32
      %convert_element_type3A_291 = arith.extui %eq3A_290 : i1 to i32
      %cond3A_292 = arith.constant 0 : i32
      %cond3A_293 = arith.cmpi ne, %convert_element_type3A_291, %cond3A_292 : i32
      scf.if %cond3A_293 {
        %get3A = arith.constant 0 : i32
        %get3A_789 = arith.index_cast %get3A : i32 to index
        %get3A_790 = arith.constant 0 : index
        %get3A_791 = tpu.vector_load %arg12[%get3A_789, %get3A_790] {strides = array<i32>} : memref<16x80xi32, #tpu.memory_space<vmem>>, vector<16xi32>,
        %shift_right_logical3A = arith.constant 7 : i32
        %shift_right_logical3A_792 = vector.broadcast %shift_right_logical3A : i32 to vector<16xi32>
        %shift_right_logical3A_793 = arith.shrui %get3A_791, %shift_right_logical3A_792 : vector<16xi32>
        %and3A = arith.constant 127 : i32
        %and3A_794 = vector.broadcast %and3A : i32 to vector<16xi32>
        %and3A_795 = arith.andi %get3A_791, %and3A_794 : vector<16xi32>
        tpu.vector_store_idx %arg15[%shift_right_logical3A_793, %and3A_795], %broadcast_in_dim3A_94 {add = true} : memref<80x128xf32, #tpu.memory_space<vmem>>[vector<16xi32>, vector<16xi32>], vector<16xf32>,
        %get3A_796 = arith.constant 0 : i32
        %get3A_797 = arith.index_cast %get3A_796 : i32 to index
        %get3A_798 = arith.constant 16 : index
        %get3A_799 = tpu.vector_load %arg12[%get3A_797, %get3A_798] {strides = array<i32>} : memref<16x80xi32, #tpu.memory_space<vmem>>, vector<16xi32>,
        %shift_right_logical3A_800 = arith.constant 7 : i32
        %shift_right_logical3A_801 = vector.broadcast %shift_right_logical3A_800 : i32 to vector<16xi32>
        %shift_right_logical3A_802 = arith.shrui %get3A_799, %shift_right_logical3A_801 : vector<16xi32>
        %and3A_803 = arith.constant 127 : i32
        %and3A_804 = vector.broadcast %and3A_803 : i32 to vector<16xi32>
        %and3A_805 = arith.andi %get3A_799, %and3A_804 : vector<16xi32>
        tpu.vector_store_idx %arg15[%shift_right_logical3A_802, %and3A_805], %broadcast_in_dim3A_94 {add = true} : memref<80x128xf32, #tpu.memory_space<vmem>>[vector<16xi32>, vector<16xi32>], vector<16xf32>,
        %get3A_806 = arith.constant 0 : i32
        %get3A_807 = arith.index_cast %get3A_806 : i32 to index
        %get3A_808 = arith.constant 32 : index
        %get3A_809 = tpu.vector_load %arg12[%get3A_807, %get3A_808] {strides = array<i32>} : memref<16x80xi32, #tpu.memory_space<vmem>>, vector<16xi32>,
        %shift_right_logical3A_810 = arith.constant 7 : i32
        %shift_right_logical3A_811 = vector.broadcast %shift_right_logical3A_810 : i32 to vector<16xi32>
        %shift_right_logical3A_812 = arith.shrui %get3A_809, %shift_right_logical3A_811 : vector<16xi32>
        %and3A_813 = arith.constant 127 : i32
        %and3A_814 = vector.broadcast %and3A_813 : i32 to vector<16xi32>
        %and3A_815 = arith.andi %get3A_809, %and3A_814 : vector<16xi32>
        tpu.vector_store_idx %arg15[%shift_right_logical3A_812, %and3A_815], %broadcast_in_dim3A_94 {add = true} : memref<80x128xf32, #tpu.memory_space<vmem>>[vector<16xi32>, vector<16xi32>], vector<16xf32>,
        %get3A_816 = arith.constant 0 : i32
        %get3A_817 = arith.index_cast %get3A_816 : i32 to index
        %get3A_818 = arith.constant 48 : index
        %get3A_819 = tpu.vector_load %arg12[%get3A_817, %get3A_818] {strides = array<i32>} : memref<16x80xi32, #tpu.memory_space<vmem>>, vector<16xi32>,
        %shift_right_logical3A_820 = arith.constant 7 : i32
        %shift_right_logical3A_821 = vector.broadcast %shift_right_logical3A_820 : i32 to vector<16xi32>
        %shift_right_logical3A_822 = arith.shrui %get3A_819, %shift_right_logical3A_821 : vector<16xi32>
        %and3A_823 = arith.constant 127 : i32
        %and3A_824 = vector.broadcast %and3A_823 : i32 to vector<16xi32>
        %and3A_825 = arith.andi %get3A_819, %and3A_824 : vector<16xi32>
        tpu.vector_store_idx %arg15[%shift_right_logical3A_822, %and3A_825], %broadcast_in_dim3A_94 {add = true} : memref<80x128xf32, #tpu.memory_space<vmem>>[vector<16xi32>, vector<16xi32>], vector<16xf32>,
        %get3A_826 = arith.constant 0 : i32
        %get3A_827 = arith.index_cast %get3A_826 : i32 to index
        %get3A_828 = arith.constant 64 : index
        %get3A_829 = tpu.vector_load %arg12[%get3A_827, %get3A_828] {strides = array<i32>} : memref<16x80xi32, #tpu.memory_space<vmem>>, vector<16xi32>,
        %shift_right_logical3A_830 = arith.constant 7 : i32
        %shift_right_logical3A_831 = vector.broadcast %shift_right_logical3A_830 : i32 to vector<16xi32>
        %shift_right_logical3A_832 = arith.shrui %get3A_829, %shift_right_logical3A_831 : vector<16xi32>
        %and3A_833 = arith.constant 127 : i32
        %and3A_834 = vector.broadcast %and3A_833 : i32 to vector<16xi32>
        %and3A_835 = arith.andi %get3A_829, %and3A_834 : vector<16xi32>
        tpu.vector_store_idx %arg15[%shift_right_logical3A_832, %and3A_835], %broadcast_in_dim3A_94 {add = true} : memref<80x128xf32, #tpu.memory_space<vmem>>[vector<16xi32>, vector<16xi32>], vector<16xf32>,
      } else {
      }
      %dma_wait3A_294 = arith.constant 1 : i32
      %dma_wait3A_295 = arith.constant 0 : i32
      %dma_wait3A_296 = tpu.memref_slice %arg11[%dma_wait3A_294, %dma_wait3A_295] : memref<16x80xi32, #tpu.memory_space<vmem>> -> memref<1x80xi32, #tpu.memory_space<vmem>>
      %dma_wait3A_297 = tpu.memref_squeeze %dma_wait3A_296 : memref<1x80xi32, #tpu.memory_space<vmem>> -> memref<80xi32, #tpu.memory_space<vmem>>
      %dma_wait3A_298 = arith.constant 0 : i32
      %dma_wait3A_299 = arith.constant 0 : i32
      %dma_wait3A_300 = tpu.memref_slice %arg2[%dma_wait3A_298, %dma_wait3A_299] : memref<20000x128xf32, #tpu.memory_space<hbm>> -> memref<20000x128xf32, #tpu.memory_space<hbm>>
      tpu.wait_indirect_dma semaphore(%arg18 : memref<!tpu.dma_semaphore, #tpu.memory_space<semaphore_mem>>) src(%dma_wait3A_300 : memref<20000x128xf32, #tpu.memory_space<hbm>>) dst(%arg14 : memref<80x128xf32, #tpu.memory_space<vmem>>)
      %dma_wait3A_301 = arith.constant 0 : i32
      %dma_wait3A_302 = arith.constant 0 : i32
      %dma_wait3A_303 = tpu.memref_slice %arg12[%dma_wait3A_301, %dma_wait3A_302] : memref<16x80xi32, #tpu.memory_space<vmem>> -> memref<1x80xi32, #tpu.memory_space<vmem>>
      %dma_wait3A_304 = tpu.memref_squeeze %dma_wait3A_303 : memref<1x80xi32, #tpu.memory_space<vmem>> -> memref<80xi32, #tpu.memory_space<vmem>>
      %dma_wait3A_305 = arith.constant 0 : i32
      %dma_wait3A_306 = arith.constant 0 : i32
      %dma_wait3A_307 = tpu.memref_slice %arg9[%dma_wait3A_305, %dma_wait3A_306] : memref<10240x128xf32, #tpu.memory_space<vmem_shared>> -> memref<10240x128xf32, #tpu.memory_space<vmem_shared>>
      tpu.wait_indirect_dma semaphore(%arg19 : memref<!tpu.dma_semaphore, #tpu.memory_space<semaphore_mem>>) src(%arg13 : memref<80x128xf32, #tpu.memory_space<vmem>>) dst(%dma_wait3A_307 : memref<10240x128xf32, #tpu.memory_space<vmem_shared>>)
      %dma_start3A_308 = arith.constant 1 : i32
      %dma_start3A_309 = arith.constant 0 : i32
      %dma_start3A_310 = tpu.memref_slice %arg12[%dma_start3A_308, %dma_start3A_309] : memref<16x80xi32, #tpu.memory_space<vmem>> -> memref<1x80xi32, #tpu.memory_space<vmem>>
      %dma_start3A_311 = tpu.memref_squeeze %dma_start3A_310 : memref<1x80xi32, #tpu.memory_space<vmem>> -> memref<80xi32, #tpu.memory_space<vmem>>
      %dma_start3A_312 = arith.constant 0 : i32
      %dma_start3A_313 = arith.constant 0 : i32
      %dma_start3A_314 = tpu.memref_slice %arg9[%dma_start3A_312, %dma_start3A_313] : memref<10240x128xf32, #tpu.memory_space<vmem_shared>> -> memref<10240x128xf32, #tpu.memory_space<vmem_shared>>
      tpu.enqueue_indirect_dma source(%arg14 : memref<80x128xf32, #tpu.memory_space<vmem>>) target(%dma_start3A_314 : memref<10240x128xf32, #tpu.memory_space<vmem_shared>>) offsets(%dma_start3A_311 : memref<80xi32, #tpu.memory_space<vmem>>) semaphore(%arg20 : memref<!tpu.dma_semaphore, #tpu.memory_space<semaphore_mem>>) {add = true}
      %dma_start3A_315 = arith.constant 2 : i32
      %dma_start3A_316 = arith.constant 0 : i32
      %dma_start3A_317 = tpu.memref_slice %arg11[%dma_start3A_315, %dma_start3A_316] : memref<16x80xi32, #tpu.memory_space<vmem>> -> memref<1x80xi32, #tpu.memory_space<vmem>>
      %dma_start3A_318 = tpu.memref_squeeze %dma_start3A_317 : memref<1x80xi32, #tpu.memory_space<vmem>> -> memref<80xi32, #tpu.memory_space<vmem>>
      %dma_start3A_319 = arith.constant 0 : i32
      %dma_start3A_320 = arith.constant 0 : i32
      %dma_start3A_321 = tpu.memref_slice %arg2[%dma_start3A_319, %dma_start3A_320] : memref<20000x128xf32, #tpu.memory_space<hbm>> -> memref<20000x128xf32, #tpu.memory_space<hbm>>
      tpu.enqueue_indirect_dma source(%dma_start3A_321 : memref<20000x128xf32, #tpu.memory_space<hbm>>) target(%arg13 : memref<80x128xf32, #tpu.memory_space<vmem>>) offsets(%dma_start3A_318 : memref<80xi32, #tpu.memory_space<vmem>>) semaphore(%arg17 : memref<!tpu.dma_semaphore, #tpu.memory_space<semaphore_mem>>)
      %eq3A_322 = arith.constant 1 : i32
      %eq3A_323 = arith.cmpi eq, %arg0, %eq3A_322 : i32
      %convert_element_type3A_324 = arith.extui %eq3A_323 : i1 to i32
      %cond3A_325 = arith.constant 0 : i32
      %cond3A_326 = arith.cmpi ne, %convert_element_type3A_324, %cond3A_325 : i32
      scf.if %cond3A_326 {
        %get3A = arith.constant 1 : i32
        %get3A_789 = arith.index_cast %get3A : i32 to index
        %get3A_790 = arith.constant 0 : index
        %get3A_791 = tpu.vector_load %arg12[%get3A_789, %get3A_790] {strides = array<i32>} : memref<16x80xi32, #tpu.memory_space<vmem>>, vector<16xi32>,
        %shift_right_logical3A = arith.constant 7 : i32
        %shift_right_logical3A_792 = vector.broadcast %shift_right_logical3A : i32 to vector<16xi32>
        %shift_right_logical3A_793 = arith.shrui %get3A_791, %shift_right_logical3A_792 : vector<16xi32>
        %and3A = arith.constant 127 : i32
        %and3A_794 = vector.broadcast %and3A : i32 to vector<16xi32>
        %and3A_795 = arith.andi %get3A_791, %and3A_794 : vector<16xi32>
        tpu.vector_store_idx %arg15[%shift_right_logical3A_793, %and3A_795], %broadcast_in_dim3A_94 {add = true} : memref<80x128xf32, #tpu.memory_space<vmem>>[vector<16xi32>, vector<16xi32>], vector<16xf32>,
        %get3A_796 = arith.constant 1 : i32
        %get3A_797 = arith.index_cast %get3A_796 : i32 to index
        %get3A_798 = arith.constant 16 : index
        %get3A_799 = tpu.vector_load %arg12[%get3A_797, %get3A_798] {strides = array<i32>} : memref<16x80xi32, #tpu.memory_space<vmem>>, vector<16xi32>,
        %shift_right_logical3A_800 = arith.constant 7 : i32
        %shift_right_logical3A_801 = vector.broadcast %shift_right_logical3A_800 : i32 to vector<16xi32>
        %shift_right_logical3A_802 = arith.shrui %get3A_799, %shift_right_logical3A_801 : vector<16xi32>
        %and3A_803 = arith.constant 127 : i32
        %and3A_804 = vector.broadcast %and3A_803 : i32 to vector<16xi32>
        %and3A_805 = arith.andi %get3A_799, %and3A_804 : vector<16xi32>
        tpu.vector_store_idx %arg15[%shift_right_logical3A_802, %and3A_805], %broadcast_in_dim3A_94 {add = true} : memref<80x128xf32, #tpu.memory_space<vmem>>[vector<16xi32>, vector<16xi32>], vector<16xf32>,
        %get3A_806 = arith.constant 1 : i32
        %get3A_807 = arith.index_cast %get3A_806 : i32 to index
        %get3A_808 = arith.constant 32 : index
        %get3A_809 = tpu.vector_load %arg12[%get3A_807, %get3A_808] {strides = array<i32>} : memref<16x80xi32, #tpu.memory_space<vmem>>, vector<16xi32>,
        %shift_right_logical3A_810 = arith.constant 7 : i32
        %shift_right_logical3A_811 = vector.broadcast %shift_right_logical3A_810 : i32 to vector<16xi32>
        %shift_right_logical3A_812 = arith.shrui %get3A_809, %shift_right_logical3A_811 : vector<16xi32>
        %and3A_813 = arith.constant 127 : i32
        %and3A_814 = vector.broadcast %and3A_813 : i32 to vector<16xi32>
        %and3A_815 = arith.andi %get3A_809, %and3A_814 : vector<16xi32>
        tpu.vector_store_idx %arg15[%shift_right_logical3A_812, %and3A_815], %broadcast_in_dim3A_94 {add = true} : memref<80x128xf32, #tpu.memory_space<vmem>>[vector<16xi32>, vector<16xi32>], vector<16xf32>,
        %get3A_816 = arith.constant 1 : i32
        %get3A_817 = arith.index_cast %get3A_816 : i32 to index
        %get3A_818 = arith.constant 48 : index
        %get3A_819 = tpu.vector_load %arg12[%get3A_817, %get3A_818] {strides = array<i32>} : memref<16x80xi32, #tpu.memory_space<vmem>>, vector<16xi32>,
        %shift_right_logical3A_820 = arith.constant 7 : i32
        %shift_right_logical3A_821 = vector.broadcast %shift_right_logical3A_820 : i32 to vector<16xi32>
        %shift_right_logical3A_822 = arith.shrui %get3A_819, %shift_right_logical3A_821 : vector<16xi32>
        %and3A_823 = arith.constant 127 : i32
        %and3A_824 = vector.broadcast %and3A_823 : i32 to vector<16xi32>
        %and3A_825 = arith.andi %get3A_819, %and3A_824 : vector<16xi32>
        tpu.vector_store_idx %arg15[%shift_right_logical3A_822, %and3A_825], %broadcast_in_dim3A_94 {add = true} : memref<80x128xf32, #tpu.memory_space<vmem>>[vector<16xi32>, vector<16xi32>], vector<16xf32>,
        %get3A_826 = arith.constant 1 : i32
        %get3A_827 = arith.index_cast %get3A_826 : i32 to index
        %get3A_828 = arith.constant 64 : index
        %get3A_829 = tpu.vector_load %arg12[%get3A_827, %get3A_828] {strides = array<i32>} : memref<16x80xi32, #tpu.memory_space<vmem>>, vector<16xi32>,
        %shift_right_logical3A_830 = arith.constant 7 : i32
        %shift_right_logical3A_831 = vector.broadcast %shift_right_logical3A_830 : i32 to vector<16xi32>
        %shift_right_logical3A_832 = arith.shrui %get3A_829, %shift_right_logical3A_831 : vector<16xi32>
        %and3A_833 = arith.constant 127 : i32
        %and3A_834 = vector.broadcast %and3A_833 : i32 to vector<16xi32>
        %and3A_835 = arith.andi %get3A_829, %and3A_834 : vector<16xi32>
        tpu.vector_store_idx %arg15[%shift_right_logical3A_832, %and3A_835], %broadcast_in_dim3A_94 {add = true} : memref<80x128xf32, #tpu.memory_space<vmem>>[vector<16xi32>, vector<16xi32>], vector<16xf32>,
      } else {
      }
      %dma_wait3A_327 = arith.constant 2 : i32
      %dma_wait3A_328 = arith.constant 0 : i32
      %dma_wait3A_329 = tpu.memref_slice %arg11[%dma_wait3A_327, %dma_wait3A_328] : memref<16x80xi32, #tpu.memory_space<vmem>> -> memref<1x80xi32, #tpu.memory_space<vmem>>
      %dma_wait3A_330 = tpu.memref_squeeze %dma_wait3A_329 : memref<1x80xi32, #tpu.memory_space<vmem>> -> memref<80xi32, #tpu.memory_space<vmem>>
      %dma_wait3A_331 = arith.constant 0 : i32
      %dma_wait3A_332 = arith.constant 0 : i32
      %dma_wait3A_333 = tpu.memref_slice %arg2[%dma_wait3A_331, %dma_wait3A_332] : memref<20000x128xf32, #tpu.memory_space<hbm>> -> memref<20000x128xf32, #tpu.memory_space<hbm>>
      tpu.wait_indirect_dma semaphore(%arg17 : memref<!tpu.dma_semaphore, #tpu.memory_space<semaphore_mem>>) src(%dma_wait3A_333 : memref<20000x128xf32, #tpu.memory_space<hbm>>) dst(%arg13 : memref<80x128xf32, #tpu.memory_space<vmem>>)
      %dma_wait3A_334 = arith.constant 1 : i32
      %dma_wait3A_335 = arith.constant 0 : i32
      %dma_wait3A_336 = tpu.memref_slice %arg12[%dma_wait3A_334, %dma_wait3A_335] : memref<16x80xi32, #tpu.memory_space<vmem>> -> memref<1x80xi32, #tpu.memory_space<vmem>>
      %dma_wait3A_337 = tpu.memref_squeeze %dma_wait3A_336 : memref<1x80xi32, #tpu.memory_space<vmem>> -> memref<80xi32, #tpu.memory_space<vmem>>
      %dma_wait3A_338 = arith.constant 0 : i32
      %dma_wait3A_339 = arith.constant 0 : i32
      %dma_wait3A_340 = tpu.memref_slice %arg9[%dma_wait3A_338, %dma_wait3A_339] : memref<10240x128xf32, #tpu.memory_space<vmem_shared>> -> memref<10240x128xf32, #tpu.memory_space<vmem_shared>>
      tpu.wait_indirect_dma semaphore(%arg20 : memref<!tpu.dma_semaphore, #tpu.memory_space<semaphore_mem>>) src(%arg14 : memref<80x128xf32, #tpu.memory_space<vmem>>) dst(%dma_wait3A_340 : memref<10240x128xf32, #tpu.memory_space<vmem_shared>>)
      %dma_start3A_341 = arith.constant 2 : i32
      %dma_start3A_342 = arith.constant 0 : i32
      %dma_start3A_343 = tpu.memref_slice %arg12[%dma_start3A_341, %dma_start3A_342] : memref<16x80xi32, #tpu.memory_space<vmem>> -> memref<1x80xi32, #tpu.memory_space<vmem>>
      %dma_start3A_344 = tpu.memref_squeeze %dma_start3A_343 : memref<1x80xi32, #tpu.memory_space<vmem>> -> memref<80xi32, #tpu.memory_space<vmem>>
      %dma_start3A_345 = arith.constant 0 : i32
      %dma_start3A_346 = arith.constant 0 : i32
      %dma_start3A_347 = tpu.memref_slice %arg9[%dma_start3A_345, %dma_start3A_346] : memref<10240x128xf32, #tpu.memory_space<vmem_shared>> -> memref<10240x128xf32, #tpu.memory_space<vmem_shared>>
      tpu.enqueue_indirect_dma source(%arg13 : memref<80x128xf32, #tpu.memory_space<vmem>>) target(%dma_start3A_347 : memref<10240x128xf32, #tpu.memory_space<vmem_shared>>) offsets(%dma_start3A_344 : memref<80xi32, #tpu.memory_space<vmem>>) semaphore(%arg19 : memref<!tpu.dma_semaphore, #tpu.memory_space<semaphore_mem>>) {add = true}
      %dma_start3A_348 = arith.constant 3 : i32
      %dma_start3A_349 = arith.constant 0 : i32
      %dma_start3A_350 = tpu.memref_slice %arg11[%dma_start3A_348, %dma_start3A_349] : memref<16x80xi32, #tpu.memory_space<vmem>> -> memref<1x80xi32, #tpu.memory_space<vmem>>
      %dma_start3A_351 = tpu.memref_squeeze %dma_start3A_350 : memref<1x80xi32, #tpu.memory_space<vmem>> -> memref<80xi32, #tpu.memory_space<vmem>>
      %dma_start3A_352 = arith.constant 0 : i32
      %dma_start3A_353 = arith.constant 0 : i32
      %dma_start3A_354 = tpu.memref_slice %arg2[%dma_start3A_352, %dma_start3A_353] : memref<20000x128xf32, #tpu.memory_space<hbm>> -> memref<20000x128xf32, #tpu.memory_space<hbm>>
      tpu.enqueue_indirect_dma source(%dma_start3A_354 : memref<20000x128xf32, #tpu.memory_space<hbm>>) target(%arg14 : memref<80x128xf32, #tpu.memory_space<vmem>>) offsets(%dma_start3A_351 : memref<80xi32, #tpu.memory_space<vmem>>) semaphore(%arg18 : memref<!tpu.dma_semaphore, #tpu.memory_space<semaphore_mem>>)
      %eq3A_355 = arith.constant 0 : i32
      %eq3A_356 = arith.cmpi eq, %arg0, %eq3A_355 : i32
      %convert_element_type3A_357 = arith.extui %eq3A_356 : i1 to i32
      %cond3A_358 = arith.constant 0 : i32
      %cond3A_359 = arith.cmpi ne, %convert_element_type3A_357, %cond3A_358 : i32
      scf.if %cond3A_359 {
        %get3A = arith.constant 2 : i32
        %get3A_789 = arith.index_cast %get3A : i32 to index
        %get3A_790 = arith.constant 0 : index
        %get3A_791 = tpu.vector_load %arg12[%get3A_789, %get3A_790] {strides = array<i32>} : memref<16x80xi32, #tpu.memory_space<vmem>>, vector<16xi32>,
        %shift_right_logical3A = arith.constant 7 : i32
        %shift_right_logical3A_792 = vector.broadcast %shift_right_logical3A : i32 to vector<16xi32>
        %shift_right_logical3A_793 = arith.shrui %get3A_791, %shift_right_logical3A_792 : vector<16xi32>
        %and3A = arith.constant 127 : i32
        %and3A_794 = vector.broadcast %and3A : i32 to vector<16xi32>
        %and3A_795 = arith.andi %get3A_791, %and3A_794 : vector<16xi32>
        tpu.vector_store_idx %arg15[%shift_right_logical3A_793, %and3A_795], %broadcast_in_dim3A_94 {add = true} : memref<80x128xf32, #tpu.memory_space<vmem>>[vector<16xi32>, vector<16xi32>], vector<16xf32>,
        %get3A_796 = arith.constant 2 : i32
        %get3A_797 = arith.index_cast %get3A_796 : i32 to index
        %get3A_798 = arith.constant 16 : index
        %get3A_799 = tpu.vector_load %arg12[%get3A_797, %get3A_798] {strides = array<i32>} : memref<16x80xi32, #tpu.memory_space<vmem>>, vector<16xi32>,
        %shift_right_logical3A_800 = arith.constant 7 : i32
        %shift_right_logical3A_801 = vector.broadcast %shift_right_logical3A_800 : i32 to vector<16xi32>
        %shift_right_logical3A_802 = arith.shrui %get3A_799, %shift_right_logical3A_801 : vector<16xi32>
        %and3A_803 = arith.constant 127 : i32
        %and3A_804 = vector.broadcast %and3A_803 : i32 to vector<16xi32>
        %and3A_805 = arith.andi %get3A_799, %and3A_804 : vector<16xi32>
        tpu.vector_store_idx %arg15[%shift_right_logical3A_802, %and3A_805], %broadcast_in_dim3A_94 {add = true} : memref<80x128xf32, #tpu.memory_space<vmem>>[vector<16xi32>, vector<16xi32>], vector<16xf32>,
        %get3A_806 = arith.constant 2 : i32
        %get3A_807 = arith.index_cast %get3A_806 : i32 to index
        %get3A_808 = arith.constant 32 : index
        %get3A_809 = tpu.vector_load %arg12[%get3A_807, %get3A_808] {strides = array<i32>} : memref<16x80xi32, #tpu.memory_space<vmem>>, vector<16xi32>,
        %shift_right_logical3A_810 = arith.constant 7 : i32
        %shift_right_logical3A_811 = vector.broadcast %shift_right_logical3A_810 : i32 to vector<16xi32>
        %shift_right_logical3A_812 = arith.shrui %get3A_809, %shift_right_logical3A_811 : vector<16xi32>
        %and3A_813 = arith.constant 127 : i32
        %and3A_814 = vector.broadcast %and3A_813 : i32 to vector<16xi32>
        %and3A_815 = arith.andi %get3A_809, %and3A_814 : vector<16xi32>
        tpu.vector_store_idx %arg15[%shift_right_logical3A_812, %and3A_815], %broadcast_in_dim3A_94 {add = true} : memref<80x128xf32, #tpu.memory_space<vmem>>[vector<16xi32>, vector<16xi32>], vector<16xf32>,
        %get3A_816 = arith.constant 2 : i32
        %get3A_817 = arith.index_cast %get3A_816 : i32 to index
        %get3A_818 = arith.constant 48 : index
        %get3A_819 = tpu.vector_load %arg12[%get3A_817, %get3A_818] {strides = array<i32>} : memref<16x80xi32, #tpu.memory_space<vmem>>, vector<16xi32>,
        %shift_right_logical3A_820 = arith.constant 7 : i32
        %shift_right_logical3A_821 = vector.broadcast %shift_right_logical3A_820 : i32 to vector<16xi32>
        %shift_right_logical3A_822 = arith.shrui %get3A_819, %shift_right_logical3A_821 : vector<16xi32>
        %and3A_823 = arith.constant 127 : i32
        %and3A_824 = vector.broadcast %and3A_823 : i32 to vector<16xi32>
        %and3A_825 = arith.andi %get3A_819, %and3A_824 : vector<16xi32>
        tpu.vector_store_idx %arg15[%shift_right_logical3A_822, %and3A_825], %broadcast_in_dim3A_94 {add = true} : memref<80x128xf32, #tpu.memory_space<vmem>>[vector<16xi32>, vector<16xi32>], vector<16xf32>,
        %get3A_826 = arith.constant 2 : i32
        %get3A_827 = arith.index_cast %get3A_826 : i32 to index
        %get3A_828 = arith.constant 64 : index
        %get3A_829 = tpu.vector_load %arg12[%get3A_827, %get3A_828] {strides = array<i32>} : memref<16x80xi32, #tpu.memory_space<vmem>>, vector<16xi32>,
        %shift_right_logical3A_830 = arith.constant 7 : i32
        %shift_right_logical3A_831 = vector.broadcast %shift_right_logical3A_830 : i32 to vector<16xi32>
        %shift_right_logical3A_832 = arith.shrui %get3A_829, %shift_right_logical3A_831 : vector<16xi32>
        %and3A_833 = arith.constant 127 : i32
        %and3A_834 = vector.broadcast %and3A_833 : i32 to vector<16xi32>
        %and3A_835 = arith.andi %get3A_829, %and3A_834 : vector<16xi32>
        tpu.vector_store_idx %arg15[%shift_right_logical3A_832, %and3A_835], %broadcast_in_dim3A_94 {add = true} : memref<80x128xf32, #tpu.memory_space<vmem>>[vector<16xi32>, vector<16xi32>], vector<16xf32>,
      } else {
      }
      %dma_wait3A_360 = arith.constant 3 : i32
      %dma_wait3A_361 = arith.constant 0 : i32
      %dma_wait3A_362 = tpu.memref_slice %arg11[%dma_wait3A_360, %dma_wait3A_361] : memref<16x80xi32, #tpu.memory_space<vmem>> -> memref<1x80xi32, #tpu.memory_space<vmem>>
      %dma_wait3A_363 = tpu.memref_squeeze %dma_wait3A_362 : memref<1x80xi32, #tpu.memory_space<vmem>> -> memref<80xi32, #tpu.memory_space<vmem>>
      %dma_wait3A_364 = arith.constant 0 : i32
      %dma_wait3A_365 = arith.constant 0 : i32
      %dma_wait3A_366 = tpu.memref_slice %arg2[%dma_wait3A_364, %dma_wait3A_365] : memref<20000x128xf32, #tpu.memory_space<hbm>> -> memref<20000x128xf32, #tpu.memory_space<hbm>>
      tpu.wait_indirect_dma semaphore(%arg18 : memref<!tpu.dma_semaphore, #tpu.memory_space<semaphore_mem>>) src(%dma_wait3A_366 : memref<20000x128xf32, #tpu.memory_space<hbm>>) dst(%arg14 : memref<80x128xf32, #tpu.memory_space<vmem>>)
      %dma_wait3A_367 = arith.constant 2 : i32
      %dma_wait3A_368 = arith.constant 0 : i32
      %dma_wait3A_369 = tpu.memref_slice %arg12[%dma_wait3A_367, %dma_wait3A_368] : memref<16x80xi32, #tpu.memory_space<vmem>> -> memref<1x80xi32, #tpu.memory_space<vmem>>
      %dma_wait3A_370 = tpu.memref_squeeze %dma_wait3A_369 : memref<1x80xi32, #tpu.memory_space<vmem>> -> memref<80xi32, #tpu.memory_space<vmem>>
      %dma_wait3A_371 = arith.constant 0 : i32
      %dma_wait3A_372 = arith.constant 0 : i32
      %dma_wait3A_373 = tpu.memref_slice %arg9[%dma_wait3A_371, %dma_wait3A_372] : memref<10240x128xf32, #tpu.memory_space<vmem_shared>> -> memref<10240x128xf32, #tpu.memory_space<vmem_shared>>
      tpu.wait_indirect_dma semaphore(%arg19 : memref<!tpu.dma_semaphore, #tpu.memory_space<semaphore_mem>>) src(%arg13 : memref<80x128xf32, #tpu.memory_space<vmem>>) dst(%dma_wait3A_373 : memref<10240x128xf32, #tpu.memory_space<vmem_shared>>)
      %dma_start3A_374 = arith.constant 3 : i32
      %dma_start3A_375 = arith.constant 0 : i32
      %dma_start3A_376 = tpu.memref_slice %arg12[%dma_start3A_374, %dma_start3A_375] : memref<16x80xi32, #tpu.memory_space<vmem>> -> memref<1x80xi32, #tpu.memory_space<vmem>>
      %dma_start3A_377 = tpu.memref_squeeze %dma_start3A_376 : memref<1x80xi32, #tpu.memory_space<vmem>> -> memref<80xi32, #tpu.memory_space<vmem>>
      %dma_start3A_378 = arith.constant 0 : i32
      %dma_start3A_379 = arith.constant 0 : i32
      %dma_start3A_380 = tpu.memref_slice %arg9[%dma_start3A_378, %dma_start3A_379] : memref<10240x128xf32, #tpu.memory_space<vmem_shared>> -> memref<10240x128xf32, #tpu.memory_space<vmem_shared>>
      tpu.enqueue_indirect_dma source(%arg14 : memref<80x128xf32, #tpu.memory_space<vmem>>) target(%dma_start3A_380 : memref<10240x128xf32, #tpu.memory_space<vmem_shared>>) offsets(%dma_start3A_377 : memref<80xi32, #tpu.memory_space<vmem>>) semaphore(%arg20 : memref<!tpu.dma_semaphore, #tpu.memory_space<semaphore_mem>>) {add = true}
      %dma_start3A_381 = arith.constant 4 : i32
      %dma_start3A_382 = arith.constant 0 : i32
      %dma_start3A_383 = tpu.memref_slice %arg11[%dma_start3A_381, %dma_start3A_382] : memref<16x80xi32, #tpu.memory_space<vmem>> -> memref<1x80xi32, #tpu.memory_space<vmem>>
      %dma_start3A_384 = tpu.memref_squeeze %dma_start3A_383 : memref<1x80xi32, #tpu.memory_space<vmem>> -> memref<80xi32, #tpu.memory_space<vmem>>
      %dma_start3A_385 = arith.constant 0 : i32
      %dma_start3A_386 = arith.constant 0 : i32
      %dma_start3A_387 = tpu.memref_slice %arg2[%dma_start3A_385, %dma_start3A_386] : memref<20000x128xf32, #tpu.memory_space<hbm>> -> memref<20000x128xf32, #tpu.memory_space<hbm>>
      tpu.enqueue_indirect_dma source(%dma_start3A_387 : memref<20000x128xf32, #tpu.memory_space<hbm>>) target(%arg13 : memref<80x128xf32, #tpu.memory_space<vmem>>) offsets(%dma_start3A_384 : memref<80xi32, #tpu.memory_space<vmem>>) semaphore(%arg17 : memref<!tpu.dma_semaphore, #tpu.memory_space<semaphore_mem>>)
      %eq3A_388 = arith.constant 1 : i32
      %eq3A_389 = arith.cmpi eq, %arg0, %eq3A_388 : i32
      %convert_element_type3A_390 = arith.extui %eq3A_389 : i1 to i32
      %cond3A_391 = arith.constant 0 : i32
      %cond3A_392 = arith.cmpi ne, %convert_element_type3A_390, %cond3A_391 : i32
      scf.if %cond3A_392 {
        %get3A = arith.constant 3 : i32
        %get3A_789 = arith.index_cast %get3A : i32 to index
        %get3A_790 = arith.constant 0 : index
        %get3A_791 = tpu.vector_load %arg12[%get3A_789, %get3A_790] {strides = array<i32>} : memref<16x80xi32, #tpu.memory_space<vmem>>, vector<16xi32>,
        %shift_right_logical3A = arith.constant 7 : i32
        %shift_right_logical3A_792 = vector.broadcast %shift_right_logical3A : i32 to vector<16xi32>
        %shift_right_logical3A_793 = arith.shrui %get3A_791, %shift_right_logical3A_792 : vector<16xi32>
        %and3A = arith.constant 127 : i32
        %and3A_794 = vector.broadcast %and3A : i32 to vector<16xi32>
        %and3A_795 = arith.andi %get3A_791, %and3A_794 : vector<16xi32>
        tpu.vector_store_idx %arg15[%shift_right_logical3A_793, %and3A_795], %broadcast_in_dim3A_94 {add = true} : memref<80x128xf32, #tpu.memory_space<vmem>>[vector<16xi32>, vector<16xi32>], vector<16xf32>,
        %get3A_796 = arith.constant 3 : i32
        %get3A_797 = arith.index_cast %get3A_796 : i32 to index
        %get3A_798 = arith.constant 16 : index
        %get3A_799 = tpu.vector_load %arg12[%get3A_797, %get3A_798] {strides = array<i32>} : memref<16x80xi32, #tpu.memory_space<vmem>>, vector<16xi32>,
        %shift_right_logical3A_800 = arith.constant 7 : i32
        %shift_right_logical3A_801 = vector.broadcast %shift_right_logical3A_800 : i32 to vector<16xi32>
        %shift_right_logical3A_802 = arith.shrui %get3A_799, %shift_right_logical3A_801 : vector<16xi32>
        %and3A_803 = arith.constant 127 : i32
        %and3A_804 = vector.broadcast %and3A_803 : i32 to vector<16xi32>
        %and3A_805 = arith.andi %get3A_799, %and3A_804 : vector<16xi32>
        tpu.vector_store_idx %arg15[%shift_right_logical3A_802, %and3A_805], %broadcast_in_dim3A_94 {add = true} : memref<80x128xf32, #tpu.memory_space<vmem>>[vector<16xi32>, vector<16xi32>], vector<16xf32>,
        %get3A_806 = arith.constant 3 : i32
        %get3A_807 = arith.index_cast %get3A_806 : i32 to index
        %get3A_808 = arith.constant 32 : index
        %get3A_809 = tpu.vector_load %arg12[%get3A_807, %get3A_808] {strides = array<i32>} : memref<16x80xi32, #tpu.memory_space<vmem>>, vector<16xi32>,
        %shift_right_logical3A_810 = arith.constant 7 : i32
        %shift_right_logical3A_811 = vector.broadcast %shift_right_logical3A_810 : i32 to vector<16xi32>
        %shift_right_logical3A_812 = arith.shrui %get3A_809, %shift_right_logical3A_811 : vector<16xi32>
        %and3A_813 = arith.constant 127 : i32
        %and3A_814 = vector.broadcast %and3A_813 : i32 to vector<16xi32>
        %and3A_815 = arith.andi %get3A_809, %and3A_814 : vector<16xi32>
        tpu.vector_store_idx %arg15[%shift_right_logical3A_812, %and3A_815], %broadcast_in_dim3A_94 {add = true} : memref<80x128xf32, #tpu.memory_space<vmem>>[vector<16xi32>, vector<16xi32>], vector<16xf32>,
        %get3A_816 = arith.constant 3 : i32
        %get3A_817 = arith.index_cast %get3A_816 : i32 to index
        %get3A_818 = arith.constant 48 : index
        %get3A_819 = tpu.vector_load %arg12[%get3A_817, %get3A_818] {strides = array<i32>} : memref<16x80xi32, #tpu.memory_space<vmem>>, vector<16xi32>,
        %shift_right_logical3A_820 = arith.constant 7 : i32
        %shift_right_logical3A_821 = vector.broadcast %shift_right_logical3A_820 : i32 to vector<16xi32>
        %shift_right_logical3A_822 = arith.shrui %get3A_819, %shift_right_logical3A_821 : vector<16xi32>
        %and3A_823 = arith.constant 127 : i32
        %and3A_824 = vector.broadcast %and3A_823 : i32 to vector<16xi32>
        %and3A_825 = arith.andi %get3A_819, %and3A_824 : vector<16xi32>
        tpu.vector_store_idx %arg15[%shift_right_logical3A_822, %and3A_825], %broadcast_in_dim3A_94 {add = true} : memref<80x128xf32, #tpu.memory_space<vmem>>[vector<16xi32>, vector<16xi32>], vector<16xf32>,
        %get3A_826 = arith.constant 3 : i32
        %get3A_827 = arith.index_cast %get3A_826 : i32 to index
        %get3A_828 = arith.constant 64 : index
        %get3A_829 = tpu.vector_load %arg12[%get3A_827, %get3A_828] {strides = array<i32>} : memref<16x80xi32, #tpu.memory_space<vmem>>, vector<16xi32>,
        %shift_right_logical3A_830 = arith.constant 7 : i32
        %shift_right_logical3A_831 = vector.broadcast %shift_right_logical3A_830 : i32 to vector<16xi32>
        %shift_right_logical3A_832 = arith.shrui %get3A_829, %shift_right_logical3A_831 : vector<16xi32>
        %and3A_833 = arith.constant 127 : i32
        %and3A_834 = vector.broadcast %and3A_833 : i32 to vector<16xi32>
        %and3A_835 = arith.andi %get3A_829, %and3A_834 : vector<16xi32>
        tpu.vector_store_idx %arg15[%shift_right_logical3A_832, %and3A_835], %broadcast_in_dim3A_94 {add = true} : memref<80x128xf32, #tpu.memory_space<vmem>>[vector<16xi32>, vector<16xi32>], vector<16xf32>,
      } else {
      }
      %dma_wait3A_393 = arith.constant 4 : i32
      %dma_wait3A_394 = arith.constant 0 : i32
      %dma_wait3A_395 = tpu.memref_slice %arg11[%dma_wait3A_393, %dma_wait3A_394] : memref<16x80xi32, #tpu.memory_space<vmem>> -> memref<1x80xi32, #tpu.memory_space<vmem>>
      %dma_wait3A_396 = tpu.memref_squeeze %dma_wait3A_395 : memref<1x80xi32, #tpu.memory_space<vmem>> -> memref<80xi32, #tpu.memory_space<vmem>>
      %dma_wait3A_397 = arith.constant 0 : i32
      %dma_wait3A_398 = arith.constant 0 : i32
      %dma_wait3A_399 = tpu.memref_slice %arg2[%dma_wait3A_397, %dma_wait3A_398] : memref<20000x128xf32, #tpu.memory_space<hbm>> -> memref<20000x128xf32, #tpu.memory_space<hbm>>
      tpu.wait_indirect_dma semaphore(%arg17 : memref<!tpu.dma_semaphore, #tpu.memory_space<semaphore_mem>>) src(%dma_wait3A_399 : memref<20000x128xf32, #tpu.memory_space<hbm>>) dst(%arg13 : memref<80x128xf32, #tpu.memory_space<vmem>>)
      %dma_wait3A_400 = arith.constant 3 : i32
      %dma_wait3A_401 = arith.constant 0 : i32
      %dma_wait3A_402 = tpu.memref_slice %arg12[%dma_wait3A_400, %dma_wait3A_401] : memref<16x80xi32, #tpu.memory_space<vmem>> -> memref<1x80xi32, #tpu.memory_space<vmem>>
      %dma_wait3A_403 = tpu.memref_squeeze %dma_wait3A_402 : memref<1x80xi32, #tpu.memory_space<vmem>> -> memref<80xi32, #tpu.memory_space<vmem>>
      %dma_wait3A_404 = arith.constant 0 : i32
      %dma_wait3A_405 = arith.constant 0 : i32
      %dma_wait3A_406 = tpu.memref_slice %arg9[%dma_wait3A_404, %dma_wait3A_405] : memref<10240x128xf32, #tpu.memory_space<vmem_shared>> -> memref<10240x128xf32, #tpu.memory_space<vmem_shared>>
      tpu.wait_indirect_dma semaphore(%arg20 : memref<!tpu.dma_semaphore, #tpu.memory_space<semaphore_mem>>) src(%arg14 : memref<80x128xf32, #tpu.memory_space<vmem>>) dst(%dma_wait3A_406 : memref<10240x128xf32, #tpu.memory_space<vmem_shared>>)
      %dma_start3A_407 = arith.constant 4 : i32
      %dma_start3A_408 = arith.constant 0 : i32
      %dma_start3A_409 = tpu.memref_slice %arg12[%dma_start3A_407, %dma_start3A_408] : memref<16x80xi32, #tpu.memory_space<vmem>> -> memref<1x80xi32, #tpu.memory_space<vmem>>
      %dma_start3A_410 = tpu.memref_squeeze %dma_start3A_409 : memref<1x80xi32, #tpu.memory_space<vmem>> -> memref<80xi32, #tpu.memory_space<vmem>>
      %dma_start3A_411 = arith.constant 0 : i32
      %dma_start3A_412 = arith.constant 0 : i32
      %dma_start3A_413 = tpu.memref_slice %arg9[%dma_start3A_411, %dma_start3A_412] : memref<10240x128xf32, #tpu.memory_space<vmem_shared>> -> memref<10240x128xf32, #tpu.memory_space<vmem_shared>>
      tpu.enqueue_indirect_dma source(%arg13 : memref<80x128xf32, #tpu.memory_space<vmem>>) target(%dma_start3A_413 : memref<10240x128xf32, #tpu.memory_space<vmem_shared>>) offsets(%dma_start3A_410 : memref<80xi32, #tpu.memory_space<vmem>>) semaphore(%arg19 : memref<!tpu.dma_semaphore, #tpu.memory_space<semaphore_mem>>) {add = true}
      %dma_start3A_414 = arith.constant 5 : i32
      %dma_start3A_415 = arith.constant 0 : i32
      %dma_start3A_416 = tpu.memref_slice %arg11[%dma_start3A_414, %dma_start3A_415] : memref<16x80xi32, #tpu.memory_space<vmem>> -> memref<1x80xi32, #tpu.memory_space<vmem>>
      %dma_start3A_417 = tpu.memref_squeeze %dma_start3A_416 : memref<1x80xi32, #tpu.memory_space<vmem>> -> memref<80xi32, #tpu.memory_space<vmem>>
      %dma_start3A_418 = arith.constant 0 : i32
      %dma_start3A_419 = arith.constant 0 : i32
      %dma_start3A_420 = tpu.memref_slice %arg2[%dma_start3A_418, %dma_start3A_419] : memref<20000x128xf32, #tpu.memory_space<hbm>> -> memref<20000x128xf32, #tpu.memory_space<hbm>>
      tpu.enqueue_indirect_dma source(%dma_start3A_420 : memref<20000x128xf32, #tpu.memory_space<hbm>>) target(%arg14 : memref<80x128xf32, #tpu.memory_space<vmem>>) offsets(%dma_start3A_417 : memref<80xi32, #tpu.memory_space<vmem>>) semaphore(%arg18 : memref<!tpu.dma_semaphore, #tpu.memory_space<semaphore_mem>>)
      %eq3A_421 = arith.constant 0 : i32
      %eq3A_422 = arith.cmpi eq, %arg0, %eq3A_421 : i32
      %convert_element_type3A_423 = arith.extui %eq3A_422 : i1 to i32
      %cond3A_424 = arith.constant 0 : i32
      %cond3A_425 = arith.cmpi ne, %convert_element_type3A_423, %cond3A_424 : i32
      scf.if %cond3A_425 {
        %get3A = arith.constant 4 : i32
        %get3A_789 = arith.index_cast %get3A : i32 to index
        %get3A_790 = arith.constant 0 : index
        %get3A_791 = tpu.vector_load %arg12[%get3A_789, %get3A_790] {strides = array<i32>} : memref<16x80xi32, #tpu.memory_space<vmem>>, vector<16xi32>,
        %shift_right_logical3A = arith.constant 7 : i32
        %shift_right_logical3A_792 = vector.broadcast %shift_right_logical3A : i32 to vector<16xi32>
        %shift_right_logical3A_793 = arith.shrui %get3A_791, %shift_right_logical3A_792 : vector<16xi32>
        %and3A = arith.constant 127 : i32
        %and3A_794 = vector.broadcast %and3A : i32 to vector<16xi32>
        %and3A_795 = arith.andi %get3A_791, %and3A_794 : vector<16xi32>
        tpu.vector_store_idx %arg15[%shift_right_logical3A_793, %and3A_795], %broadcast_in_dim3A_94 {add = true} : memref<80x128xf32, #tpu.memory_space<vmem>>[vector<16xi32>, vector<16xi32>], vector<16xf32>,
        %get3A_796 = arith.constant 4 : i32
        %get3A_797 = arith.index_cast %get3A_796 : i32 to index
        %get3A_798 = arith.constant 16 : index
        %get3A_799 = tpu.vector_load %arg12[%get3A_797, %get3A_798] {strides = array<i32>} : memref<16x80xi32, #tpu.memory_space<vmem>>, vector<16xi32>,
        %shift_right_logical3A_800 = arith.constant 7 : i32
        %shift_right_logical3A_801 = vector.broadcast %shift_right_logical3A_800 : i32 to vector<16xi32>
        %shift_right_logical3A_802 = arith.shrui %get3A_799, %shift_right_logical3A_801 : vector<16xi32>
        %and3A_803 = arith.constant 127 : i32
        %and3A_804 = vector.broadcast %and3A_803 : i32 to vector<16xi32>
        %and3A_805 = arith.andi %get3A_799, %and3A_804 : vector<16xi32>
        tpu.vector_store_idx %arg15[%shift_right_logical3A_802, %and3A_805], %broadcast_in_dim3A_94 {add = true} : memref<80x128xf32, #tpu.memory_space<vmem>>[vector<16xi32>, vector<16xi32>], vector<16xf32>,
        %get3A_806 = arith.constant 4 : i32
        %get3A_807 = arith.index_cast %get3A_806 : i32 to index
        %get3A_808 = arith.constant 32 : index
        %get3A_809 = tpu.vector_load %arg12[%get3A_807, %get3A_808] {strides = array<i32>} : memref<16x80xi32, #tpu.memory_space<vmem>>, vector<16xi32>,
        %shift_right_logical3A_810 = arith.constant 7 : i32
        %shift_right_logical3A_811 = vector.broadcast %shift_right_logical3A_810 : i32 to vector<16xi32>
        %shift_right_logical3A_812 = arith.shrui %get3A_809, %shift_right_logical3A_811 : vector<16xi32>
        %and3A_813 = arith.constant 127 : i32
        %and3A_814 = vector.broadcast %and3A_813 : i32 to vector<16xi32>
        %and3A_815 = arith.andi %get3A_809, %and3A_814 : vector<16xi32>
        tpu.vector_store_idx %arg15[%shift_right_logical3A_812, %and3A_815], %broadcast_in_dim3A_94 {add = true} : memref<80x128xf32, #tpu.memory_space<vmem>>[vector<16xi32>, vector<16xi32>], vector<16xf32>,
        %get3A_816 = arith.constant 4 : i32
        %get3A_817 = arith.index_cast %get3A_816 : i32 to index
        %get3A_818 = arith.constant 48 : index
        %get3A_819 = tpu.vector_load %arg12[%get3A_817, %get3A_818] {strides = array<i32>} : memref<16x80xi32, #tpu.memory_space<vmem>>, vector<16xi32>,
        %shift_right_logical3A_820 = arith.constant 7 : i32
        %shift_right_logical3A_821 = vector.broadcast %shift_right_logical3A_820 : i32 to vector<16xi32>
        %shift_right_logical3A_822 = arith.shrui %get3A_819, %shift_right_logical3A_821 : vector<16xi32>
        %and3A_823 = arith.constant 127 : i32
        %and3A_824 = vector.broadcast %and3A_823 : i32 to vector<16xi32>
        %and3A_825 = arith.andi %get3A_819, %and3A_824 : vector<16xi32>
        tpu.vector_store_idx %arg15[%shift_right_logical3A_822, %and3A_825], %broadcast_in_dim3A_94 {add = true} : memref<80x128xf32, #tpu.memory_space<vmem>>[vector<16xi32>, vector<16xi32>], vector<16xf32>,
        %get3A_826 = arith.constant 4 : i32
        %get3A_827 = arith.index_cast %get3A_826 : i32 to index
        %get3A_828 = arith.constant 64 : index
        %get3A_829 = tpu.vector_load %arg12[%get3A_827, %get3A_828] {strides = array<i32>} : memref<16x80xi32, #tpu.memory_space<vmem>>, vector<16xi32>,
        %shift_right_logical3A_830 = arith.constant 7 : i32
        %shift_right_logical3A_831 = vector.broadcast %shift_right_logical3A_830 : i32 to vector<16xi32>
        %shift_right_logical3A_832 = arith.shrui %get3A_829, %shift_right_logical3A_831 : vector<16xi32>
        %and3A_833 = arith.constant 127 : i32
        %and3A_834 = vector.broadcast %and3A_833 : i32 to vector<16xi32>
        %and3A_835 = arith.andi %get3A_829, %and3A_834 : vector<16xi32>
        tpu.vector_store_idx %arg15[%shift_right_logical3A_832, %and3A_835], %broadcast_in_dim3A_94 {add = true} : memref<80x128xf32, #tpu.memory_space<vmem>>[vector<16xi32>, vector<16xi32>], vector<16xf32>,
      } else {
      }
      %dma_wait3A_426 = arith.constant 5 : i32
      %dma_wait3A_427 = arith.constant 0 : i32
      %dma_wait3A_428 = tpu.memref_slice %arg11[%dma_wait3A_426, %dma_wait3A_427] : memref<16x80xi32, #tpu.memory_space<vmem>> -> memref<1x80xi32, #tpu.memory_space<vmem>>
      %dma_wait3A_429 = tpu.memref_squeeze %dma_wait3A_428 : memref<1x80xi32, #tpu.memory_space<vmem>> -> memref<80xi32, #tpu.memory_space<vmem>>
      %dma_wait3A_430 = arith.constant 0 : i32
      %dma_wait3A_431 = arith.constant 0 : i32
      %dma_wait3A_432 = tpu.memref_slice %arg2[%dma_wait3A_430, %dma_wait3A_431] : memref<20000x128xf32, #tpu.memory_space<hbm>> -> memref<20000x128xf32, #tpu.memory_space<hbm>>
      tpu.wait_indirect_dma semaphore(%arg18 : memref<!tpu.dma_semaphore, #tpu.memory_space<semaphore_mem>>) src(%dma_wait3A_432 : memref<20000x128xf32, #tpu.memory_space<hbm>>) dst(%arg14 : memref<80x128xf32, #tpu.memory_space<vmem>>)
      %dma_wait3A_433 = arith.constant 4 : i32
      %dma_wait3A_434 = arith.constant 0 : i32
      %dma_wait3A_435 = tpu.memref_slice %arg12[%dma_wait3A_433, %dma_wait3A_434] : memref<16x80xi32, #tpu.memory_space<vmem>> -> memref<1x80xi32, #tpu.memory_space<vmem>>
      %dma_wait3A_436 = tpu.memref_squeeze %dma_wait3A_435 : memref<1x80xi32, #tpu.memory_space<vmem>> -> memref<80xi32, #tpu.memory_space<vmem>>
      %dma_wait3A_437 = arith.constant 0 : i32
      %dma_wait3A_438 = arith.constant 0 : i32
      %dma_wait3A_439 = tpu.memref_slice %arg9[%dma_wait3A_437, %dma_wait3A_438] : memref<10240x128xf32, #tpu.memory_space<vmem_shared>> -> memref<10240x128xf32, #tpu.memory_space<vmem_shared>>
      tpu.wait_indirect_dma semaphore(%arg19 : memref<!tpu.dma_semaphore, #tpu.memory_space<semaphore_mem>>) src(%arg13 : memref<80x128xf32, #tpu.memory_space<vmem>>) dst(%dma_wait3A_439 : memref<10240x128xf32, #tpu.memory_space<vmem_shared>>)
      %dma_start3A_440 = arith.constant 5 : i32
      %dma_start3A_441 = arith.constant 0 : i32
      %dma_start3A_442 = tpu.memref_slice %arg12[%dma_start3A_440, %dma_start3A_441] : memref<16x80xi32, #tpu.memory_space<vmem>> -> memref<1x80xi32, #tpu.memory_space<vmem>>
      %dma_start3A_443 = tpu.memref_squeeze %dma_start3A_442 : memref<1x80xi32, #tpu.memory_space<vmem>> -> memref<80xi32, #tpu.memory_space<vmem>>
      %dma_start3A_444 = arith.constant 0 : i32
      %dma_start3A_445 = arith.constant 0 : i32
      %dma_start3A_446 = tpu.memref_slice %arg9[%dma_start3A_444, %dma_start3A_445] : memref<10240x128xf32, #tpu.memory_space<vmem_shared>> -> memref<10240x128xf32, #tpu.memory_space<vmem_shared>>
      tpu.enqueue_indirect_dma source(%arg14 : memref<80x128xf32, #tpu.memory_space<vmem>>) target(%dma_start3A_446 : memref<10240x128xf32, #tpu.memory_space<vmem_shared>>) offsets(%dma_start3A_443 : memref<80xi32, #tpu.memory_space<vmem>>) semaphore(%arg20 : memref<!tpu.dma_semaphore, #tpu.memory_space<semaphore_mem>>) {add = true}
      %dma_start3A_447 = arith.constant 6 : i32
      %dma_start3A_448 = arith.constant 0 : i32
      %dma_start3A_449 = tpu.memref_slice %arg11[%dma_start3A_447, %dma_start3A_448] : memref<16x80xi32, #tpu.memory_space<vmem>> -> memref<1x80xi32, #tpu.memory_space<vmem>>
      %dma_start3A_450 = tpu.memref_squeeze %dma_start3A_449 : memref<1x80xi32, #tpu.memory_space<vmem>> -> memref<80xi32, #tpu.memory_space<vmem>>
      %dma_start3A_451 = arith.constant 0 : i32
      %dma_start3A_452 = arith.constant 0 : i32
      %dma_start3A_453 = tpu.memref_slice %arg2[%dma_start3A_451, %dma_start3A_452] : memref<20000x128xf32, #tpu.memory_space<hbm>> -> memref<20000x128xf32, #tpu.memory_space<hbm>>
      tpu.enqueue_indirect_dma source(%dma_start3A_453 : memref<20000x128xf32, #tpu.memory_space<hbm>>) target(%arg13 : memref<80x128xf32, #tpu.memory_space<vmem>>) offsets(%dma_start3A_450 : memref<80xi32, #tpu.memory_space<vmem>>) semaphore(%arg17 : memref<!tpu.dma_semaphore, #tpu.memory_space<semaphore_mem>>)
      %eq3A_454 = arith.constant 1 : i32
      %eq3A_455 = arith.cmpi eq, %arg0, %eq3A_454 : i32
      %convert_element_type3A_456 = arith.extui %eq3A_455 : i1 to i32
      %cond3A_457 = arith.constant 0 : i32
      %cond3A_458 = arith.cmpi ne, %convert_element_type3A_456, %cond3A_457 : i32
      scf.if %cond3A_458 {
        %get3A = arith.constant 5 : i32
        %get3A_789 = arith.index_cast %get3A : i32 to index
        %get3A_790 = arith.constant 0 : index
        %get3A_791 = tpu.vector_load %arg12[%get3A_789, %get3A_790] {strides = array<i32>} : memref<16x80xi32, #tpu.memory_space<vmem>>, vector<16xi32>,
        %shift_right_logical3A = arith.constant 7 : i32
        %shift_right_logical3A_792 = vector.broadcast %shift_right_logical3A : i32 to vector<16xi32>
        %shift_right_logical3A_793 = arith.shrui %get3A_791, %shift_right_logical3A_792 : vector<16xi32>
        %and3A = arith.constant 127 : i32
        %and3A_794 = vector.broadcast %and3A : i32 to vector<16xi32>
        %and3A_795 = arith.andi %get3A_791, %and3A_794 : vector<16xi32>
        tpu.vector_store_idx %arg15[%shift_right_logical3A_793, %and3A_795], %broadcast_in_dim3A_94 {add = true} : memref<80x128xf32, #tpu.memory_space<vmem>>[vector<16xi32>, vector<16xi32>], vector<16xf32>,
        %get3A_796 = arith.constant 5 : i32
        %get3A_797 = arith.index_cast %get3A_796 : i32 to index
        %get3A_798 = arith.constant 16 : index
        %get3A_799 = tpu.vector_load %arg12[%get3A_797, %get3A_798] {strides = array<i32>} : memref<16x80xi32, #tpu.memory_space<vmem>>, vector<16xi32>,
        %shift_right_logical3A_800 = arith.constant 7 : i32
        %shift_right_logical3A_801 = vector.broadcast %shift_right_logical3A_800 : i32 to vector<16xi32>
        %shift_right_logical3A_802 = arith.shrui %get3A_799, %shift_right_logical3A_801 : vector<16xi32>
        %and3A_803 = arith.constant 127 : i32
        %and3A_804 = vector.broadcast %and3A_803 : i32 to vector<16xi32>
        %and3A_805 = arith.andi %get3A_799, %and3A_804 : vector<16xi32>
        tpu.vector_store_idx %arg15[%shift_right_logical3A_802, %and3A_805], %broadcast_in_dim3A_94 {add = true} : memref<80x128xf32, #tpu.memory_space<vmem>>[vector<16xi32>, vector<16xi32>], vector<16xf32>,
        %get3A_806 = arith.constant 5 : i32
        %get3A_807 = arith.index_cast %get3A_806 : i32 to index
        %get3A_808 = arith.constant 32 : index
        %get3A_809 = tpu.vector_load %arg12[%get3A_807, %get3A_808] {strides = array<i32>} : memref<16x80xi32, #tpu.memory_space<vmem>>, vector<16xi32>,
        %shift_right_logical3A_810 = arith.constant 7 : i32
        %shift_right_logical3A_811 = vector.broadcast %shift_right_logical3A_810 : i32 to vector<16xi32>
        %shift_right_logical3A_812 = arith.shrui %get3A_809, %shift_right_logical3A_811 : vector<16xi32>
        %and3A_813 = arith.constant 127 : i32
        %and3A_814 = vector.broadcast %and3A_813 : i32 to vector<16xi32>
        %and3A_815 = arith.andi %get3A_809, %and3A_814 : vector<16xi32>
        tpu.vector_store_idx %arg15[%shift_right_logical3A_812, %and3A_815], %broadcast_in_dim3A_94 {add = true} : memref<80x128xf32, #tpu.memory_space<vmem>>[vector<16xi32>, vector<16xi32>], vector<16xf32>,
        %get3A_816 = arith.constant 5 : i32
        %get3A_817 = arith.index_cast %get3A_816 : i32 to index
        %get3A_818 = arith.constant 48 : index
        %get3A_819 = tpu.vector_load %arg12[%get3A_817, %get3A_818] {strides = array<i32>} : memref<16x80xi32, #tpu.memory_space<vmem>>, vector<16xi32>,
        %shift_right_logical3A_820 = arith.constant 7 : i32
        %shift_right_logical3A_821 = vector.broadcast %shift_right_logical3A_820 : i32 to vector<16xi32>
        %shift_right_logical3A_822 = arith.shrui %get3A_819, %shift_right_logical3A_821 : vector<16xi32>
        %and3A_823 = arith.constant 127 : i32
        %and3A_824 = vector.broadcast %and3A_823 : i32 to vector<16xi32>
        %and3A_825 = arith.andi %get3A_819, %and3A_824 : vector<16xi32>
        tpu.vector_store_idx %arg15[%shift_right_logical3A_822, %and3A_825], %broadcast_in_dim3A_94 {add = true} : memref<80x128xf32, #tpu.memory_space<vmem>>[vector<16xi32>, vector<16xi32>], vector<16xf32>,
        %get3A_826 = arith.constant 5 : i32
        %get3A_827 = arith.index_cast %get3A_826 : i32 to index
        %get3A_828 = arith.constant 64 : index
        %get3A_829 = tpu.vector_load %arg12[%get3A_827, %get3A_828] {strides = array<i32>} : memref<16x80xi32, #tpu.memory_space<vmem>>, vector<16xi32>,
        %shift_right_logical3A_830 = arith.constant 7 : i32
        %shift_right_logical3A_831 = vector.broadcast %shift_right_logical3A_830 : i32 to vector<16xi32>
        %shift_right_logical3A_832 = arith.shrui %get3A_829, %shift_right_logical3A_831 : vector<16xi32>
        %and3A_833 = arith.constant 127 : i32
        %and3A_834 = vector.broadcast %and3A_833 : i32 to vector<16xi32>
        %and3A_835 = arith.andi %get3A_829, %and3A_834 : vector<16xi32>
        tpu.vector_store_idx %arg15[%shift_right_logical3A_832, %and3A_835], %broadcast_in_dim3A_94 {add = true} : memref<80x128xf32, #tpu.memory_space<vmem>>[vector<16xi32>, vector<16xi32>], vector<16xf32>,
      } else {
      }
      %dma_wait3A_459 = arith.constant 6 : i32
      %dma_wait3A_460 = arith.constant 0 : i32
      %dma_wait3A_461 = tpu.memref_slice %arg11[%dma_wait3A_459, %dma_wait3A_460] : memref<16x80xi32, #tpu.memory_space<vmem>> -> memref<1x80xi32, #tpu.memory_space<vmem>>
      %dma_wait3A_462 = tpu.memref_squeeze %dma_wait3A_461 : memref<1x80xi32, #tpu.memory_space<vmem>> -> memref<80xi32, #tpu.memory_space<vmem>>
      %dma_wait3A_463 = arith.constant 0 : i32
      %dma_wait3A_464 = arith.constant 0 : i32
      %dma_wait3A_465 = tpu.memref_slice %arg2[%dma_wait3A_463, %dma_wait3A_464] : memref<20000x128xf32, #tpu.memory_space<hbm>> -> memref<20000x128xf32, #tpu.memory_space<hbm>>
      tpu.wait_indirect_dma semaphore(%arg17 : memref<!tpu.dma_semaphore, #tpu.memory_space<semaphore_mem>>) src(%dma_wait3A_465 : memref<20000x128xf32, #tpu.memory_space<hbm>>) dst(%arg13 : memref<80x128xf32, #tpu.memory_space<vmem>>)
      %dma_wait3A_466 = arith.constant 5 : i32
      %dma_wait3A_467 = arith.constant 0 : i32
      %dma_wait3A_468 = tpu.memref_slice %arg12[%dma_wait3A_466, %dma_wait3A_467] : memref<16x80xi32, #tpu.memory_space<vmem>> -> memref<1x80xi32, #tpu.memory_space<vmem>>
      %dma_wait3A_469 = tpu.memref_squeeze %dma_wait3A_468 : memref<1x80xi32, #tpu.memory_space<vmem>> -> memref<80xi32, #tpu.memory_space<vmem>>
      %dma_wait3A_470 = arith.constant 0 : i32
      %dma_wait3A_471 = arith.constant 0 : i32
      %dma_wait3A_472 = tpu.memref_slice %arg9[%dma_wait3A_470, %dma_wait3A_471] : memref<10240x128xf32, #tpu.memory_space<vmem_shared>> -> memref<10240x128xf32, #tpu.memory_space<vmem_shared>>
      tpu.wait_indirect_dma semaphore(%arg20 : memref<!tpu.dma_semaphore, #tpu.memory_space<semaphore_mem>>) src(%arg14 : memref<80x128xf32, #tpu.memory_space<vmem>>) dst(%dma_wait3A_472 : memref<10240x128xf32, #tpu.memory_space<vmem_shared>>)
      %dma_start3A_473 = arith.constant 6 : i32
      %dma_start3A_474 = arith.constant 0 : i32
      %dma_start3A_475 = tpu.memref_slice %arg12[%dma_start3A_473, %dma_start3A_474] : memref<16x80xi32, #tpu.memory_space<vmem>> -> memref<1x80xi32, #tpu.memory_space<vmem>>
      %dma_start3A_476 = tpu.memref_squeeze %dma_start3A_475 : memref<1x80xi32, #tpu.memory_space<vmem>> -> memref<80xi32, #tpu.memory_space<vmem>>
      %dma_start3A_477 = arith.constant 0 : i32
      %dma_start3A_478 = arith.constant 0 : i32
      %dma_start3A_479 = tpu.memref_slice %arg9[%dma_start3A_477, %dma_start3A_478] : memref<10240x128xf32, #tpu.memory_space<vmem_shared>> -> memref<10240x128xf32, #tpu.memory_space<vmem_shared>>
      tpu.enqueue_indirect_dma source(%arg13 : memref<80x128xf32, #tpu.memory_space<vmem>>) target(%dma_start3A_479 : memref<10240x128xf32, #tpu.memory_space<vmem_shared>>) offsets(%dma_start3A_476 : memref<80xi32, #tpu.memory_space<vmem>>) semaphore(%arg19 : memref<!tpu.dma_semaphore, #tpu.memory_space<semaphore_mem>>) {add = true}
      %dma_start3A_480 = arith.constant 7 : i32
      %dma_start3A_481 = arith.constant 0 : i32
      %dma_start3A_482 = tpu.memref_slice %arg11[%dma_start3A_480, %dma_start3A_481] : memref<16x80xi32, #tpu.memory_space<vmem>> -> memref<1x80xi32, #tpu.memory_space<vmem>>
      %dma_start3A_483 = tpu.memref_squeeze %dma_start3A_482 : memref<1x80xi32, #tpu.memory_space<vmem>> -> memref<80xi32, #tpu.memory_space<vmem>>
      %dma_start3A_484 = arith.constant 0 : i32
      %dma_start3A_485 = arith.constant 0 : i32
      %dma_start3A_486 = tpu.memref_slice %arg2[%dma_start3A_484, %dma_start3A_485] : memref<20000x128xf32, #tpu.memory_space<hbm>> -> memref<20000x128xf32, #tpu.memory_space<hbm>>
      tpu.enqueue_indirect_dma source(%dma_start3A_486 : memref<20000x128xf32, #tpu.memory_space<hbm>>) target(%arg14 : memref<80x128xf32, #tpu.memory_space<vmem>>) offsets(%dma_start3A_483 : memref<80xi32, #tpu.memory_space<vmem>>) semaphore(%arg18 : memref<!tpu.dma_semaphore, #tpu.memory_space<semaphore_mem>>)
      %eq3A_487 = arith.constant 0 : i32
      %eq3A_488 = arith.cmpi eq, %arg0, %eq3A_487 : i32
      %convert_element_type3A_489 = arith.extui %eq3A_488 : i1 to i32
      %cond3A_490 = arith.constant 0 : i32
      %cond3A_491 = arith.cmpi ne, %convert_element_type3A_489, %cond3A_490 : i32
      scf.if %cond3A_491 {
        %get3A = arith.constant 6 : i32
        %get3A_789 = arith.index_cast %get3A : i32 to index
        %get3A_790 = arith.constant 0 : index
        %get3A_791 = tpu.vector_load %arg12[%get3A_789, %get3A_790] {strides = array<i32>} : memref<16x80xi32, #tpu.memory_space<vmem>>, vector<16xi32>,
        %shift_right_logical3A = arith.constant 7 : i32
        %shift_right_logical3A_792 = vector.broadcast %shift_right_logical3A : i32 to vector<16xi32>
        %shift_right_logical3A_793 = arith.shrui %get3A_791, %shift_right_logical3A_792 : vector<16xi32>
        %and3A = arith.constant 127 : i32
        %and3A_794 = vector.broadcast %and3A : i32 to vector<16xi32>
        %and3A_795 = arith.andi %get3A_791, %and3A_794 : vector<16xi32>
        tpu.vector_store_idx %arg15[%shift_right_logical3A_793, %and3A_795], %broadcast_in_dim3A_94 {add = true} : memref<80x128xf32, #tpu.memory_space<vmem>>[vector<16xi32>, vector<16xi32>], vector<16xf32>,
        %get3A_796 = arith.constant 6 : i32
        %get3A_797 = arith.index_cast %get3A_796 : i32 to index
        %get3A_798 = arith.constant 16 : index
        %get3A_799 = tpu.vector_load %arg12[%get3A_797, %get3A_798] {strides = array<i32>} : memref<16x80xi32, #tpu.memory_space<vmem>>, vector<16xi32>,
        %shift_right_logical3A_800 = arith.constant 7 : i32
        %shift_right_logical3A_801 = vector.broadcast %shift_right_logical3A_800 : i32 to vector<16xi32>
        %shift_right_logical3A_802 = arith.shrui %get3A_799, %shift_right_logical3A_801 : vector<16xi32>
        %and3A_803 = arith.constant 127 : i32
        %and3A_804 = vector.broadcast %and3A_803 : i32 to vector<16xi32>
        %and3A_805 = arith.andi %get3A_799, %and3A_804 : vector<16xi32>
        tpu.vector_store_idx %arg15[%shift_right_logical3A_802, %and3A_805], %broadcast_in_dim3A_94 {add = true} : memref<80x128xf32, #tpu.memory_space<vmem>>[vector<16xi32>, vector<16xi32>], vector<16xf32>,
        %get3A_806 = arith.constant 6 : i32
        %get3A_807 = arith.index_cast %get3A_806 : i32 to index
        %get3A_808 = arith.constant 32 : index
        %get3A_809 = tpu.vector_load %arg12[%get3A_807, %get3A_808] {strides = array<i32>} : memref<16x80xi32, #tpu.memory_space<vmem>>, vector<16xi32>,
        %shift_right_logical3A_810 = arith.constant 7 : i32
        %shift_right_logical3A_811 = vector.broadcast %shift_right_logical3A_810 : i32 to vector<16xi32>
        %shift_right_logical3A_812 = arith.shrui %get3A_809, %shift_right_logical3A_811 : vector<16xi32>
        %and3A_813 = arith.constant 127 : i32
        %and3A_814 = vector.broadcast %and3A_813 : i32 to vector<16xi32>
        %and3A_815 = arith.andi %get3A_809, %and3A_814 : vector<16xi32>
        tpu.vector_store_idx %arg15[%shift_right_logical3A_812, %and3A_815], %broadcast_in_dim3A_94 {add = true} : memref<80x128xf32, #tpu.memory_space<vmem>>[vector<16xi32>, vector<16xi32>], vector<16xf32>,
        %get3A_816 = arith.constant 6 : i32
        %get3A_817 = arith.index_cast %get3A_816 : i32 to index
        %get3A_818 = arith.constant 48 : index
        %get3A_819 = tpu.vector_load %arg12[%get3A_817, %get3A_818] {strides = array<i32>} : memref<16x80xi32, #tpu.memory_space<vmem>>, vector<16xi32>,
        %shift_right_logical3A_820 = arith.constant 7 : i32
        %shift_right_logical3A_821 = vector.broadcast %shift_right_logical3A_820 : i32 to vector<16xi32>
        %shift_right_logical3A_822 = arith.shrui %get3A_819, %shift_right_logical3A_821 : vector<16xi32>
        %and3A_823 = arith.constant 127 : i32
        %and3A_824 = vector.broadcast %and3A_823 : i32 to vector<16xi32>
        %and3A_825 = arith.andi %get3A_819, %and3A_824 : vector<16xi32>
        tpu.vector_store_idx %arg15[%shift_right_logical3A_822, %and3A_825], %broadcast_in_dim3A_94 {add = true} : memref<80x128xf32, #tpu.memory_space<vmem>>[vector<16xi32>, vector<16xi32>], vector<16xf32>,
        %get3A_826 = arith.constant 6 : i32
        %get3A_827 = arith.index_cast %get3A_826 : i32 to index
        %get3A_828 = arith.constant 64 : index
        %get3A_829 = tpu.vector_load %arg12[%get3A_827, %get3A_828] {strides = array<i32>} : memref<16x80xi32, #tpu.memory_space<vmem>>, vector<16xi32>,
        %shift_right_logical3A_830 = arith.constant 7 : i32
        %shift_right_logical3A_831 = vector.broadcast %shift_right_logical3A_830 : i32 to vector<16xi32>
        %shift_right_logical3A_832 = arith.shrui %get3A_829, %shift_right_logical3A_831 : vector<16xi32>
        %and3A_833 = arith.constant 127 : i32
        %and3A_834 = vector.broadcast %and3A_833 : i32 to vector<16xi32>
        %and3A_835 = arith.andi %get3A_829, %and3A_834 : vector<16xi32>
        tpu.vector_store_idx %arg15[%shift_right_logical3A_832, %and3A_835], %broadcast_in_dim3A_94 {add = true} : memref<80x128xf32, #tpu.memory_space<vmem>>[vector<16xi32>, vector<16xi32>], vector<16xf32>,
      } else {
      }
      %dma_wait3A_492 = arith.constant 7 : i32
      %dma_wait3A_493 = arith.constant 0 : i32
      %dma_wait3A_494 = tpu.memref_slice %arg11[%dma_wait3A_492, %dma_wait3A_493] : memref<16x80xi32, #tpu.memory_space<vmem>> -> memref<1x80xi32, #tpu.memory_space<vmem>>
      %dma_wait3A_495 = tpu.memref_squeeze %dma_wait3A_494 : memref<1x80xi32, #tpu.memory_space<vmem>> -> memref<80xi32, #tpu.memory_space<vmem>>
      %dma_wait3A_496 = arith.constant 0 : i32
      %dma_wait3A_497 = arith.constant 0 : i32
      %dma_wait3A_498 = tpu.memref_slice %arg2[%dma_wait3A_496, %dma_wait3A_497] : memref<20000x128xf32, #tpu.memory_space<hbm>> -> memref<20000x128xf32, #tpu.memory_space<hbm>>
      tpu.wait_indirect_dma semaphore(%arg18 : memref<!tpu.dma_semaphore, #tpu.memory_space<semaphore_mem>>) src(%dma_wait3A_498 : memref<20000x128xf32, #tpu.memory_space<hbm>>) dst(%arg14 : memref<80x128xf32, #tpu.memory_space<vmem>>)
      %dma_wait3A_499 = arith.constant 6 : i32
      %dma_wait3A_500 = arith.constant 0 : i32
      %dma_wait3A_501 = tpu.memref_slice %arg12[%dma_wait3A_499, %dma_wait3A_500] : memref<16x80xi32, #tpu.memory_space<vmem>> -> memref<1x80xi32, #tpu.memory_space<vmem>>
      %dma_wait3A_502 = tpu.memref_squeeze %dma_wait3A_501 : memref<1x80xi32, #tpu.memory_space<vmem>> -> memref<80xi32, #tpu.memory_space<vmem>>
      %dma_wait3A_503 = arith.constant 0 : i32
      %dma_wait3A_504 = arith.constant 0 : i32
      %dma_wait3A_505 = tpu.memref_slice %arg9[%dma_wait3A_503, %dma_wait3A_504] : memref<10240x128xf32, #tpu.memory_space<vmem_shared>> -> memref<10240x128xf32, #tpu.memory_space<vmem_shared>>
      tpu.wait_indirect_dma semaphore(%arg19 : memref<!tpu.dma_semaphore, #tpu.memory_space<semaphore_mem>>) src(%arg13 : memref<80x128xf32, #tpu.memory_space<vmem>>) dst(%dma_wait3A_505 : memref<10240x128xf32, #tpu.memory_space<vmem_shared>>)
      %dma_start3A_506 = arith.constant 7 : i32
      %dma_start3A_507 = arith.constant 0 : i32
      %dma_start3A_508 = tpu.memref_slice %arg12[%dma_start3A_506, %dma_start3A_507] : memref<16x80xi32, #tpu.memory_space<vmem>> -> memref<1x80xi32, #tpu.memory_space<vmem>>
      %dma_start3A_509 = tpu.memref_squeeze %dma_start3A_508 : memref<1x80xi32, #tpu.memory_space<vmem>> -> memref<80xi32, #tpu.memory_space<vmem>>
      %dma_start3A_510 = arith.constant 0 : i32
      %dma_start3A_511 = arith.constant 0 : i32
      %dma_start3A_512 = tpu.memref_slice %arg9[%dma_start3A_510, %dma_start3A_511] : memref<10240x128xf32, #tpu.memory_space<vmem_shared>> -> memref<10240x128xf32, #tpu.memory_space<vmem_shared>>
      tpu.enqueue_indirect_dma source(%arg14 : memref<80x128xf32, #tpu.memory_space<vmem>>) target(%dma_start3A_512 : memref<10240x128xf32, #tpu.memory_space<vmem_shared>>) offsets(%dma_start3A_509 : memref<80xi32, #tpu.memory_space<vmem>>) semaphore(%arg20 : memref<!tpu.dma_semaphore, #tpu.memory_space<semaphore_mem>>) {add = true}
      %dma_start3A_513 = arith.constant 8 : i32
      %dma_start3A_514 = arith.constant 0 : i32
      %dma_start3A_515 = tpu.memref_slice %arg11[%dma_start3A_513, %dma_start3A_514] : memref<16x80xi32, #tpu.memory_space<vmem>> -> memref<1x80xi32, #tpu.memory_space<vmem>>
      %dma_start3A_516 = tpu.memref_squeeze %dma_start3A_515 : memref<1x80xi32, #tpu.memory_space<vmem>> -> memref<80xi32, #tpu.memory_space<vmem>>
      %dma_start3A_517 = arith.constant 0 : i32
      %dma_start3A_518 = arith.constant 0 : i32
      %dma_start3A_519 = tpu.memref_slice %arg2[%dma_start3A_517, %dma_start3A_518] : memref<20000x128xf32, #tpu.memory_space<hbm>> -> memref<20000x128xf32, #tpu.memory_space<hbm>>
      tpu.enqueue_indirect_dma source(%dma_start3A_519 : memref<20000x128xf32, #tpu.memory_space<hbm>>) target(%arg13 : memref<80x128xf32, #tpu.memory_space<vmem>>) offsets(%dma_start3A_516 : memref<80xi32, #tpu.memory_space<vmem>>) semaphore(%arg17 : memref<!tpu.dma_semaphore, #tpu.memory_space<semaphore_mem>>)
      %eq3A_520 = arith.constant 1 : i32
      %eq3A_521 = arith.cmpi eq, %arg0, %eq3A_520 : i32
      %convert_element_type3A_522 = arith.extui %eq3A_521 : i1 to i32
      %cond3A_523 = arith.constant 0 : i32
      %cond3A_524 = arith.cmpi ne, %convert_element_type3A_522, %cond3A_523 : i32
      scf.if %cond3A_524 {
        %get3A = arith.constant 7 : i32
        %get3A_789 = arith.index_cast %get3A : i32 to index
        %get3A_790 = arith.constant 0 : index
        %get3A_791 = tpu.vector_load %arg12[%get3A_789, %get3A_790] {strides = array<i32>} : memref<16x80xi32, #tpu.memory_space<vmem>>, vector<16xi32>,
        %shift_right_logical3A = arith.constant 7 : i32
        %shift_right_logical3A_792 = vector.broadcast %shift_right_logical3A : i32 to vector<16xi32>
        %shift_right_logical3A_793 = arith.shrui %get3A_791, %shift_right_logical3A_792 : vector<16xi32>
        %and3A = arith.constant 127 : i32
        %and3A_794 = vector.broadcast %and3A : i32 to vector<16xi32>
        %and3A_795 = arith.andi %get3A_791, %and3A_794 : vector<16xi32>
        tpu.vector_store_idx %arg15[%shift_right_logical3A_793, %and3A_795], %broadcast_in_dim3A_94 {add = true} : memref<80x128xf32, #tpu.memory_space<vmem>>[vector<16xi32>, vector<16xi32>], vector<16xf32>,
        %get3A_796 = arith.constant 7 : i32
        %get3A_797 = arith.index_cast %get3A_796 : i32 to index
        %get3A_798 = arith.constant 16 : index
        %get3A_799 = tpu.vector_load %arg12[%get3A_797, %get3A_798] {strides = array<i32>} : memref<16x80xi32, #tpu.memory_space<vmem>>, vector<16xi32>,
        %shift_right_logical3A_800 = arith.constant 7 : i32
        %shift_right_logical3A_801 = vector.broadcast %shift_right_logical3A_800 : i32 to vector<16xi32>
        %shift_right_logical3A_802 = arith.shrui %get3A_799, %shift_right_logical3A_801 : vector<16xi32>
        %and3A_803 = arith.constant 127 : i32
        %and3A_804 = vector.broadcast %and3A_803 : i32 to vector<16xi32>
        %and3A_805 = arith.andi %get3A_799, %and3A_804 : vector<16xi32>
        tpu.vector_store_idx %arg15[%shift_right_logical3A_802, %and3A_805], %broadcast_in_dim3A_94 {add = true} : memref<80x128xf32, #tpu.memory_space<vmem>>[vector<16xi32>, vector<16xi32>], vector<16xf32>,
        %get3A_806 = arith.constant 7 : i32
        %get3A_807 = arith.index_cast %get3A_806 : i32 to index
        %get3A_808 = arith.constant 32 : index
        %get3A_809 = tpu.vector_load %arg12[%get3A_807, %get3A_808] {strides = array<i32>} : memref<16x80xi32, #tpu.memory_space<vmem>>, vector<16xi32>,
        %shift_right_logical3A_810 = arith.constant 7 : i32
        %shift_right_logical3A_811 = vector.broadcast %shift_right_logical3A_810 : i32 to vector<16xi32>
        %shift_right_logical3A_812 = arith.shrui %get3A_809, %shift_right_logical3A_811 : vector<16xi32>
        %and3A_813 = arith.constant 127 : i32
        %and3A_814 = vector.broadcast %and3A_813 : i32 to vector<16xi32>
        %and3A_815 = arith.andi %get3A_809, %and3A_814 : vector<16xi32>
        tpu.vector_store_idx %arg15[%shift_right_logical3A_812, %and3A_815], %broadcast_in_dim3A_94 {add = true} : memref<80x128xf32, #tpu.memory_space<vmem>>[vector<16xi32>, vector<16xi32>], vector<16xf32>,
        %get3A_816 = arith.constant 7 : i32
        %get3A_817 = arith.index_cast %get3A_816 : i32 to index
        %get3A_818 = arith.constant 48 : index
        %get3A_819 = tpu.vector_load %arg12[%get3A_817, %get3A_818] {strides = array<i32>} : memref<16x80xi32, #tpu.memory_space<vmem>>, vector<16xi32>,
        %shift_right_logical3A_820 = arith.constant 7 : i32
        %shift_right_logical3A_821 = vector.broadcast %shift_right_logical3A_820 : i32 to vector<16xi32>
        %shift_right_logical3A_822 = arith.shrui %get3A_819, %shift_right_logical3A_821 : vector<16xi32>
        %and3A_823 = arith.constant 127 : i32
        %and3A_824 = vector.broadcast %and3A_823 : i32 to vector<16xi32>
        %and3A_825 = arith.andi %get3A_819, %and3A_824 : vector<16xi32>
        tpu.vector_store_idx %arg15[%shift_right_logical3A_822, %and3A_825], %broadcast_in_dim3A_94 {add = true} : memref<80x128xf32, #tpu.memory_space<vmem>>[vector<16xi32>, vector<16xi32>], vector<16xf32>,
        %get3A_826 = arith.constant 7 : i32
        %get3A_827 = arith.index_cast %get3A_826 : i32 to index
        %get3A_828 = arith.constant 64 : index
        %get3A_829 = tpu.vector_load %arg12[%get3A_827, %get3A_828] {strides = array<i32>} : memref<16x80xi32, #tpu.memory_space<vmem>>, vector<16xi32>,
        %shift_right_logical3A_830 = arith.constant 7 : i32
        %shift_right_logical3A_831 = vector.broadcast %shift_right_logical3A_830 : i32 to vector<16xi32>
        %shift_right_logical3A_832 = arith.shrui %get3A_829, %shift_right_logical3A_831 : vector<16xi32>
        %and3A_833 = arith.constant 127 : i32
        %and3A_834 = vector.broadcast %and3A_833 : i32 to vector<16xi32>
        %and3A_835 = arith.andi %get3A_829, %and3A_834 : vector<16xi32>
        tpu.vector_store_idx %arg15[%shift_right_logical3A_832, %and3A_835], %broadcast_in_dim3A_94 {add = true} : memref<80x128xf32, #tpu.memory_space<vmem>>[vector<16xi32>, vector<16xi32>], vector<16xf32>,
      } else {
      }
      %dma_wait3A_525 = arith.constant 8 : i32
      %dma_wait3A_526 = arith.constant 0 : i32
      %dma_wait3A_527 = tpu.memref_slice %arg11[%dma_wait3A_525, %dma_wait3A_526] : memref<16x80xi32, #tpu.memory_space<vmem>> -> memref<1x80xi32, #tpu.memory_space<vmem>>
      %dma_wait3A_528 = tpu.memref_squeeze %dma_wait3A_527 : memref<1x80xi32, #tpu.memory_space<vmem>> -> memref<80xi32, #tpu.memory_space<vmem>>
      %dma_wait3A_529 = arith.constant 0 : i32
      %dma_wait3A_530 = arith.constant 0 : i32
      %dma_wait3A_531 = tpu.memref_slice %arg2[%dma_wait3A_529, %dma_wait3A_530] : memref<20000x128xf32, #tpu.memory_space<hbm>> -> memref<20000x128xf32, #tpu.memory_space<hbm>>
      tpu.wait_indirect_dma semaphore(%arg17 : memref<!tpu.dma_semaphore, #tpu.memory_space<semaphore_mem>>) src(%dma_wait3A_531 : memref<20000x128xf32, #tpu.memory_space<hbm>>) dst(%arg13 : memref<80x128xf32, #tpu.memory_space<vmem>>)
      %dma_wait3A_532 = arith.constant 7 : i32
      %dma_wait3A_533 = arith.constant 0 : i32
      %dma_wait3A_534 = tpu.memref_slice %arg12[%dma_wait3A_532, %dma_wait3A_533] : memref<16x80xi32, #tpu.memory_space<vmem>> -> memref<1x80xi32, #tpu.memory_space<vmem>>
      %dma_wait3A_535 = tpu.memref_squeeze %dma_wait3A_534 : memref<1x80xi32, #tpu.memory_space<vmem>> -> memref<80xi32, #tpu.memory_space<vmem>>
      %dma_wait3A_536 = arith.constant 0 : i32
      %dma_wait3A_537 = arith.constant 0 : i32
      %dma_wait3A_538 = tpu.memref_slice %arg9[%dma_wait3A_536, %dma_wait3A_537] : memref<10240x128xf32, #tpu.memory_space<vmem_shared>> -> memref<10240x128xf32, #tpu.memory_space<vmem_shared>>
      tpu.wait_indirect_dma semaphore(%arg20 : memref<!tpu.dma_semaphore, #tpu.memory_space<semaphore_mem>>) src(%arg14 : memref<80x128xf32, #tpu.memory_space<vmem>>) dst(%dma_wait3A_538 : memref<10240x128xf32, #tpu.memory_space<vmem_shared>>)
      %dma_start3A_539 = arith.constant 8 : i32
      %dma_start3A_540 = arith.constant 0 : i32
      %dma_start3A_541 = tpu.memref_slice %arg12[%dma_start3A_539, %dma_start3A_540] : memref<16x80xi32, #tpu.memory_space<vmem>> -> memref<1x80xi32, #tpu.memory_space<vmem>>
      %dma_start3A_542 = tpu.memref_squeeze %dma_start3A_541 : memref<1x80xi32, #tpu.memory_space<vmem>> -> memref<80xi32, #tpu.memory_space<vmem>>
      %dma_start3A_543 = arith.constant 0 : i32
      %dma_start3A_544 = arith.constant 0 : i32
      %dma_start3A_545 = tpu.memref_slice %arg9[%dma_start3A_543, %dma_start3A_544] : memref<10240x128xf32, #tpu.memory_space<vmem_shared>> -> memref<10240x128xf32, #tpu.memory_space<vmem_shared>>
      tpu.enqueue_indirect_dma source(%arg13 : memref<80x128xf32, #tpu.memory_space<vmem>>) target(%dma_start3A_545 : memref<10240x128xf32, #tpu.memory_space<vmem_shared>>) offsets(%dma_start3A_542 : memref<80xi32, #tpu.memory_space<vmem>>) semaphore(%arg19 : memref<!tpu.dma_semaphore, #tpu.memory_space<semaphore_mem>>) {add = true}
      %dma_start3A_546 = arith.constant 9 : i32
      %dma_start3A_547 = arith.constant 0 : i32
      %dma_start3A_548 = tpu.memref_slice %arg11[%dma_start3A_546, %dma_start3A_547] : memref<16x80xi32, #tpu.memory_space<vmem>> -> memref<1x80xi32, #tpu.memory_space<vmem>>
      %dma_start3A_549 = tpu.memref_squeeze %dma_start3A_548 : memref<1x80xi32, #tpu.memory_space<vmem>> -> memref<80xi32, #tpu.memory_space<vmem>>
      %dma_start3A_550 = arith.constant 0 : i32
      %dma_start3A_551 = arith.constant 0 : i32
      %dma_start3A_552 = tpu.memref_slice %arg2[%dma_start3A_550, %dma_start3A_551] : memref<20000x128xf32, #tpu.memory_space<hbm>> -> memref<20000x128xf32, #tpu.memory_space<hbm>>
      tpu.enqueue_indirect_dma source(%dma_start3A_552 : memref<20000x128xf32, #tpu.memory_space<hbm>>) target(%arg14 : memref<80x128xf32, #tpu.memory_space<vmem>>) offsets(%dma_start3A_549 : memref<80xi32, #tpu.memory_space<vmem>>) semaphore(%arg18 : memref<!tpu.dma_semaphore, #tpu.memory_space<semaphore_mem>>)
      %eq3A_553 = arith.constant 0 : i32
      %eq3A_554 = arith.cmpi eq, %arg0, %eq3A_553 : i32
      %convert_element_type3A_555 = arith.extui %eq3A_554 : i1 to i32
      %cond3A_556 = arith.constant 0 : i32
      %cond3A_557 = arith.cmpi ne, %convert_element_type3A_555, %cond3A_556 : i32
      scf.if %cond3A_557 {
        %get3A = arith.constant 8 : i32
        %get3A_789 = arith.index_cast %get3A : i32 to index
        %get3A_790 = arith.constant 0 : index
        %get3A_791 = tpu.vector_load %arg12[%get3A_789, %get3A_790] {strides = array<i32>} : memref<16x80xi32, #tpu.memory_space<vmem>>, vector<16xi32>,
        %shift_right_logical3A = arith.constant 7 : i32
        %shift_right_logical3A_792 = vector.broadcast %shift_right_logical3A : i32 to vector<16xi32>
        %shift_right_logical3A_793 = arith.shrui %get3A_791, %shift_right_logical3A_792 : vector<16xi32>
        %and3A = arith.constant 127 : i32
        %and3A_794 = vector.broadcast %and3A : i32 to vector<16xi32>
        %and3A_795 = arith.andi %get3A_791, %and3A_794 : vector<16xi32>
        tpu.vector_store_idx %arg15[%shift_right_logical3A_793, %and3A_795], %broadcast_in_dim3A_94 {add = true} : memref<80x128xf32, #tpu.memory_space<vmem>>[vector<16xi32>, vector<16xi32>], vector<16xf32>,
        %get3A_796 = arith.constant 8 : i32
        %get3A_797 = arith.index_cast %get3A_796 : i32 to index
        %get3A_798 = arith.constant 16 : index
        %get3A_799 = tpu.vector_load %arg12[%get3A_797, %get3A_798] {strides = array<i32>} : memref<16x80xi32, #tpu.memory_space<vmem>>, vector<16xi32>,
        %shift_right_logical3A_800 = arith.constant 7 : i32
        %shift_right_logical3A_801 = vector.broadcast %shift_right_logical3A_800 : i32 to vector<16xi32>
        %shift_right_logical3A_802 = arith.shrui %get3A_799, %shift_right_logical3A_801 : vector<16xi32>
        %and3A_803 = arith.constant 127 : i32
        %and3A_804 = vector.broadcast %and3A_803 : i32 to vector<16xi32>
        %and3A_805 = arith.andi %get3A_799, %and3A_804 : vector<16xi32>
        tpu.vector_store_idx %arg15[%shift_right_logical3A_802, %and3A_805], %broadcast_in_dim3A_94 {add = true} : memref<80x128xf32, #tpu.memory_space<vmem>>[vector<16xi32>, vector<16xi32>], vector<16xf32>,
        %get3A_806 = arith.constant 8 : i32
        %get3A_807 = arith.index_cast %get3A_806 : i32 to index
        %get3A_808 = arith.constant 32 : index
        %get3A_809 = tpu.vector_load %arg12[%get3A_807, %get3A_808] {strides = array<i32>} : memref<16x80xi32, #tpu.memory_space<vmem>>, vector<16xi32>,
        %shift_right_logical3A_810 = arith.constant 7 : i32
        %shift_right_logical3A_811 = vector.broadcast %shift_right_logical3A_810 : i32 to vector<16xi32>
        %shift_right_logical3A_812 = arith.shrui %get3A_809, %shift_right_logical3A_811 : vector<16xi32>
        %and3A_813 = arith.constant 127 : i32
        %and3A_814 = vector.broadcast %and3A_813 : i32 to vector<16xi32>
        %and3A_815 = arith.andi %get3A_809, %and3A_814 : vector<16xi32>
        tpu.vector_store_idx %arg15[%shift_right_logical3A_812, %and3A_815], %broadcast_in_dim3A_94 {add = true} : memref<80x128xf32, #tpu.memory_space<vmem>>[vector<16xi32>, vector<16xi32>], vector<16xf32>,
        %get3A_816 = arith.constant 8 : i32
        %get3A_817 = arith.index_cast %get3A_816 : i32 to index
        %get3A_818 = arith.constant 48 : index
        %get3A_819 = tpu.vector_load %arg12[%get3A_817, %get3A_818] {strides = array<i32>} : memref<16x80xi32, #tpu.memory_space<vmem>>, vector<16xi32>,
        %shift_right_logical3A_820 = arith.constant 7 : i32
        %shift_right_logical3A_821 = vector.broadcast %shift_right_logical3A_820 : i32 to vector<16xi32>
        %shift_right_logical3A_822 = arith.shrui %get3A_819, %shift_right_logical3A_821 : vector<16xi32>
        %and3A_823 = arith.constant 127 : i32
        %and3A_824 = vector.broadcast %and3A_823 : i32 to vector<16xi32>
        %and3A_825 = arith.andi %get3A_819, %and3A_824 : vector<16xi32>
        tpu.vector_store_idx %arg15[%shift_right_logical3A_822, %and3A_825], %broadcast_in_dim3A_94 {add = true} : memref<80x128xf32, #tpu.memory_space<vmem>>[vector<16xi32>, vector<16xi32>], vector<16xf32>,
        %get3A_826 = arith.constant 8 : i32
        %get3A_827 = arith.index_cast %get3A_826 : i32 to index
        %get3A_828 = arith.constant 64 : index
        %get3A_829 = tpu.vector_load %arg12[%get3A_827, %get3A_828] {strides = array<i32>} : memref<16x80xi32, #tpu.memory_space<vmem>>, vector<16xi32>,
        %shift_right_logical3A_830 = arith.constant 7 : i32
        %shift_right_logical3A_831 = vector.broadcast %shift_right_logical3A_830 : i32 to vector<16xi32>
        %shift_right_logical3A_832 = arith.shrui %get3A_829, %shift_right_logical3A_831 : vector<16xi32>
        %and3A_833 = arith.constant 127 : i32
        %and3A_834 = vector.broadcast %and3A_833 : i32 to vector<16xi32>
        %and3A_835 = arith.andi %get3A_829, %and3A_834 : vector<16xi32>
        tpu.vector_store_idx %arg15[%shift_right_logical3A_832, %and3A_835], %broadcast_in_dim3A_94 {add = true} : memref<80x128xf32, #tpu.memory_space<vmem>>[vector<16xi32>, vector<16xi32>], vector<16xf32>,
      } else {
      }
      %dma_wait3A_558 = arith.constant 9 : i32
      %dma_wait3A_559 = arith.constant 0 : i32
      %dma_wait3A_560 = tpu.memref_slice %arg11[%dma_wait3A_558, %dma_wait3A_559] : memref<16x80xi32, #tpu.memory_space<vmem>> -> memref<1x80xi32, #tpu.memory_space<vmem>>
      %dma_wait3A_561 = tpu.memref_squeeze %dma_wait3A_560 : memref<1x80xi32, #tpu.memory_space<vmem>> -> memref<80xi32, #tpu.memory_space<vmem>>
      %dma_wait3A_562 = arith.constant 0 : i32
      %dma_wait3A_563 = arith.constant 0 : i32
      %dma_wait3A_564 = tpu.memref_slice %arg2[%dma_wait3A_562, %dma_wait3A_563] : memref<20000x128xf32, #tpu.memory_space<hbm>> -> memref<20000x128xf32, #tpu.memory_space<hbm>>
      tpu.wait_indirect_dma semaphore(%arg18 : memref<!tpu.dma_semaphore, #tpu.memory_space<semaphore_mem>>) src(%dma_wait3A_564 : memref<20000x128xf32, #tpu.memory_space<hbm>>) dst(%arg14 : memref<80x128xf32, #tpu.memory_space<vmem>>)
      %dma_wait3A_565 = arith.constant 8 : i32
      %dma_wait3A_566 = arith.constant 0 : i32
      %dma_wait3A_567 = tpu.memref_slice %arg12[%dma_wait3A_565, %dma_wait3A_566] : memref<16x80xi32, #tpu.memory_space<vmem>> -> memref<1x80xi32, #tpu.memory_space<vmem>>
      %dma_wait3A_568 = tpu.memref_squeeze %dma_wait3A_567 : memref<1x80xi32, #tpu.memory_space<vmem>> -> memref<80xi32, #tpu.memory_space<vmem>>
      %dma_wait3A_569 = arith.constant 0 : i32
      %dma_wait3A_570 = arith.constant 0 : i32
      %dma_wait3A_571 = tpu.memref_slice %arg9[%dma_wait3A_569, %dma_wait3A_570] : memref<10240x128xf32, #tpu.memory_space<vmem_shared>> -> memref<10240x128xf32, #tpu.memory_space<vmem_shared>>
      tpu.wait_indirect_dma semaphore(%arg19 : memref<!tpu.dma_semaphore, #tpu.memory_space<semaphore_mem>>) src(%arg13 : memref<80x128xf32, #tpu.memory_space<vmem>>) dst(%dma_wait3A_571 : memref<10240x128xf32, #tpu.memory_space<vmem_shared>>)
      %dma_start3A_572 = arith.constant 9 : i32
      %dma_start3A_573 = arith.constant 0 : i32
      %dma_start3A_574 = tpu.memref_slice %arg12[%dma_start3A_572, %dma_start3A_573] : memref<16x80xi32, #tpu.memory_space<vmem>> -> memref<1x80xi32, #tpu.memory_space<vmem>>
      %dma_start3A_575 = tpu.memref_squeeze %dma_start3A_574 : memref<1x80xi32, #tpu.memory_space<vmem>> -> memref<80xi32, #tpu.memory_space<vmem>>
      %dma_start3A_576 = arith.constant 0 : i32
      %dma_start3A_577 = arith.constant 0 : i32
      %dma_start3A_578 = tpu.memref_slice %arg9[%dma_start3A_576, %dma_start3A_577] : memref<10240x128xf32, #tpu.memory_space<vmem_shared>> -> memref<10240x128xf32, #tpu.memory_space<vmem_shared>>
      tpu.enqueue_indirect_dma source(%arg14 : memref<80x128xf32, #tpu.memory_space<vmem>>) target(%dma_start3A_578 : memref<10240x128xf32, #tpu.memory_space<vmem_shared>>) offsets(%dma_start3A_575 : memref<80xi32, #tpu.memory_space<vmem>>) semaphore(%arg20 : memref<!tpu.dma_semaphore, #tpu.memory_space<semaphore_mem>>) {add = true}
      %dma_start3A_579 = arith.constant 10 : i32
      %dma_start3A_580 = arith.constant 0 : i32
      %dma_start3A_581 = tpu.memref_slice %arg11[%dma_start3A_579, %dma_start3A_580] : memref<16x80xi32, #tpu.memory_space<vmem>> -> memref<1x80xi32, #tpu.memory_space<vmem>>
      %dma_start3A_582 = tpu.memref_squeeze %dma_start3A_581 : memref<1x80xi32, #tpu.memory_space<vmem>> -> memref<80xi32, #tpu.memory_space<vmem>>
      %dma_start3A_583 = arith.constant 0 : i32
      %dma_start3A_584 = arith.constant 0 : i32
      %dma_start3A_585 = tpu.memref_slice %arg2[%dma_start3A_583, %dma_start3A_584] : memref<20000x128xf32, #tpu.memory_space<hbm>> -> memref<20000x128xf32, #tpu.memory_space<hbm>>
      tpu.enqueue_indirect_dma source(%dma_start3A_585 : memref<20000x128xf32, #tpu.memory_space<hbm>>) target(%arg13 : memref<80x128xf32, #tpu.memory_space<vmem>>) offsets(%dma_start3A_582 : memref<80xi32, #tpu.memory_space<vmem>>) semaphore(%arg17 : memref<!tpu.dma_semaphore, #tpu.memory_space<semaphore_mem>>)
      %eq3A_586 = arith.constant 1 : i32
      %eq3A_587 = arith.cmpi eq, %arg0, %eq3A_586 : i32
      %convert_element_type3A_588 = arith.extui %eq3A_587 : i1 to i32
      %cond3A_589 = arith.constant 0 : i32
      %cond3A_590 = arith.cmpi ne, %convert_element_type3A_588, %cond3A_589 : i32
      scf.if %cond3A_590 {
        %get3A = arith.constant 9 : i32
        %get3A_789 = arith.index_cast %get3A : i32 to index
        %get3A_790 = arith.constant 0 : index
        %get3A_791 = tpu.vector_load %arg12[%get3A_789, %get3A_790] {strides = array<i32>} : memref<16x80xi32, #tpu.memory_space<vmem>>, vector<16xi32>,
        %shift_right_logical3A = arith.constant 7 : i32
        %shift_right_logical3A_792 = vector.broadcast %shift_right_logical3A : i32 to vector<16xi32>
        %shift_right_logical3A_793 = arith.shrui %get3A_791, %shift_right_logical3A_792 : vector<16xi32>
        %and3A = arith.constant 127 : i32
        %and3A_794 = vector.broadcast %and3A : i32 to vector<16xi32>
        %and3A_795 = arith.andi %get3A_791, %and3A_794 : vector<16xi32>
        tpu.vector_store_idx %arg15[%shift_right_logical3A_793, %and3A_795], %broadcast_in_dim3A_94 {add = true} : memref<80x128xf32, #tpu.memory_space<vmem>>[vector<16xi32>, vector<16xi32>], vector<16xf32>,
        %get3A_796 = arith.constant 9 : i32
        %get3A_797 = arith.index_cast %get3A_796 : i32 to index
        %get3A_798 = arith.constant 16 : index
        %get3A_799 = tpu.vector_load %arg12[%get3A_797, %get3A_798] {strides = array<i32>} : memref<16x80xi32, #tpu.memory_space<vmem>>, vector<16xi32>,
        %shift_right_logical3A_800 = arith.constant 7 : i32
        %shift_right_logical3A_801 = vector.broadcast %shift_right_logical3A_800 : i32 to vector<16xi32>
        %shift_right_logical3A_802 = arith.shrui %get3A_799, %shift_right_logical3A_801 : vector<16xi32>
        %and3A_803 = arith.constant 127 : i32
        %and3A_804 = vector.broadcast %and3A_803 : i32 to vector<16xi32>
        %and3A_805 = arith.andi %get3A_799, %and3A_804 : vector<16xi32>
        tpu.vector_store_idx %arg15[%shift_right_logical3A_802, %and3A_805], %broadcast_in_dim3A_94 {add = true} : memref<80x128xf32, #tpu.memory_space<vmem>>[vector<16xi32>, vector<16xi32>], vector<16xf32>,
        %get3A_806 = arith.constant 9 : i32
        %get3A_807 = arith.index_cast %get3A_806 : i32 to index
        %get3A_808 = arith.constant 32 : index
        %get3A_809 = tpu.vector_load %arg12[%get3A_807, %get3A_808] {strides = array<i32>} : memref<16x80xi32, #tpu.memory_space<vmem>>, vector<16xi32>,
        %shift_right_logical3A_810 = arith.constant 7 : i32
        %shift_right_logical3A_811 = vector.broadcast %shift_right_logical3A_810 : i32 to vector<16xi32>
        %shift_right_logical3A_812 = arith.shrui %get3A_809, %shift_right_logical3A_811 : vector<16xi32>
        %and3A_813 = arith.constant 127 : i32
        %and3A_814 = vector.broadcast %and3A_813 : i32 to vector<16xi32>
        %and3A_815 = arith.andi %get3A_809, %and3A_814 : vector<16xi32>
        tpu.vector_store_idx %arg15[%shift_right_logical3A_812, %and3A_815], %broadcast_in_dim3A_94 {add = true} : memref<80x128xf32, #tpu.memory_space<vmem>>[vector<16xi32>, vector<16xi32>], vector<16xf32>,
        %get3A_816 = arith.constant 9 : i32
        %get3A_817 = arith.index_cast %get3A_816 : i32 to index
        %get3A_818 = arith.constant 48 : index
        %get3A_819 = tpu.vector_load %arg12[%get3A_817, %get3A_818] {strides = array<i32>} : memref<16x80xi32, #tpu.memory_space<vmem>>, vector<16xi32>,
        %shift_right_logical3A_820 = arith.constant 7 : i32
        %shift_right_logical3A_821 = vector.broadcast %shift_right_logical3A_820 : i32 to vector<16xi32>
        %shift_right_logical3A_822 = arith.shrui %get3A_819, %shift_right_logical3A_821 : vector<16xi32>
        %and3A_823 = arith.constant 127 : i32
        %and3A_824 = vector.broadcast %and3A_823 : i32 to vector<16xi32>
        %and3A_825 = arith.andi %get3A_819, %and3A_824 : vector<16xi32>
        tpu.vector_store_idx %arg15[%shift_right_logical3A_822, %and3A_825], %broadcast_in_dim3A_94 {add = true} : memref<80x128xf32, #tpu.memory_space<vmem>>[vector<16xi32>, vector<16xi32>], vector<16xf32>,
        %get3A_826 = arith.constant 9 : i32
        %get3A_827 = arith.index_cast %get3A_826 : i32 to index
        %get3A_828 = arith.constant 64 : index
        %get3A_829 = tpu.vector_load %arg12[%get3A_827, %get3A_828] {strides = array<i32>} : memref<16x80xi32, #tpu.memory_space<vmem>>, vector<16xi32>,
        %shift_right_logical3A_830 = arith.constant 7 : i32
        %shift_right_logical3A_831 = vector.broadcast %shift_right_logical3A_830 : i32 to vector<16xi32>
        %shift_right_logical3A_832 = arith.shrui %get3A_829, %shift_right_logical3A_831 : vector<16xi32>
        %and3A_833 = arith.constant 127 : i32
        %and3A_834 = vector.broadcast %and3A_833 : i32 to vector<16xi32>
        %and3A_835 = arith.andi %get3A_829, %and3A_834 : vector<16xi32>
        tpu.vector_store_idx %arg15[%shift_right_logical3A_832, %and3A_835], %broadcast_in_dim3A_94 {add = true} : memref<80x128xf32, #tpu.memory_space<vmem>>[vector<16xi32>, vector<16xi32>], vector<16xf32>,
      } else {
      }
      %dma_wait3A_591 = arith.constant 10 : i32
      %dma_wait3A_592 = arith.constant 0 : i32
      %dma_wait3A_593 = tpu.memref_slice %arg11[%dma_wait3A_591, %dma_wait3A_592] : memref<16x80xi32, #tpu.memory_space<vmem>> -> memref<1x80xi32, #tpu.memory_space<vmem>>
      %dma_wait3A_594 = tpu.memref_squeeze %dma_wait3A_593 : memref<1x80xi32, #tpu.memory_space<vmem>> -> memref<80xi32, #tpu.memory_space<vmem>>
      %dma_wait3A_595 = arith.constant 0 : i32
      %dma_wait3A_596 = arith.constant 0 : i32
      %dma_wait3A_597 = tpu.memref_slice %arg2[%dma_wait3A_595, %dma_wait3A_596] : memref<20000x128xf32, #tpu.memory_space<hbm>> -> memref<20000x128xf32, #tpu.memory_space<hbm>>
      tpu.wait_indirect_dma semaphore(%arg17 : memref<!tpu.dma_semaphore, #tpu.memory_space<semaphore_mem>>) src(%dma_wait3A_597 : memref<20000x128xf32, #tpu.memory_space<hbm>>) dst(%arg13 : memref<80x128xf32, #tpu.memory_space<vmem>>)
      %dma_wait3A_598 = arith.constant 9 : i32
      %dma_wait3A_599 = arith.constant 0 : i32
      %dma_wait3A_600 = tpu.memref_slice %arg12[%dma_wait3A_598, %dma_wait3A_599] : memref<16x80xi32, #tpu.memory_space<vmem>> -> memref<1x80xi32, #tpu.memory_space<vmem>>
      %dma_wait3A_601 = tpu.memref_squeeze %dma_wait3A_600 : memref<1x80xi32, #tpu.memory_space<vmem>> -> memref<80xi32, #tpu.memory_space<vmem>>
      %dma_wait3A_602 = arith.constant 0 : i32
      %dma_wait3A_603 = arith.constant 0 : i32
      %dma_wait3A_604 = tpu.memref_slice %arg9[%dma_wait3A_602, %dma_wait3A_603] : memref<10240x128xf32, #tpu.memory_space<vmem_shared>> -> memref<10240x128xf32, #tpu.memory_space<vmem_shared>>
      tpu.wait_indirect_dma semaphore(%arg20 : memref<!tpu.dma_semaphore, #tpu.memory_space<semaphore_mem>>) src(%arg14 : memref<80x128xf32, #tpu.memory_space<vmem>>) dst(%dma_wait3A_604 : memref<10240x128xf32, #tpu.memory_space<vmem_shared>>)
      %dma_start3A_605 = arith.constant 10 : i32
      %dma_start3A_606 = arith.constant 0 : i32
      %dma_start3A_607 = tpu.memref_slice %arg12[%dma_start3A_605, %dma_start3A_606] : memref<16x80xi32, #tpu.memory_space<vmem>> -> memref<1x80xi32, #tpu.memory_space<vmem>>
      %dma_start3A_608 = tpu.memref_squeeze %dma_start3A_607 : memref<1x80xi32, #tpu.memory_space<vmem>> -> memref<80xi32, #tpu.memory_space<vmem>>
      %dma_start3A_609 = arith.constant 0 : i32
      %dma_start3A_610 = arith.constant 0 : i32
      %dma_start3A_611 = tpu.memref_slice %arg9[%dma_start3A_609, %dma_start3A_610] : memref<10240x128xf32, #tpu.memory_space<vmem_shared>> -> memref<10240x128xf32, #tpu.memory_space<vmem_shared>>
      tpu.enqueue_indirect_dma source(%arg13 : memref<80x128xf32, #tpu.memory_space<vmem>>) target(%dma_start3A_611 : memref<10240x128xf32, #tpu.memory_space<vmem_shared>>) offsets(%dma_start3A_608 : memref<80xi32, #tpu.memory_space<vmem>>) semaphore(%arg19 : memref<!tpu.dma_semaphore, #tpu.memory_space<semaphore_mem>>) {add = true}
      %dma_start3A_612 = arith.constant 11 : i32
      %dma_start3A_613 = arith.constant 0 : i32
      %dma_start3A_614 = tpu.memref_slice %arg11[%dma_start3A_612, %dma_start3A_613] : memref<16x80xi32, #tpu.memory_space<vmem>> -> memref<1x80xi32, #tpu.memory_space<vmem>>
      %dma_start3A_615 = tpu.memref_squeeze %dma_start3A_614 : memref<1x80xi32, #tpu.memory_space<vmem>> -> memref<80xi32, #tpu.memory_space<vmem>>
      %dma_start3A_616 = arith.constant 0 : i32
      %dma_start3A_617 = arith.constant 0 : i32
      %dma_start3A_618 = tpu.memref_slice %arg2[%dma_start3A_616, %dma_start3A_617] : memref<20000x128xf32, #tpu.memory_space<hbm>> -> memref<20000x128xf32, #tpu.memory_space<hbm>>
      tpu.enqueue_indirect_dma source(%dma_start3A_618 : memref<20000x128xf32, #tpu.memory_space<hbm>>) target(%arg14 : memref<80x128xf32, #tpu.memory_space<vmem>>) offsets(%dma_start3A_615 : memref<80xi32, #tpu.memory_space<vmem>>) semaphore(%arg18 : memref<!tpu.dma_semaphore, #tpu.memory_space<semaphore_mem>>)
      %eq3A_619 = arith.constant 0 : i32
      %eq3A_620 = arith.cmpi eq, %arg0, %eq3A_619 : i32
      %convert_element_type3A_621 = arith.extui %eq3A_620 : i1 to i32
      %cond3A_622 = arith.constant 0 : i32
      %cond3A_623 = arith.cmpi ne, %convert_element_type3A_621, %cond3A_622 : i32
      scf.if %cond3A_623 {
        %get3A = arith.constant 10 : i32
        %get3A_789 = arith.index_cast %get3A : i32 to index
        %get3A_790 = arith.constant 0 : index
        %get3A_791 = tpu.vector_load %arg12[%get3A_789, %get3A_790] {strides = array<i32>} : memref<16x80xi32, #tpu.memory_space<vmem>>, vector<16xi32>,
        %shift_right_logical3A = arith.constant 7 : i32
        %shift_right_logical3A_792 = vector.broadcast %shift_right_logical3A : i32 to vector<16xi32>
        %shift_right_logical3A_793 = arith.shrui %get3A_791, %shift_right_logical3A_792 : vector<16xi32>
        %and3A = arith.constant 127 : i32
        %and3A_794 = vector.broadcast %and3A : i32 to vector<16xi32>
        %and3A_795 = arith.andi %get3A_791, %and3A_794 : vector<16xi32>
        tpu.vector_store_idx %arg15[%shift_right_logical3A_793, %and3A_795], %broadcast_in_dim3A_94 {add = true} : memref<80x128xf32, #tpu.memory_space<vmem>>[vector<16xi32>, vector<16xi32>], vector<16xf32>,
        %get3A_796 = arith.constant 10 : i32
        %get3A_797 = arith.index_cast %get3A_796 : i32 to index
        %get3A_798 = arith.constant 16 : index
        %get3A_799 = tpu.vector_load %arg12[%get3A_797, %get3A_798] {strides = array<i32>} : memref<16x80xi32, #tpu.memory_space<vmem>>, vector<16xi32>,
        %shift_right_logical3A_800 = arith.constant 7 : i32
        %shift_right_logical3A_801 = vector.broadcast %shift_right_logical3A_800 : i32 to vector<16xi32>
        %shift_right_logical3A_802 = arith.shrui %get3A_799, %shift_right_logical3A_801 : vector<16xi32>
        %and3A_803 = arith.constant 127 : i32
        %and3A_804 = vector.broadcast %and3A_803 : i32 to vector<16xi32>
        %and3A_805 = arith.andi %get3A_799, %and3A_804 : vector<16xi32>
        tpu.vector_store_idx %arg15[%shift_right_logical3A_802, %and3A_805], %broadcast_in_dim3A_94 {add = true} : memref<80x128xf32, #tpu.memory_space<vmem>>[vector<16xi32>, vector<16xi32>], vector<16xf32>,
        %get3A_806 = arith.constant 10 : i32
        %get3A_807 = arith.index_cast %get3A_806 : i32 to index
        %get3A_808 = arith.constant 32 : index
        %get3A_809 = tpu.vector_load %arg12[%get3A_807, %get3A_808] {strides = array<i32>} : memref<16x80xi32, #tpu.memory_space<vmem>>, vector<16xi32>,
        %shift_right_logical3A_810 = arith.constant 7 : i32
        %shift_right_logical3A_811 = vector.broadcast %shift_right_logical3A_810 : i32 to vector<16xi32>
        %shift_right_logical3A_812 = arith.shrui %get3A_809, %shift_right_logical3A_811 : vector<16xi32>
        %and3A_813 = arith.constant 127 : i32
        %and3A_814 = vector.broadcast %and3A_813 : i32 to vector<16xi32>
        %and3A_815 = arith.andi %get3A_809, %and3A_814 : vector<16xi32>
        tpu.vector_store_idx %arg15[%shift_right_logical3A_812, %and3A_815], %broadcast_in_dim3A_94 {add = true} : memref<80x128xf32, #tpu.memory_space<vmem>>[vector<16xi32>, vector<16xi32>], vector<16xf32>,
        %get3A_816 = arith.constant 10 : i32
        %get3A_817 = arith.index_cast %get3A_816 : i32 to index
        %get3A_818 = arith.constant 48 : index
        %get3A_819 = tpu.vector_load %arg12[%get3A_817, %get3A_818] {strides = array<i32>} : memref<16x80xi32, #tpu.memory_space<vmem>>, vector<16xi32>,
        %shift_right_logical3A_820 = arith.constant 7 : i32
        %shift_right_logical3A_821 = vector.broadcast %shift_right_logical3A_820 : i32 to vector<16xi32>
        %shift_right_logical3A_822 = arith.shrui %get3A_819, %shift_right_logical3A_821 : vector<16xi32>
        %and3A_823 = arith.constant 127 : i32
        %and3A_824 = vector.broadcast %and3A_823 : i32 to vector<16xi32>
        %and3A_825 = arith.andi %get3A_819, %and3A_824 : vector<16xi32>
        tpu.vector_store_idx %arg15[%shift_right_logical3A_822, %and3A_825], %broadcast_in_dim3A_94 {add = true} : memref<80x128xf32, #tpu.memory_space<vmem>>[vector<16xi32>, vector<16xi32>], vector<16xf32>,
        %get3A_826 = arith.constant 10 : i32
        %get3A_827 = arith.index_cast %get3A_826 : i32 to index
        %get3A_828 = arith.constant 64 : index
        %get3A_829 = tpu.vector_load %arg12[%get3A_827, %get3A_828] {strides = array<i32>} : memref<16x80xi32, #tpu.memory_space<vmem>>, vector<16xi32>,
        %shift_right_logical3A_830 = arith.constant 7 : i32
        %shift_right_logical3A_831 = vector.broadcast %shift_right_logical3A_830 : i32 to vector<16xi32>
        %shift_right_logical3A_832 = arith.shrui %get3A_829, %shift_right_logical3A_831 : vector<16xi32>
        %and3A_833 = arith.constant 127 : i32
        %and3A_834 = vector.broadcast %and3A_833 : i32 to vector<16xi32>
        %and3A_835 = arith.andi %get3A_829, %and3A_834 : vector<16xi32>
        tpu.vector_store_idx %arg15[%shift_right_logical3A_832, %and3A_835], %broadcast_in_dim3A_94 {add = true} : memref<80x128xf32, #tpu.memory_space<vmem>>[vector<16xi32>, vector<16xi32>], vector<16xf32>,
      } else {
      }
      %dma_wait3A_624 = arith.constant 11 : i32
      %dma_wait3A_625 = arith.constant 0 : i32
      %dma_wait3A_626 = tpu.memref_slice %arg11[%dma_wait3A_624, %dma_wait3A_625] : memref<16x80xi32, #tpu.memory_space<vmem>> -> memref<1x80xi32, #tpu.memory_space<vmem>>
      %dma_wait3A_627 = tpu.memref_squeeze %dma_wait3A_626 : memref<1x80xi32, #tpu.memory_space<vmem>> -> memref<80xi32, #tpu.memory_space<vmem>>
      %dma_wait3A_628 = arith.constant 0 : i32
      %dma_wait3A_629 = arith.constant 0 : i32
      %dma_wait3A_630 = tpu.memref_slice %arg2[%dma_wait3A_628, %dma_wait3A_629] : memref<20000x128xf32, #tpu.memory_space<hbm>> -> memref<20000x128xf32, #tpu.memory_space<hbm>>
      tpu.wait_indirect_dma semaphore(%arg18 : memref<!tpu.dma_semaphore, #tpu.memory_space<semaphore_mem>>) src(%dma_wait3A_630 : memref<20000x128xf32, #tpu.memory_space<hbm>>) dst(%arg14 : memref<80x128xf32, #tpu.memory_space<vmem>>)
      %dma_wait3A_631 = arith.constant 10 : i32
      %dma_wait3A_632 = arith.constant 0 : i32
      %dma_wait3A_633 = tpu.memref_slice %arg12[%dma_wait3A_631, %dma_wait3A_632] : memref<16x80xi32, #tpu.memory_space<vmem>> -> memref<1x80xi32, #tpu.memory_space<vmem>>
      %dma_wait3A_634 = tpu.memref_squeeze %dma_wait3A_633 : memref<1x80xi32, #tpu.memory_space<vmem>> -> memref<80xi32, #tpu.memory_space<vmem>>
      %dma_wait3A_635 = arith.constant 0 : i32
      %dma_wait3A_636 = arith.constant 0 : i32
      %dma_wait3A_637 = tpu.memref_slice %arg9[%dma_wait3A_635, %dma_wait3A_636] : memref<10240x128xf32, #tpu.memory_space<vmem_shared>> -> memref<10240x128xf32, #tpu.memory_space<vmem_shared>>
      tpu.wait_indirect_dma semaphore(%arg19 : memref<!tpu.dma_semaphore, #tpu.memory_space<semaphore_mem>>) src(%arg13 : memref<80x128xf32, #tpu.memory_space<vmem>>) dst(%dma_wait3A_637 : memref<10240x128xf32, #tpu.memory_space<vmem_shared>>)
      %dma_start3A_638 = arith.constant 11 : i32
      %dma_start3A_639 = arith.constant 0 : i32
      %dma_start3A_640 = tpu.memref_slice %arg12[%dma_start3A_638, %dma_start3A_639] : memref<16x80xi32, #tpu.memory_space<vmem>> -> memref<1x80xi32, #tpu.memory_space<vmem>>
      %dma_start3A_641 = tpu.memref_squeeze %dma_start3A_640 : memref<1x80xi32, #tpu.memory_space<vmem>> -> memref<80xi32, #tpu.memory_space<vmem>>
      %dma_start3A_642 = arith.constant 0 : i32
      %dma_start3A_643 = arith.constant 0 : i32
      %dma_start3A_644 = tpu.memref_slice %arg9[%dma_start3A_642, %dma_start3A_643] : memref<10240x128xf32, #tpu.memory_space<vmem_shared>> -> memref<10240x128xf32, #tpu.memory_space<vmem_shared>>
      tpu.enqueue_indirect_dma source(%arg14 : memref<80x128xf32, #tpu.memory_space<vmem>>) target(%dma_start3A_644 : memref<10240x128xf32, #tpu.memory_space<vmem_shared>>) offsets(%dma_start3A_641 : memref<80xi32, #tpu.memory_space<vmem>>) semaphore(%arg20 : memref<!tpu.dma_semaphore, #tpu.memory_space<semaphore_mem>>) {add = true}
      %dma_start3A_645 = arith.constant 12 : i32
      %dma_start3A_646 = arith.constant 0 : i32
      %dma_start3A_647 = tpu.memref_slice %arg11[%dma_start3A_645, %dma_start3A_646] : memref<16x80xi32, #tpu.memory_space<vmem>> -> memref<1x80xi32, #tpu.memory_space<vmem>>
      %dma_start3A_648 = tpu.memref_squeeze %dma_start3A_647 : memref<1x80xi32, #tpu.memory_space<vmem>> -> memref<80xi32, #tpu.memory_space<vmem>>
      %dma_start3A_649 = arith.constant 0 : i32
      %dma_start3A_650 = arith.constant 0 : i32
      %dma_start3A_651 = tpu.memref_slice %arg2[%dma_start3A_649, %dma_start3A_650] : memref<20000x128xf32, #tpu.memory_space<hbm>> -> memref<20000x128xf32, #tpu.memory_space<hbm>>
      tpu.enqueue_indirect_dma source(%dma_start3A_651 : memref<20000x128xf32, #tpu.memory_space<hbm>>) target(%arg13 : memref<80x128xf32, #tpu.memory_space<vmem>>) offsets(%dma_start3A_648 : memref<80xi32, #tpu.memory_space<vmem>>) semaphore(%arg17 : memref<!tpu.dma_semaphore, #tpu.memory_space<semaphore_mem>>)
      %eq3A_652 = arith.constant 1 : i32
      %eq3A_653 = arith.cmpi eq, %arg0, %eq3A_652 : i32
      %convert_element_type3A_654 = arith.extui %eq3A_653 : i1 to i32
      %cond3A_655 = arith.constant 0 : i32
      %cond3A_656 = arith.cmpi ne, %convert_element_type3A_654, %cond3A_655 : i32
      scf.if %cond3A_656 {
        %get3A = arith.constant 11 : i32
        %get3A_789 = arith.index_cast %get3A : i32 to index
        %get3A_790 = arith.constant 0 : index
        %get3A_791 = tpu.vector_load %arg12[%get3A_789, %get3A_790] {strides = array<i32>} : memref<16x80xi32, #tpu.memory_space<vmem>>, vector<16xi32>,
        %shift_right_logical3A = arith.constant 7 : i32
        %shift_right_logical3A_792 = vector.broadcast %shift_right_logical3A : i32 to vector<16xi32>
        %shift_right_logical3A_793 = arith.shrui %get3A_791, %shift_right_logical3A_792 : vector<16xi32>
        %and3A = arith.constant 127 : i32
        %and3A_794 = vector.broadcast %and3A : i32 to vector<16xi32>
        %and3A_795 = arith.andi %get3A_791, %and3A_794 : vector<16xi32>
        tpu.vector_store_idx %arg15[%shift_right_logical3A_793, %and3A_795], %broadcast_in_dim3A_94 {add = true} : memref<80x128xf32, #tpu.memory_space<vmem>>[vector<16xi32>, vector<16xi32>], vector<16xf32>,
        %get3A_796 = arith.constant 11 : i32
        %get3A_797 = arith.index_cast %get3A_796 : i32 to index
        %get3A_798 = arith.constant 16 : index
        %get3A_799 = tpu.vector_load %arg12[%get3A_797, %get3A_798] {strides = array<i32>} : memref<16x80xi32, #tpu.memory_space<vmem>>, vector<16xi32>,
        %shift_right_logical3A_800 = arith.constant 7 : i32
        %shift_right_logical3A_801 = vector.broadcast %shift_right_logical3A_800 : i32 to vector<16xi32>
        %shift_right_logical3A_802 = arith.shrui %get3A_799, %shift_right_logical3A_801 : vector<16xi32>
        %and3A_803 = arith.constant 127 : i32
        %and3A_804 = vector.broadcast %and3A_803 : i32 to vector<16xi32>
        %and3A_805 = arith.andi %get3A_799, %and3A_804 : vector<16xi32>
        tpu.vector_store_idx %arg15[%shift_right_logical3A_802, %and3A_805], %broadcast_in_dim3A_94 {add = true} : memref<80x128xf32, #tpu.memory_space<vmem>>[vector<16xi32>, vector<16xi32>], vector<16xf32>,
        %get3A_806 = arith.constant 11 : i32
        %get3A_807 = arith.index_cast %get3A_806 : i32 to index
        %get3A_808 = arith.constant 32 : index
        %get3A_809 = tpu.vector_load %arg12[%get3A_807, %get3A_808] {strides = array<i32>} : memref<16x80xi32, #tpu.memory_space<vmem>>, vector<16xi32>,
        %shift_right_logical3A_810 = arith.constant 7 : i32
        %shift_right_logical3A_811 = vector.broadcast %shift_right_logical3A_810 : i32 to vector<16xi32>
        %shift_right_logical3A_812 = arith.shrui %get3A_809, %shift_right_logical3A_811 : vector<16xi32>
        %and3A_813 = arith.constant 127 : i32
        %and3A_814 = vector.broadcast %and3A_813 : i32 to vector<16xi32>
        %and3A_815 = arith.andi %get3A_809, %and3A_814 : vector<16xi32>
        tpu.vector_store_idx %arg15[%shift_right_logical3A_812, %and3A_815], %broadcast_in_dim3A_94 {add = true} : memref<80x128xf32, #tpu.memory_space<vmem>>[vector<16xi32>, vector<16xi32>], vector<16xf32>,
        %get3A_816 = arith.constant 11 : i32
        %get3A_817 = arith.index_cast %get3A_816 : i32 to index
        %get3A_818 = arith.constant 48 : index
        %get3A_819 = tpu.vector_load %arg12[%get3A_817, %get3A_818] {strides = array<i32>} : memref<16x80xi32, #tpu.memory_space<vmem>>, vector<16xi32>,
        %shift_right_logical3A_820 = arith.constant 7 : i32
        %shift_right_logical3A_821 = vector.broadcast %shift_right_logical3A_820 : i32 to vector<16xi32>
        %shift_right_logical3A_822 = arith.shrui %get3A_819, %shift_right_logical3A_821 : vector<16xi32>
        %and3A_823 = arith.constant 127 : i32
        %and3A_824 = vector.broadcast %and3A_823 : i32 to vector<16xi32>
        %and3A_825 = arith.andi %get3A_819, %and3A_824 : vector<16xi32>
        tpu.vector_store_idx %arg15[%shift_right_logical3A_822, %and3A_825], %broadcast_in_dim3A_94 {add = true} : memref<80x128xf32, #tpu.memory_space<vmem>>[vector<16xi32>, vector<16xi32>], vector<16xf32>,
        %get3A_826 = arith.constant 11 : i32
        %get3A_827 = arith.index_cast %get3A_826 : i32 to index
        %get3A_828 = arith.constant 64 : index
        %get3A_829 = tpu.vector_load %arg12[%get3A_827, %get3A_828] {strides = array<i32>} : memref<16x80xi32, #tpu.memory_space<vmem>>, vector<16xi32>,
        %shift_right_logical3A_830 = arith.constant 7 : i32
        %shift_right_logical3A_831 = vector.broadcast %shift_right_logical3A_830 : i32 to vector<16xi32>
        %shift_right_logical3A_832 = arith.shrui %get3A_829, %shift_right_logical3A_831 : vector<16xi32>
        %and3A_833 = arith.constant 127 : i32
        %and3A_834 = vector.broadcast %and3A_833 : i32 to vector<16xi32>
        %and3A_835 = arith.andi %get3A_829, %and3A_834 : vector<16xi32>
        tpu.vector_store_idx %arg15[%shift_right_logical3A_832, %and3A_835], %broadcast_in_dim3A_94 {add = true} : memref<80x128xf32, #tpu.memory_space<vmem>>[vector<16xi32>, vector<16xi32>], vector<16xf32>,
      } else {
      }
      %dma_wait3A_657 = arith.constant 12 : i32
      %dma_wait3A_658 = arith.constant 0 : i32
      %dma_wait3A_659 = tpu.memref_slice %arg11[%dma_wait3A_657, %dma_wait3A_658] : memref<16x80xi32, #tpu.memory_space<vmem>> -> memref<1x80xi32, #tpu.memory_space<vmem>>
      %dma_wait3A_660 = tpu.memref_squeeze %dma_wait3A_659 : memref<1x80xi32, #tpu.memory_space<vmem>> -> memref<80xi32, #tpu.memory_space<vmem>>
      %dma_wait3A_661 = arith.constant 0 : i32
      %dma_wait3A_662 = arith.constant 0 : i32
      %dma_wait3A_663 = tpu.memref_slice %arg2[%dma_wait3A_661, %dma_wait3A_662] : memref<20000x128xf32, #tpu.memory_space<hbm>> -> memref<20000x128xf32, #tpu.memory_space<hbm>>
      tpu.wait_indirect_dma semaphore(%arg17 : memref<!tpu.dma_semaphore, #tpu.memory_space<semaphore_mem>>) src(%dma_wait3A_663 : memref<20000x128xf32, #tpu.memory_space<hbm>>) dst(%arg13 : memref<80x128xf32, #tpu.memory_space<vmem>>)
      %dma_wait3A_664 = arith.constant 11 : i32
      %dma_wait3A_665 = arith.constant 0 : i32
      %dma_wait3A_666 = tpu.memref_slice %arg12[%dma_wait3A_664, %dma_wait3A_665] : memref<16x80xi32, #tpu.memory_space<vmem>> -> memref<1x80xi32, #tpu.memory_space<vmem>>
      %dma_wait3A_667 = tpu.memref_squeeze %dma_wait3A_666 : memref<1x80xi32, #tpu.memory_space<vmem>> -> memref<80xi32, #tpu.memory_space<vmem>>
      %dma_wait3A_668 = arith.constant 0 : i32
      %dma_wait3A_669 = arith.constant 0 : i32
      %dma_wait3A_670 = tpu.memref_slice %arg9[%dma_wait3A_668, %dma_wait3A_669] : memref<10240x128xf32, #tpu.memory_space<vmem_shared>> -> memref<10240x128xf32, #tpu.memory_space<vmem_shared>>
      tpu.wait_indirect_dma semaphore(%arg20 : memref<!tpu.dma_semaphore, #tpu.memory_space<semaphore_mem>>) src(%arg14 : memref<80x128xf32, #tpu.memory_space<vmem>>) dst(%dma_wait3A_670 : memref<10240x128xf32, #tpu.memory_space<vmem_shared>>)
      %dma_start3A_671 = arith.constant 12 : i32
      %dma_start3A_672 = arith.constant 0 : i32
      %dma_start3A_673 = tpu.memref_slice %arg12[%dma_start3A_671, %dma_start3A_672] : memref<16x80xi32, #tpu.memory_space<vmem>> -> memref<1x80xi32, #tpu.memory_space<vmem>>
      %dma_start3A_674 = tpu.memref_squeeze %dma_start3A_673 : memref<1x80xi32, #tpu.memory_space<vmem>> -> memref<80xi32, #tpu.memory_space<vmem>>
      %dma_start3A_675 = arith.constant 0 : i32
      %dma_start3A_676 = arith.constant 0 : i32
      %dma_start3A_677 = tpu.memref_slice %arg9[%dma_start3A_675, %dma_start3A_676] : memref<10240x128xf32, #tpu.memory_space<vmem_shared>> -> memref<10240x128xf32, #tpu.memory_space<vmem_shared>>
      tpu.enqueue_indirect_dma source(%arg13 : memref<80x128xf32, #tpu.memory_space<vmem>>) target(%dma_start3A_677 : memref<10240x128xf32, #tpu.memory_space<vmem_shared>>) offsets(%dma_start3A_674 : memref<80xi32, #tpu.memory_space<vmem>>) semaphore(%arg19 : memref<!tpu.dma_semaphore, #tpu.memory_space<semaphore_mem>>) {add = true}
      %dma_start3A_678 = arith.constant 13 : i32
      %dma_start3A_679 = arith.constant 0 : i32
      %dma_start3A_680 = tpu.memref_slice %arg11[%dma_start3A_678, %dma_start3A_679] : memref<16x80xi32, #tpu.memory_space<vmem>> -> memref<1x80xi32, #tpu.memory_space<vmem>>
      %dma_start3A_681 = tpu.memref_squeeze %dma_start3A_680 : memref<1x80xi32, #tpu.memory_space<vmem>> -> memref<80xi32, #tpu.memory_space<vmem>>
      %dma_start3A_682 = arith.constant 0 : i32
      %dma_start3A_683 = arith.constant 0 : i32
      %dma_start3A_684 = tpu.memref_slice %arg2[%dma_start3A_682, %dma_start3A_683] : memref<20000x128xf32, #tpu.memory_space<hbm>> -> memref<20000x128xf32, #tpu.memory_space<hbm>>
      tpu.enqueue_indirect_dma source(%dma_start3A_684 : memref<20000x128xf32, #tpu.memory_space<hbm>>) target(%arg14 : memref<80x128xf32, #tpu.memory_space<vmem>>) offsets(%dma_start3A_681 : memref<80xi32, #tpu.memory_space<vmem>>) semaphore(%arg18 : memref<!tpu.dma_semaphore, #tpu.memory_space<semaphore_mem>>)
      %eq3A_685 = arith.constant 0 : i32
      %eq3A_686 = arith.cmpi eq, %arg0, %eq3A_685 : i32
      %convert_element_type3A_687 = arith.extui %eq3A_686 : i1 to i32
      %cond3A_688 = arith.constant 0 : i32
      %cond3A_689 = arith.cmpi ne, %convert_element_type3A_687, %cond3A_688 : i32
      scf.if %cond3A_689 {
        %get3A = arith.constant 12 : i32
        %get3A_789 = arith.index_cast %get3A : i32 to index
        %get3A_790 = arith.constant 0 : index
        %get3A_791 = tpu.vector_load %arg12[%get3A_789, %get3A_790] {strides = array<i32>} : memref<16x80xi32, #tpu.memory_space<vmem>>, vector<16xi32>,
        %shift_right_logical3A = arith.constant 7 : i32
        %shift_right_logical3A_792 = vector.broadcast %shift_right_logical3A : i32 to vector<16xi32>
        %shift_right_logical3A_793 = arith.shrui %get3A_791, %shift_right_logical3A_792 : vector<16xi32>
        %and3A = arith.constant 127 : i32
        %and3A_794 = vector.broadcast %and3A : i32 to vector<16xi32>
        %and3A_795 = arith.andi %get3A_791, %and3A_794 : vector<16xi32>
        tpu.vector_store_idx %arg15[%shift_right_logical3A_793, %and3A_795], %broadcast_in_dim3A_94 {add = true} : memref<80x128xf32, #tpu.memory_space<vmem>>[vector<16xi32>, vector<16xi32>], vector<16xf32>,
        %get3A_796 = arith.constant 12 : i32
        %get3A_797 = arith.index_cast %get3A_796 : i32 to index
        %get3A_798 = arith.constant 16 : index
        %get3A_799 = tpu.vector_load %arg12[%get3A_797, %get3A_798] {strides = array<i32>} : memref<16x80xi32, #tpu.memory_space<vmem>>, vector<16xi32>,
        %shift_right_logical3A_800 = arith.constant 7 : i32
        %shift_right_logical3A_801 = vector.broadcast %shift_right_logical3A_800 : i32 to vector<16xi32>
        %shift_right_logical3A_802 = arith.shrui %get3A_799, %shift_right_logical3A_801 : vector<16xi32>
        %and3A_803 = arith.constant 127 : i32
        %and3A_804 = vector.broadcast %and3A_803 : i32 to vector<16xi32>
        %and3A_805 = arith.andi %get3A_799, %and3A_804 : vector<16xi32>
        tpu.vector_store_idx %arg15[%shift_right_logical3A_802, %and3A_805], %broadcast_in_dim3A_94 {add = true} : memref<80x128xf32, #tpu.memory_space<vmem>>[vector<16xi32>, vector<16xi32>], vector<16xf32>,
        %get3A_806 = arith.constant 12 : i32
        %get3A_807 = arith.index_cast %get3A_806 : i32 to index
        %get3A_808 = arith.constant 32 : index
        %get3A_809 = tpu.vector_load %arg12[%get3A_807, %get3A_808] {strides = array<i32>} : memref<16x80xi32, #tpu.memory_space<vmem>>, vector<16xi32>,
        %shift_right_logical3A_810 = arith.constant 7 : i32
        %shift_right_logical3A_811 = vector.broadcast %shift_right_logical3A_810 : i32 to vector<16xi32>
        %shift_right_logical3A_812 = arith.shrui %get3A_809, %shift_right_logical3A_811 : vector<16xi32>
        %and3A_813 = arith.constant 127 : i32
        %and3A_814 = vector.broadcast %and3A_813 : i32 to vector<16xi32>
        %and3A_815 = arith.andi %get3A_809, %and3A_814 : vector<16xi32>
        tpu.vector_store_idx %arg15[%shift_right_logical3A_812, %and3A_815], %broadcast_in_dim3A_94 {add = true} : memref<80x128xf32, #tpu.memory_space<vmem>>[vector<16xi32>, vector<16xi32>], vector<16xf32>,
        %get3A_816 = arith.constant 12 : i32
        %get3A_817 = arith.index_cast %get3A_816 : i32 to index
        %get3A_818 = arith.constant 48 : index
        %get3A_819 = tpu.vector_load %arg12[%get3A_817, %get3A_818] {strides = array<i32>} : memref<16x80xi32, #tpu.memory_space<vmem>>, vector<16xi32>,
        %shift_right_logical3A_820 = arith.constant 7 : i32
        %shift_right_logical3A_821 = vector.broadcast %shift_right_logical3A_820 : i32 to vector<16xi32>
        %shift_right_logical3A_822 = arith.shrui %get3A_819, %shift_right_logical3A_821 : vector<16xi32>
        %and3A_823 = arith.constant 127 : i32
        %and3A_824 = vector.broadcast %and3A_823 : i32 to vector<16xi32>
        %and3A_825 = arith.andi %get3A_819, %and3A_824 : vector<16xi32>
        tpu.vector_store_idx %arg15[%shift_right_logical3A_822, %and3A_825], %broadcast_in_dim3A_94 {add = true} : memref<80x128xf32, #tpu.memory_space<vmem>>[vector<16xi32>, vector<16xi32>], vector<16xf32>,
        %get3A_826 = arith.constant 12 : i32
        %get3A_827 = arith.index_cast %get3A_826 : i32 to index
        %get3A_828 = arith.constant 64 : index
        %get3A_829 = tpu.vector_load %arg12[%get3A_827, %get3A_828] {strides = array<i32>} : memref<16x80xi32, #tpu.memory_space<vmem>>, vector<16xi32>,
        %shift_right_logical3A_830 = arith.constant 7 : i32
        %shift_right_logical3A_831 = vector.broadcast %shift_right_logical3A_830 : i32 to vector<16xi32>
        %shift_right_logical3A_832 = arith.shrui %get3A_829, %shift_right_logical3A_831 : vector<16xi32>
        %and3A_833 = arith.constant 127 : i32
        %and3A_834 = vector.broadcast %and3A_833 : i32 to vector<16xi32>
        %and3A_835 = arith.andi %get3A_829, %and3A_834 : vector<16xi32>
        tpu.vector_store_idx %arg15[%shift_right_logical3A_832, %and3A_835], %broadcast_in_dim3A_94 {add = true} : memref<80x128xf32, #tpu.memory_space<vmem>>[vector<16xi32>, vector<16xi32>], vector<16xf32>,
      } else {
      }
      %dma_wait3A_690 = arith.constant 13 : i32
      %dma_wait3A_691 = arith.constant 0 : i32
      %dma_wait3A_692 = tpu.memref_slice %arg11[%dma_wait3A_690, %dma_wait3A_691] : memref<16x80xi32, #tpu.memory_space<vmem>> -> memref<1x80xi32, #tpu.memory_space<vmem>>
      %dma_wait3A_693 = tpu.memref_squeeze %dma_wait3A_692 : memref<1x80xi32, #tpu.memory_space<vmem>> -> memref<80xi32, #tpu.memory_space<vmem>>
      %dma_wait3A_694 = arith.constant 0 : i32
      %dma_wait3A_695 = arith.constant 0 : i32
      %dma_wait3A_696 = tpu.memref_slice %arg2[%dma_wait3A_694, %dma_wait3A_695] : memref<20000x128xf32, #tpu.memory_space<hbm>> -> memref<20000x128xf32, #tpu.memory_space<hbm>>
      tpu.wait_indirect_dma semaphore(%arg18 : memref<!tpu.dma_semaphore, #tpu.memory_space<semaphore_mem>>) src(%dma_wait3A_696 : memref<20000x128xf32, #tpu.memory_space<hbm>>) dst(%arg14 : memref<80x128xf32, #tpu.memory_space<vmem>>)
      %dma_wait3A_697 = arith.constant 12 : i32
      %dma_wait3A_698 = arith.constant 0 : i32
      %dma_wait3A_699 = tpu.memref_slice %arg12[%dma_wait3A_697, %dma_wait3A_698] : memref<16x80xi32, #tpu.memory_space<vmem>> -> memref<1x80xi32, #tpu.memory_space<vmem>>
      %dma_wait3A_700 = tpu.memref_squeeze %dma_wait3A_699 : memref<1x80xi32, #tpu.memory_space<vmem>> -> memref<80xi32, #tpu.memory_space<vmem>>
      %dma_wait3A_701 = arith.constant 0 : i32
      %dma_wait3A_702 = arith.constant 0 : i32
      %dma_wait3A_703 = tpu.memref_slice %arg9[%dma_wait3A_701, %dma_wait3A_702] : memref<10240x128xf32, #tpu.memory_space<vmem_shared>> -> memref<10240x128xf32, #tpu.memory_space<vmem_shared>>
      tpu.wait_indirect_dma semaphore(%arg19 : memref<!tpu.dma_semaphore, #tpu.memory_space<semaphore_mem>>) src(%arg13 : memref<80x128xf32, #tpu.memory_space<vmem>>) dst(%dma_wait3A_703 : memref<10240x128xf32, #tpu.memory_space<vmem_shared>>)
      %dma_start3A_704 = arith.constant 13 : i32
      %dma_start3A_705 = arith.constant 0 : i32
      %dma_start3A_706 = tpu.memref_slice %arg12[%dma_start3A_704, %dma_start3A_705] : memref<16x80xi32, #tpu.memory_space<vmem>> -> memref<1x80xi32, #tpu.memory_space<vmem>>
      %dma_start3A_707 = tpu.memref_squeeze %dma_start3A_706 : memref<1x80xi32, #tpu.memory_space<vmem>> -> memref<80xi32, #tpu.memory_space<vmem>>
      %dma_start3A_708 = arith.constant 0 : i32
      %dma_start3A_709 = arith.constant 0 : i32
      %dma_start3A_710 = tpu.memref_slice %arg9[%dma_start3A_708, %dma_start3A_709] : memref<10240x128xf32, #tpu.memory_space<vmem_shared>> -> memref<10240x128xf32, #tpu.memory_space<vmem_shared>>
      tpu.enqueue_indirect_dma source(%arg14 : memref<80x128xf32, #tpu.memory_space<vmem>>) target(%dma_start3A_710 : memref<10240x128xf32, #tpu.memory_space<vmem_shared>>) offsets(%dma_start3A_707 : memref<80xi32, #tpu.memory_space<vmem>>) semaphore(%arg20 : memref<!tpu.dma_semaphore, #tpu.memory_space<semaphore_mem>>) {add = true}
      %dma_start3A_711 = arith.constant 14 : i32
      %dma_start3A_712 = arith.constant 0 : i32
      %dma_start3A_713 = tpu.memref_slice %arg11[%dma_start3A_711, %dma_start3A_712] : memref<16x80xi32, #tpu.memory_space<vmem>> -> memref<1x80xi32, #tpu.memory_space<vmem>>
      %dma_start3A_714 = tpu.memref_squeeze %dma_start3A_713 : memref<1x80xi32, #tpu.memory_space<vmem>> -> memref<80xi32, #tpu.memory_space<vmem>>
      %dma_start3A_715 = arith.constant 0 : i32
      %dma_start3A_716 = arith.constant 0 : i32
      %dma_start3A_717 = tpu.memref_slice %arg2[%dma_start3A_715, %dma_start3A_716] : memref<20000x128xf32, #tpu.memory_space<hbm>> -> memref<20000x128xf32, #tpu.memory_space<hbm>>
      tpu.enqueue_indirect_dma source(%dma_start3A_717 : memref<20000x128xf32, #tpu.memory_space<hbm>>) target(%arg13 : memref<80x128xf32, #tpu.memory_space<vmem>>) offsets(%dma_start3A_714 : memref<80xi32, #tpu.memory_space<vmem>>) semaphore(%arg17 : memref<!tpu.dma_semaphore, #tpu.memory_space<semaphore_mem>>)
      %eq3A_718 = arith.constant 1 : i32
      %eq3A_719 = arith.cmpi eq, %arg0, %eq3A_718 : i32
      %convert_element_type3A_720 = arith.extui %eq3A_719 : i1 to i32
      %cond3A_721 = arith.constant 0 : i32
      %cond3A_722 = arith.cmpi ne, %convert_element_type3A_720, %cond3A_721 : i32
      scf.if %cond3A_722 {
        %get3A = arith.constant 13 : i32
        %get3A_789 = arith.index_cast %get3A : i32 to index
        %get3A_790 = arith.constant 0 : index
        %get3A_791 = tpu.vector_load %arg12[%get3A_789, %get3A_790] {strides = array<i32>} : memref<16x80xi32, #tpu.memory_space<vmem>>, vector<16xi32>,
        %shift_right_logical3A = arith.constant 7 : i32
        %shift_right_logical3A_792 = vector.broadcast %shift_right_logical3A : i32 to vector<16xi32>
        %shift_right_logical3A_793 = arith.shrui %get3A_791, %shift_right_logical3A_792 : vector<16xi32>
        %and3A = arith.constant 127 : i32
        %and3A_794 = vector.broadcast %and3A : i32 to vector<16xi32>
        %and3A_795 = arith.andi %get3A_791, %and3A_794 : vector<16xi32>
        tpu.vector_store_idx %arg15[%shift_right_logical3A_793, %and3A_795], %broadcast_in_dim3A_94 {add = true} : memref<80x128xf32, #tpu.memory_space<vmem>>[vector<16xi32>, vector<16xi32>], vector<16xf32>,
        %get3A_796 = arith.constant 13 : i32
        %get3A_797 = arith.index_cast %get3A_796 : i32 to index
        %get3A_798 = arith.constant 16 : index
        %get3A_799 = tpu.vector_load %arg12[%get3A_797, %get3A_798] {strides = array<i32>} : memref<16x80xi32, #tpu.memory_space<vmem>>, vector<16xi32>,
        %shift_right_logical3A_800 = arith.constant 7 : i32
        %shift_right_logical3A_801 = vector.broadcast %shift_right_logical3A_800 : i32 to vector<16xi32>
        %shift_right_logical3A_802 = arith.shrui %get3A_799, %shift_right_logical3A_801 : vector<16xi32>
        %and3A_803 = arith.constant 127 : i32
        %and3A_804 = vector.broadcast %and3A_803 : i32 to vector<16xi32>
        %and3A_805 = arith.andi %get3A_799, %and3A_804 : vector<16xi32>
        tpu.vector_store_idx %arg15[%shift_right_logical3A_802, %and3A_805], %broadcast_in_dim3A_94 {add = true} : memref<80x128xf32, #tpu.memory_space<vmem>>[vector<16xi32>, vector<16xi32>], vector<16xf32>,
        %get3A_806 = arith.constant 13 : i32
        %get3A_807 = arith.index_cast %get3A_806 : i32 to index
        %get3A_808 = arith.constant 32 : index
        %get3A_809 = tpu.vector_load %arg12[%get3A_807, %get3A_808] {strides = array<i32>} : memref<16x80xi32, #tpu.memory_space<vmem>>, vector<16xi32>,
        %shift_right_logical3A_810 = arith.constant 7 : i32
        %shift_right_logical3A_811 = vector.broadcast %shift_right_logical3A_810 : i32 to vector<16xi32>
        %shift_right_logical3A_812 = arith.shrui %get3A_809, %shift_right_logical3A_811 : vector<16xi32>
        %and3A_813 = arith.constant 127 : i32
        %and3A_814 = vector.broadcast %and3A_813 : i32 to vector<16xi32>
        %and3A_815 = arith.andi %get3A_809, %and3A_814 : vector<16xi32>
        tpu.vector_store_idx %arg15[%shift_right_logical3A_812, %and3A_815], %broadcast_in_dim3A_94 {add = true} : memref<80x128xf32, #tpu.memory_space<vmem>>[vector<16xi32>, vector<16xi32>], vector<16xf32>,
        %get3A_816 = arith.constant 13 : i32
        %get3A_817 = arith.index_cast %get3A_816 : i32 to index
        %get3A_818 = arith.constant 48 : index
        %get3A_819 = tpu.vector_load %arg12[%get3A_817, %get3A_818] {strides = array<i32>} : memref<16x80xi32, #tpu.memory_space<vmem>>, vector<16xi32>,
        %shift_right_logical3A_820 = arith.constant 7 : i32
        %shift_right_logical3A_821 = vector.broadcast %shift_right_logical3A_820 : i32 to vector<16xi32>
        %shift_right_logical3A_822 = arith.shrui %get3A_819, %shift_right_logical3A_821 : vector<16xi32>
        %and3A_823 = arith.constant 127 : i32
        %and3A_824 = vector.broadcast %and3A_823 : i32 to vector<16xi32>
        %and3A_825 = arith.andi %get3A_819, %and3A_824 : vector<16xi32>
        tpu.vector_store_idx %arg15[%shift_right_logical3A_822, %and3A_825], %broadcast_in_dim3A_94 {add = true} : memref<80x128xf32, #tpu.memory_space<vmem>>[vector<16xi32>, vector<16xi32>], vector<16xf32>,
        %get3A_826 = arith.constant 13 : i32
        %get3A_827 = arith.index_cast %get3A_826 : i32 to index
        %get3A_828 = arith.constant 64 : index
        %get3A_829 = tpu.vector_load %arg12[%get3A_827, %get3A_828] {strides = array<i32>} : memref<16x80xi32, #tpu.memory_space<vmem>>, vector<16xi32>,
        %shift_right_logical3A_830 = arith.constant 7 : i32
        %shift_right_logical3A_831 = vector.broadcast %shift_right_logical3A_830 : i32 to vector<16xi32>
        %shift_right_logical3A_832 = arith.shrui %get3A_829, %shift_right_logical3A_831 : vector<16xi32>
        %and3A_833 = arith.constant 127 : i32
        %and3A_834 = vector.broadcast %and3A_833 : i32 to vector<16xi32>
        %and3A_835 = arith.andi %get3A_829, %and3A_834 : vector<16xi32>
        tpu.vector_store_idx %arg15[%shift_right_logical3A_832, %and3A_835], %broadcast_in_dim3A_94 {add = true} : memref<80x128xf32, #tpu.memory_space<vmem>>[vector<16xi32>, vector<16xi32>], vector<16xf32>,
      } else {
      }
      %dma_wait3A_723 = arith.constant 14 : i32
      %dma_wait3A_724 = arith.constant 0 : i32
      %dma_wait3A_725 = tpu.memref_slice %arg11[%dma_wait3A_723, %dma_wait3A_724] : memref<16x80xi32, #tpu.memory_space<vmem>> -> memref<1x80xi32, #tpu.memory_space<vmem>>
      %dma_wait3A_726 = tpu.memref_squeeze %dma_wait3A_725 : memref<1x80xi32, #tpu.memory_space<vmem>> -> memref<80xi32, #tpu.memory_space<vmem>>
      %dma_wait3A_727 = arith.constant 0 : i32
      %dma_wait3A_728 = arith.constant 0 : i32
      %dma_wait3A_729 = tpu.memref_slice %arg2[%dma_wait3A_727, %dma_wait3A_728] : memref<20000x128xf32, #tpu.memory_space<hbm>> -> memref<20000x128xf32, #tpu.memory_space<hbm>>
      tpu.wait_indirect_dma semaphore(%arg17 : memref<!tpu.dma_semaphore, #tpu.memory_space<semaphore_mem>>) src(%dma_wait3A_729 : memref<20000x128xf32, #tpu.memory_space<hbm>>) dst(%arg13 : memref<80x128xf32, #tpu.memory_space<vmem>>)
      %dma_wait3A_730 = arith.constant 13 : i32
      %dma_wait3A_731 = arith.constant 0 : i32
      %dma_wait3A_732 = tpu.memref_slice %arg12[%dma_wait3A_730, %dma_wait3A_731] : memref<16x80xi32, #tpu.memory_space<vmem>> -> memref<1x80xi32, #tpu.memory_space<vmem>>
      %dma_wait3A_733 = tpu.memref_squeeze %dma_wait3A_732 : memref<1x80xi32, #tpu.memory_space<vmem>> -> memref<80xi32, #tpu.memory_space<vmem>>
      %dma_wait3A_734 = arith.constant 0 : i32
      %dma_wait3A_735 = arith.constant 0 : i32
      %dma_wait3A_736 = tpu.memref_slice %arg9[%dma_wait3A_734, %dma_wait3A_735] : memref<10240x128xf32, #tpu.memory_space<vmem_shared>> -> memref<10240x128xf32, #tpu.memory_space<vmem_shared>>
      tpu.wait_indirect_dma semaphore(%arg20 : memref<!tpu.dma_semaphore, #tpu.memory_space<semaphore_mem>>) src(%arg14 : memref<80x128xf32, #tpu.memory_space<vmem>>) dst(%dma_wait3A_736 : memref<10240x128xf32, #tpu.memory_space<vmem_shared>>)
      %dma_start3A_737 = arith.constant 14 : i32
      %dma_start3A_738 = arith.constant 0 : i32
      %dma_start3A_739 = tpu.memref_slice %arg12[%dma_start3A_737, %dma_start3A_738] : memref<16x80xi32, #tpu.memory_space<vmem>> -> memref<1x80xi32, #tpu.memory_space<vmem>>
      %dma_start3A_740 = tpu.memref_squeeze %dma_start3A_739 : memref<1x80xi32, #tpu.memory_space<vmem>> -> memref<80xi32, #tpu.memory_space<vmem>>
      %dma_start3A_741 = arith.constant 0 : i32
      %dma_start3A_742 = arith.constant 0 : i32
      %dma_start3A_743 = tpu.memref_slice %arg9[%dma_start3A_741, %dma_start3A_742] : memref<10240x128xf32, #tpu.memory_space<vmem_shared>> -> memref<10240x128xf32, #tpu.memory_space<vmem_shared>>
      tpu.enqueue_indirect_dma source(%arg13 : memref<80x128xf32, #tpu.memory_space<vmem>>) target(%dma_start3A_743 : memref<10240x128xf32, #tpu.memory_space<vmem_shared>>) offsets(%dma_start3A_740 : memref<80xi32, #tpu.memory_space<vmem>>) semaphore(%arg19 : memref<!tpu.dma_semaphore, #tpu.memory_space<semaphore_mem>>) {add = true}
      %dma_start3A_744 = arith.constant 15 : i32
      %dma_start3A_745 = arith.constant 0 : i32
      %dma_start3A_746 = tpu.memref_slice %arg11[%dma_start3A_744, %dma_start3A_745] : memref<16x80xi32, #tpu.memory_space<vmem>> -> memref<1x80xi32, #tpu.memory_space<vmem>>
      %dma_start3A_747 = tpu.memref_squeeze %dma_start3A_746 : memref<1x80xi32, #tpu.memory_space<vmem>> -> memref<80xi32, #tpu.memory_space<vmem>>
      %dma_start3A_748 = arith.constant 0 : i32
      %dma_start3A_749 = arith.constant 0 : i32
      %dma_start3A_750 = tpu.memref_slice %arg2[%dma_start3A_748, %dma_start3A_749] : memref<20000x128xf32, #tpu.memory_space<hbm>> -> memref<20000x128xf32, #tpu.memory_space<hbm>>
      tpu.enqueue_indirect_dma source(%dma_start3A_750 : memref<20000x128xf32, #tpu.memory_space<hbm>>) target(%arg14 : memref<80x128xf32, #tpu.memory_space<vmem>>) offsets(%dma_start3A_747 : memref<80xi32, #tpu.memory_space<vmem>>) semaphore(%arg18 : memref<!tpu.dma_semaphore, #tpu.memory_space<semaphore_mem>>)
      %eq3A_751 = arith.constant 0 : i32
      %eq3A_752 = arith.cmpi eq, %arg0, %eq3A_751 : i32
      %convert_element_type3A_753 = arith.extui %eq3A_752 : i1 to i32
      %cond3A_754 = arith.constant 0 : i32
      %cond3A_755 = arith.cmpi ne, %convert_element_type3A_753, %cond3A_754 : i32
      scf.if %cond3A_755 {
        %get3A = arith.constant 14 : i32
        %get3A_789 = arith.index_cast %get3A : i32 to index
        %get3A_790 = arith.constant 0 : index
        %get3A_791 = tpu.vector_load %arg12[%get3A_789, %get3A_790] {strides = array<i32>} : memref<16x80xi32, #tpu.memory_space<vmem>>, vector<16xi32>,
        %shift_right_logical3A = arith.constant 7 : i32
        %shift_right_logical3A_792 = vector.broadcast %shift_right_logical3A : i32 to vector<16xi32>
        %shift_right_logical3A_793 = arith.shrui %get3A_791, %shift_right_logical3A_792 : vector<16xi32>
        %and3A = arith.constant 127 : i32
        %and3A_794 = vector.broadcast %and3A : i32 to vector<16xi32>
        %and3A_795 = arith.andi %get3A_791, %and3A_794 : vector<16xi32>
        tpu.vector_store_idx %arg15[%shift_right_logical3A_793, %and3A_795], %broadcast_in_dim3A_94 {add = true} : memref<80x128xf32, #tpu.memory_space<vmem>>[vector<16xi32>, vector<16xi32>], vector<16xf32>,
        %get3A_796 = arith.constant 14 : i32
        %get3A_797 = arith.index_cast %get3A_796 : i32 to index
        %get3A_798 = arith.constant 16 : index
        %get3A_799 = tpu.vector_load %arg12[%get3A_797, %get3A_798] {strides = array<i32>} : memref<16x80xi32, #tpu.memory_space<vmem>>, vector<16xi32>,
        %shift_right_logical3A_800 = arith.constant 7 : i32
        %shift_right_logical3A_801 = vector.broadcast %shift_right_logical3A_800 : i32 to vector<16xi32>
        %shift_right_logical3A_802 = arith.shrui %get3A_799, %shift_right_logical3A_801 : vector<16xi32>
        %and3A_803 = arith.constant 127 : i32
        %and3A_804 = vector.broadcast %and3A_803 : i32 to vector<16xi32>
        %and3A_805 = arith.andi %get3A_799, %and3A_804 : vector<16xi32>
        tpu.vector_store_idx %arg15[%shift_right_logical3A_802, %and3A_805], %broadcast_in_dim3A_94 {add = true} : memref<80x128xf32, #tpu.memory_space<vmem>>[vector<16xi32>, vector<16xi32>], vector<16xf32>,
        %get3A_806 = arith.constant 14 : i32
        %get3A_807 = arith.index_cast %get3A_806 : i32 to index
        %get3A_808 = arith.constant 32 : index
        %get3A_809 = tpu.vector_load %arg12[%get3A_807, %get3A_808] {strides = array<i32>} : memref<16x80xi32, #tpu.memory_space<vmem>>, vector<16xi32>,
        %shift_right_logical3A_810 = arith.constant 7 : i32
        %shift_right_logical3A_811 = vector.broadcast %shift_right_logical3A_810 : i32 to vector<16xi32>
        %shift_right_logical3A_812 = arith.shrui %get3A_809, %shift_right_logical3A_811 : vector<16xi32>
        %and3A_813 = arith.constant 127 : i32
        %and3A_814 = vector.broadcast %and3A_813 : i32 to vector<16xi32>
        %and3A_815 = arith.andi %get3A_809, %and3A_814 : vector<16xi32>
        tpu.vector_store_idx %arg15[%shift_right_logical3A_812, %and3A_815], %broadcast_in_dim3A_94 {add = true} : memref<80x128xf32, #tpu.memory_space<vmem>>[vector<16xi32>, vector<16xi32>], vector<16xf32>,
        %get3A_816 = arith.constant 14 : i32
        %get3A_817 = arith.index_cast %get3A_816 : i32 to index
        %get3A_818 = arith.constant 48 : index
        %get3A_819 = tpu.vector_load %arg12[%get3A_817, %get3A_818] {strides = array<i32>} : memref<16x80xi32, #tpu.memory_space<vmem>>, vector<16xi32>,
        %shift_right_logical3A_820 = arith.constant 7 : i32
        %shift_right_logical3A_821 = vector.broadcast %shift_right_logical3A_820 : i32 to vector<16xi32>
        %shift_right_logical3A_822 = arith.shrui %get3A_819, %shift_right_logical3A_821 : vector<16xi32>
        %and3A_823 = arith.constant 127 : i32
        %and3A_824 = vector.broadcast %and3A_823 : i32 to vector<16xi32>
        %and3A_825 = arith.andi %get3A_819, %and3A_824 : vector<16xi32>
        tpu.vector_store_idx %arg15[%shift_right_logical3A_822, %and3A_825], %broadcast_in_dim3A_94 {add = true} : memref<80x128xf32, #tpu.memory_space<vmem>>[vector<16xi32>, vector<16xi32>], vector<16xf32>,
        %get3A_826 = arith.constant 14 : i32
        %get3A_827 = arith.index_cast %get3A_826 : i32 to index
        %get3A_828 = arith.constant 64 : index
        %get3A_829 = tpu.vector_load %arg12[%get3A_827, %get3A_828] {strides = array<i32>} : memref<16x80xi32, #tpu.memory_space<vmem>>, vector<16xi32>,
        %shift_right_logical3A_830 = arith.constant 7 : i32
        %shift_right_logical3A_831 = vector.broadcast %shift_right_logical3A_830 : i32 to vector<16xi32>
        %shift_right_logical3A_832 = arith.shrui %get3A_829, %shift_right_logical3A_831 : vector<16xi32>
        %and3A_833 = arith.constant 127 : i32
        %and3A_834 = vector.broadcast %and3A_833 : i32 to vector<16xi32>
        %and3A_835 = arith.andi %get3A_829, %and3A_834 : vector<16xi32>
        tpu.vector_store_idx %arg15[%shift_right_logical3A_832, %and3A_835], %broadcast_in_dim3A_94 {add = true} : memref<80x128xf32, #tpu.memory_space<vmem>>[vector<16xi32>, vector<16xi32>], vector<16xf32>,
      } else {
      }
      %dma_wait3A_756 = arith.constant 15 : i32
      %dma_wait3A_757 = arith.constant 0 : i32
      %dma_wait3A_758 = tpu.memref_slice %arg11[%dma_wait3A_756, %dma_wait3A_757] : memref<16x80xi32, #tpu.memory_space<vmem>> -> memref<1x80xi32, #tpu.memory_space<vmem>>
      %dma_wait3A_759 = tpu.memref_squeeze %dma_wait3A_758 : memref<1x80xi32, #tpu.memory_space<vmem>> -> memref<80xi32, #tpu.memory_space<vmem>>
      %dma_wait3A_760 = arith.constant 0 : i32
      %dma_wait3A_761 = arith.constant 0 : i32
      %dma_wait3A_762 = tpu.memref_slice %arg2[%dma_wait3A_760, %dma_wait3A_761] : memref<20000x128xf32, #tpu.memory_space<hbm>> -> memref<20000x128xf32, #tpu.memory_space<hbm>>
      tpu.wait_indirect_dma semaphore(%arg18 : memref<!tpu.dma_semaphore, #tpu.memory_space<semaphore_mem>>) src(%dma_wait3A_762 : memref<20000x128xf32, #tpu.memory_space<hbm>>) dst(%arg14 : memref<80x128xf32, #tpu.memory_space<vmem>>)
      %dma_wait3A_763 = arith.constant 14 : i32
      %dma_wait3A_764 = arith.constant 0 : i32
      %dma_wait3A_765 = tpu.memref_slice %arg12[%dma_wait3A_763, %dma_wait3A_764] : memref<16x80xi32, #tpu.memory_space<vmem>> -> memref<1x80xi32, #tpu.memory_space<vmem>>
      %dma_wait3A_766 = tpu.memref_squeeze %dma_wait3A_765 : memref<1x80xi32, #tpu.memory_space<vmem>> -> memref<80xi32, #tpu.memory_space<vmem>>
      %dma_wait3A_767 = arith.constant 0 : i32
      %dma_wait3A_768 = arith.constant 0 : i32
      %dma_wait3A_769 = tpu.memref_slice %arg9[%dma_wait3A_767, %dma_wait3A_768] : memref<10240x128xf32, #tpu.memory_space<vmem_shared>> -> memref<10240x128xf32, #tpu.memory_space<vmem_shared>>
      tpu.wait_indirect_dma semaphore(%arg19 : memref<!tpu.dma_semaphore, #tpu.memory_space<semaphore_mem>>) src(%arg13 : memref<80x128xf32, #tpu.memory_space<vmem>>) dst(%dma_wait3A_769 : memref<10240x128xf32, #tpu.memory_space<vmem_shared>>)
      %dma_start3A_770 = arith.constant 15 : i32
      %dma_start3A_771 = arith.constant 0 : i32
      %dma_start3A_772 = tpu.memref_slice %arg12[%dma_start3A_770, %dma_start3A_771] : memref<16x80xi32, #tpu.memory_space<vmem>> -> memref<1x80xi32, #tpu.memory_space<vmem>>
      %dma_start3A_773 = tpu.memref_squeeze %dma_start3A_772 : memref<1x80xi32, #tpu.memory_space<vmem>> -> memref<80xi32, #tpu.memory_space<vmem>>
      %dma_start3A_774 = arith.constant 0 : i32
      %dma_start3A_775 = arith.constant 0 : i32
      %dma_start3A_776 = tpu.memref_slice %arg9[%dma_start3A_774, %dma_start3A_775] : memref<10240x128xf32, #tpu.memory_space<vmem_shared>> -> memref<10240x128xf32, #tpu.memory_space<vmem_shared>>
      tpu.enqueue_indirect_dma source(%arg14 : memref<80x128xf32, #tpu.memory_space<vmem>>) target(%dma_start3A_776 : memref<10240x128xf32, #tpu.memory_space<vmem_shared>>) offsets(%dma_start3A_773 : memref<80xi32, #tpu.memory_space<vmem>>) semaphore(%arg20 : memref<!tpu.dma_semaphore, #tpu.memory_space<semaphore_mem>>) {add = true}
      %eq3A_777 = arith.constant 1 : i32
      %eq3A_778 = arith.cmpi eq, %arg0, %eq3A_777 : i32
      %convert_element_type3A_779 = arith.extui %eq3A_778 : i1 to i32
      %cond3A_780 = arith.constant 0 : i32
      %cond3A_781 = arith.cmpi ne, %convert_element_type3A_779, %cond3A_780 : i32
      scf.if %cond3A_781 {
        %get3A = arith.constant 15 : i32
        %get3A_789 = arith.index_cast %get3A : i32 to index
        %get3A_790 = arith.constant 0 : index
        %get3A_791 = tpu.vector_load %arg12[%get3A_789, %get3A_790] {strides = array<i32>} : memref<16x80xi32, #tpu.memory_space<vmem>>, vector<16xi32>,
        %shift_right_logical3A = arith.constant 7 : i32
        %shift_right_logical3A_792 = vector.broadcast %shift_right_logical3A : i32 to vector<16xi32>
        %shift_right_logical3A_793 = arith.shrui %get3A_791, %shift_right_logical3A_792 : vector<16xi32>
        %and3A = arith.constant 127 : i32
        %and3A_794 = vector.broadcast %and3A : i32 to vector<16xi32>
        %and3A_795 = arith.andi %get3A_791, %and3A_794 : vector<16xi32>
        tpu.vector_store_idx %arg15[%shift_right_logical3A_793, %and3A_795], %broadcast_in_dim3A_94 {add = true} : memref<80x128xf32, #tpu.memory_space<vmem>>[vector<16xi32>, vector<16xi32>], vector<16xf32>,
        %get3A_796 = arith.constant 15 : i32
        %get3A_797 = arith.index_cast %get3A_796 : i32 to index
        %get3A_798 = arith.constant 16 : index
        %get3A_799 = tpu.vector_load %arg12[%get3A_797, %get3A_798] {strides = array<i32>} : memref<16x80xi32, #tpu.memory_space<vmem>>, vector<16xi32>,
        %shift_right_logical3A_800 = arith.constant 7 : i32
        %shift_right_logical3A_801 = vector.broadcast %shift_right_logical3A_800 : i32 to vector<16xi32>
        %shift_right_logical3A_802 = arith.shrui %get3A_799, %shift_right_logical3A_801 : vector<16xi32>
        %and3A_803 = arith.constant 127 : i32
        %and3A_804 = vector.broadcast %and3A_803 : i32 to vector<16xi32>
        %and3A_805 = arith.andi %get3A_799, %and3A_804 : vector<16xi32>
        tpu.vector_store_idx %arg15[%shift_right_logical3A_802, %and3A_805], %broadcast_in_dim3A_94 {add = true} : memref<80x128xf32, #tpu.memory_space<vmem>>[vector<16xi32>, vector<16xi32>], vector<16xf32>,
        %get3A_806 = arith.constant 15 : i32
        %get3A_807 = arith.index_cast %get3A_806 : i32 to index
        %get3A_808 = arith.constant 32 : index
        %get3A_809 = tpu.vector_load %arg12[%get3A_807, %get3A_808] {strides = array<i32>} : memref<16x80xi32, #tpu.memory_space<vmem>>, vector<16xi32>,
        %shift_right_logical3A_810 = arith.constant 7 : i32
        %shift_right_logical3A_811 = vector.broadcast %shift_right_logical3A_810 : i32 to vector<16xi32>
        %shift_right_logical3A_812 = arith.shrui %get3A_809, %shift_right_logical3A_811 : vector<16xi32>
        %and3A_813 = arith.constant 127 : i32
        %and3A_814 = vector.broadcast %and3A_813 : i32 to vector<16xi32>
        %and3A_815 = arith.andi %get3A_809, %and3A_814 : vector<16xi32>
        tpu.vector_store_idx %arg15[%shift_right_logical3A_812, %and3A_815], %broadcast_in_dim3A_94 {add = true} : memref<80x128xf32, #tpu.memory_space<vmem>>[vector<16xi32>, vector<16xi32>], vector<16xf32>,
        %get3A_816 = arith.constant 15 : i32
        %get3A_817 = arith.index_cast %get3A_816 : i32 to index
        %get3A_818 = arith.constant 48 : index
        %get3A_819 = tpu.vector_load %arg12[%get3A_817, %get3A_818] {strides = array<i32>} : memref<16x80xi32, #tpu.memory_space<vmem>>, vector<16xi32>,
        %shift_right_logical3A_820 = arith.constant 7 : i32
        %shift_right_logical3A_821 = vector.broadcast %shift_right_logical3A_820 : i32 to vector<16xi32>
        %shift_right_logical3A_822 = arith.shrui %get3A_819, %shift_right_logical3A_821 : vector<16xi32>
        %and3A_823 = arith.constant 127 : i32
        %and3A_824 = vector.broadcast %and3A_823 : i32 to vector<16xi32>
        %and3A_825 = arith.andi %get3A_819, %and3A_824 : vector<16xi32>
        tpu.vector_store_idx %arg15[%shift_right_logical3A_822, %and3A_825], %broadcast_in_dim3A_94 {add = true} : memref<80x128xf32, #tpu.memory_space<vmem>>[vector<16xi32>, vector<16xi32>], vector<16xf32>,
        %get3A_826 = arith.constant 15 : i32
        %get3A_827 = arith.index_cast %get3A_826 : i32 to index
        %get3A_828 = arith.constant 64 : index
        %get3A_829 = tpu.vector_load %arg12[%get3A_827, %get3A_828] {strides = array<i32>} : memref<16x80xi32, #tpu.memory_space<vmem>>, vector<16xi32>,
        %shift_right_logical3A_830 = arith.constant 7 : i32
        %shift_right_logical3A_831 = vector.broadcast %shift_right_logical3A_830 : i32 to vector<16xi32>
        %shift_right_logical3A_832 = arith.shrui %get3A_829, %shift_right_logical3A_831 : vector<16xi32>
        %and3A_833 = arith.constant 127 : i32
        %and3A_834 = vector.broadcast %and3A_833 : i32 to vector<16xi32>
        %and3A_835 = arith.andi %get3A_829, %and3A_834 : vector<16xi32>
        tpu.vector_store_idx %arg15[%shift_right_logical3A_832, %and3A_835], %broadcast_in_dim3A_94 {add = true} : memref<80x128xf32, #tpu.memory_space<vmem>>[vector<16xi32>, vector<16xi32>], vector<16xf32>,
      } else {
      }
      %dma_wait3A_782 = arith.constant 15 : i32
      %dma_wait3A_783 = arith.constant 0 : i32
      %dma_wait3A_784 = tpu.memref_slice %arg12[%dma_wait3A_782, %dma_wait3A_783] : memref<16x80xi32, #tpu.memory_space<vmem>> -> memref<1x80xi32, #tpu.memory_space<vmem>>
      %dma_wait3A_785 = tpu.memref_squeeze %dma_wait3A_784 : memref<1x80xi32, #tpu.memory_space<vmem>> -> memref<80xi32, #tpu.memory_space<vmem>>
      %dma_wait3A_786 = arith.constant 0 : i32
      %dma_wait3A_787 = arith.constant 0 : i32
      %dma_wait3A_788 = tpu.memref_slice %arg9[%dma_wait3A_786, %dma_wait3A_787] : memref<10240x128xf32, #tpu.memory_space<vmem_shared>> -> memref<10240x128xf32, #tpu.memory_space<vmem_shared>>
      tpu.wait_indirect_dma semaphore(%arg20 : memref<!tpu.dma_semaphore, #tpu.memory_space<semaphore_mem>>) src(%arg14 : memref<80x128xf32, #tpu.memory_space<vmem>>) dst(%dma_wait3A_788 : memref<10240x128xf32, #tpu.memory_space<vmem_shared>>)
    }
    %scan3A_98 = arith.constant 8 : i32
    %run_scoped3A = arith.constant 0 : i32
    "tpu.region"() ({
      %run_scoped3A_249 = tpu.sem_alloc : memref<!tpu.dma_semaphore, #tpu.memory_space<semaphore_mem>>
      %dma_start3A_250 = arith.constant 0 : i32
      %dma_start3A_251 = tpu.memref_slice %arg16[%run_scoped3A, %dma_start3A_250] : memref<8x80xi32, #tpu.memory_space<vmem>> -> memref<1x80xi32, #tpu.memory_space<vmem>>
      %dma_start3A_252 = tpu.memref_squeeze %dma_start3A_251 : memref<1x80xi32, #tpu.memory_space<vmem>> -> memref<80xi32, #tpu.memory_space<vmem>>
      %dma_start3A_253 = arith.constant 0 : i32
      %dma_start3A_254 = arith.constant 0 : i32
      %dma_start3A_255 = tpu.memref_slice %arg10[%dma_start3A_253, %dma_start3A_254] : memref<80x128xf32, #tpu.memory_space<vmem_shared>> -> memref<80x128xf32, #tpu.memory_space<vmem_shared>>
      tpu.enqueue_indirect_dma source(%arg15 : memref<80x128xf32, #tpu.memory_space<vmem>>) target(%dma_start3A_255 : memref<80x128xf32, #tpu.memory_space<vmem_shared>>) offsets(%dma_start3A_252 : memref<80xi32, #tpu.memory_space<vmem>>) semaphore(%run_scoped3A_249 : memref<!tpu.dma_semaphore, #tpu.memory_space<semaphore_mem>>) {add = true}
      %dma_wait3A_256 = arith.constant 0 : i32
      %dma_wait3A_257 = tpu.memref_slice %arg16[%run_scoped3A, %dma_wait3A_256] : memref<8x80xi32, #tpu.memory_space<vmem>> -> memref<1x80xi32, #tpu.memory_space<vmem>>
      %dma_wait3A_258 = tpu.memref_squeeze %dma_wait3A_257 : memref<1x80xi32, #tpu.memory_space<vmem>> -> memref<80xi32, #tpu.memory_space<vmem>>
      %dma_wait3A_259 = arith.constant 0 : i32
      %dma_wait3A_260 = arith.constant 0 : i32
      %dma_wait3A_261 = tpu.memref_slice %arg10[%dma_wait3A_259, %dma_wait3A_260] : memref<80x128xf32, #tpu.memory_space<vmem_shared>> -> memref<80x128xf32, #tpu.memory_space<vmem_shared>>
      tpu.wait_indirect_dma semaphore(%run_scoped3A_249 : memref<!tpu.dma_semaphore, #tpu.memory_space<semaphore_mem>>) src(%arg15 : memref<80x128xf32, #tpu.memory_space<vmem>>) dst(%dma_wait3A_261 : memref<80x128xf32, #tpu.memory_space<vmem_shared>>)
      tpu.yield
    }) : () -> ()
    %barrier3A_99 = arith.constant 0 : index
    tpu.barrier barrier_id(%barrier3A_99)
    %mul3A_100 = arith.constant 128 : i32
    %mul3A_101 = arith.muli %arg0, %mul3A_100 : i32
    %multiple_of3A_102 = tpu.assume_multiple %mul3A_101, 8 : i32
    %dma_start3A_103 = arith.constant 0 : i32
    %dma_start3A_104 = tpu.memref_slice %arg9[%mul3A_0, %dma_start3A_103] : memref<10240x128xf32, #tpu.memory_space<vmem_shared>> -> memref<80x128xf32, #tpu.memory_space<vmem_shared>>
    %dma_start3A_105 = arith.constant 0 : i32
    %dma_start3A_106 = tpu.memref_slice %arg9[%mul3A_0, %dma_start3A_105] : memref<10240x128xf32, #tpu.memory_space<vmem_shared>> -> memref<80x128xf32, #tpu.memory_space<vmem_shared>>
    tpu.enqueue_dma source(%dma_start3A_106 : memref<80x128xf32, #tpu.memory_space<vmem_shared>>) target(%arg13 : memref<80x128xf32, #tpu.memory_space<vmem>>) target_semaphore(%arg17 : memref<!tpu.dma_semaphore, #tpu.memory_space<semaphore_mem>>)
    %add3A_107 = arith.constant 0 : i32
    %add3A_108 = arith.addi %mul3A_0, %add3A_107 : i32
    %multiple_of3A_109 = tpu.assume_multiple %add3A_108, 8 : i32
    %dma_wait3A_110 = arith.constant 0 : i32
    %dma_wait3A_111 = tpu.memref_slice %arg9[%mul3A_0, %dma_wait3A_110] : memref<10240x128xf32, #tpu.memory_space<vmem_shared>> -> memref<80x128xf32, #tpu.memory_space<vmem_shared>>
    %dma_wait3A_112 = arith.constant 0 : i32
    %dma_wait3A_113 = tpu.memref_slice %arg9[%mul3A_0, %dma_wait3A_112] : memref<10240x128xf32, #tpu.memory_space<vmem_shared>> -> memref<80x128xf32, #tpu.memory_space<vmem_shared>>
    tpu.wait_dma2 semaphore(%arg17 : memref<!tpu.dma_semaphore, #tpu.memory_space<semaphore_mem>>) src(%dma_wait3A_113 : memref<80x128xf32, #tpu.memory_space<vmem_shared>>) dst(%arg13 : memref<80x128xf32, #tpu.memory_space<vmem>>)
    %dma_start3A_114 = tpu.memref_slice %arg7[%multiple_of3A_109, %multiple_of3A_102] : memref<10240x256xf32, #tpu.memory_space<hbm>> -> memref<80x128xf32, #tpu.memory_space<hbm>>
    %dma_start3A_115 = tpu.memref_slice %arg7[%multiple_of3A_109, %multiple_of3A_102] : memref<10240x256xf32, #tpu.memory_space<hbm>> -> memref<80x128xf32, #tpu.memory_space<hbm>>
    tpu.enqueue_dma source(%arg13 : memref<80x128xf32, #tpu.memory_space<vmem>>) target(%dma_start3A_115 : memref<80x128xf32, #tpu.memory_space<hbm>>) target_semaphore(%arg19 : memref<!tpu.dma_semaphore, #tpu.memory_space<semaphore_mem>>)
    %add3A_116 = arith.constant 80 : i32
    %add3A_117 = arith.addi %mul3A_0, %add3A_116 : i32
    %multiple_of3A_118 = tpu.assume_multiple %add3A_117, 8 : i32
    %dma_start3A_119 = arith.constant 0 : i32
    %dma_start3A_120 = tpu.memref_slice %arg9[%multiple_of3A_118, %dma_start3A_119] : memref<10240x128xf32, #tpu.memory_space<vmem_shared>> -> memref<80x128xf32, #tpu.memory_space<vmem_shared>>
    %dma_start3A_121 = arith.constant 0 : i32
    %dma_start3A_122 = tpu.memref_slice %arg9[%multiple_of3A_118, %dma_start3A_121] : memref<10240x128xf32, #tpu.memory_space<vmem_shared>> -> memref<80x128xf32, #tpu.memory_space<vmem_shared>>
    tpu.enqueue_dma source(%dma_start3A_122 : memref<80x128xf32, #tpu.memory_space<vmem_shared>>) target(%arg14 : memref<80x128xf32, #tpu.memory_space<vmem>>) target_semaphore(%arg18 : memref<!tpu.dma_semaphore, #tpu.memory_space<semaphore_mem>>)
    %add3A_123 = arith.constant 80 : i32
    %add3A_124 = arith.addi %mul3A_0, %add3A_123 : i32
    %multiple_of3A_125 = tpu.assume_multiple %add3A_124, 8 : i32
    %dma_wait3A_126 = arith.constant 0 : i32
    %dma_wait3A_127 = tpu.memref_slice %arg9[%multiple_of3A_118, %dma_wait3A_126] : memref<10240x128xf32, #tpu.memory_space<vmem_shared>> -> memref<80x128xf32, #tpu.memory_space<vmem_shared>>
    %dma_wait3A_128 = arith.constant 0 : i32
    %dma_wait3A_129 = tpu.memref_slice %arg9[%multiple_of3A_118, %dma_wait3A_128] : memref<10240x128xf32, #tpu.memory_space<vmem_shared>> -> memref<80x128xf32, #tpu.memory_space<vmem_shared>>
    tpu.wait_dma2 semaphore(%arg18 : memref<!tpu.dma_semaphore, #tpu.memory_space<semaphore_mem>>) src(%dma_wait3A_129 : memref<80x128xf32, #tpu.memory_space<vmem_shared>>) dst(%arg14 : memref<80x128xf32, #tpu.memory_space<vmem>>)
    %dma_start3A_130 = tpu.memref_slice %arg7[%multiple_of3A_125, %multiple_of3A_102] : memref<10240x256xf32, #tpu.memory_space<hbm>> -> memref<80x128xf32, #tpu.memory_space<hbm>>
    %dma_start3A_131 = tpu.memref_slice %arg7[%multiple_of3A_125, %multiple_of3A_102] : memref<10240x256xf32, #tpu.memory_space<hbm>> -> memref<80x128xf32, #tpu.memory_space<hbm>>
    tpu.enqueue_dma source(%arg14 : memref<80x128xf32, #tpu.memory_space<vmem>>) target(%dma_start3A_131 : memref<80x128xf32, #tpu.memory_space<hbm>>) target_semaphore(%arg20 : memref<!tpu.dma_semaphore, #tpu.memory_space<semaphore_mem>>)
    %dma_wait3A_132 = tpu.memref_slice %arg7[%multiple_of3A_109, %multiple_of3A_102] : memref<10240x256xf32, #tpu.memory_space<hbm>> -> memref<80x128xf32, #tpu.memory_space<hbm>>
    %dma_wait3A_133 = tpu.memref_slice %arg7[%multiple_of3A_109, %multiple_of3A_102] : memref<10240x256xf32, #tpu.memory_space<hbm>> -> memref<80x128xf32, #tpu.memory_space<hbm>>
    tpu.wait_dma2 semaphore(%arg19 : memref<!tpu.dma_semaphore, #tpu.memory_space<semaphore_mem>>) src(%arg13 : memref<80x128xf32, #tpu.memory_space<vmem>>) dst(%dma_wait3A_133 : memref<80x128xf32, #tpu.memory_space<hbm>>)
    %add3A_134 = arith.constant 160 : i32
    %add3A_135 = arith.addi %mul3A_0, %add3A_134 : i32
    %multiple_of3A_136 = tpu.assume_multiple %add3A_135, 8 : i32
    %dma_start3A_137 = arith.constant 0 : i32
    %dma_start3A_138 = tpu.memref_slice %arg9[%multiple_of3A_136, %dma_start3A_137] : memref<10240x128xf32, #tpu.memory_space<vmem_shared>> -> memref<80x128xf32, #tpu.memory_space<vmem_shared>>
    %dma_start3A_139 = arith.constant 0 : i32
    %dma_start3A_140 = tpu.memref_slice %arg9[%multiple_of3A_136, %dma_start3A_139] : memref<10240x128xf32, #tpu.memory_space<vmem_shared>> -> memref<80x128xf32, #tpu.memory_space<vmem_shared>>
    tpu.enqueue_dma source(%dma_start3A_140 : memref<80x128xf32, #tpu.memory_space<vmem_shared>>) target(%arg13 : memref<80x128xf32, #tpu.memory_space<vmem>>) target_semaphore(%arg17 : memref<!tpu.dma_semaphore, #tpu.memory_space<semaphore_mem>>)
    %add3A_141 = arith.constant 160 : i32
    %add3A_142 = arith.addi %mul3A_0, %add3A_141 : i32
    %multiple_of3A_143 = tpu.assume_multiple %add3A_142, 8 : i32
    %dma_wait3A_144 = arith.constant 0 : i32
    %dma_wait3A_145 = tpu.memref_slice %arg9[%multiple_of3A_136, %dma_wait3A_144] : memref<10240x128xf32, #tpu.memory_space<vmem_shared>> -> memref<80x128xf32, #tpu.memory_space<vmem_shared>>
    %dma_wait3A_146 = arith.constant 0 : i32
    %dma_wait3A_147 = tpu.memref_slice %arg9[%multiple_of3A_136, %dma_wait3A_146] : memref<10240x128xf32, #tpu.memory_space<vmem_shared>> -> memref<80x128xf32, #tpu.memory_space<vmem_shared>>
    tpu.wait_dma2 semaphore(%arg17 : memref<!tpu.dma_semaphore, #tpu.memory_space<semaphore_mem>>) src(%dma_wait3A_147 : memref<80x128xf32, #tpu.memory_space<vmem_shared>>) dst(%arg13 : memref<80x128xf32, #tpu.memory_space<vmem>>)
    %dma_start3A_148 = tpu.memref_slice %arg7[%multiple_of3A_143, %multiple_of3A_102] : memref<10240x256xf32, #tpu.memory_space<hbm>> -> memref<80x128xf32, #tpu.memory_space<hbm>>
    %dma_start3A_149 = tpu.memref_slice %arg7[%multiple_of3A_143, %multiple_of3A_102] : memref<10240x256xf32, #tpu.memory_space<hbm>> -> memref<80x128xf32, #tpu.memory_space<hbm>>
    tpu.enqueue_dma source(%arg13 : memref<80x128xf32, #tpu.memory_space<vmem>>) target(%dma_start3A_149 : memref<80x128xf32, #tpu.memory_space<hbm>>) target_semaphore(%arg19 : memref<!tpu.dma_semaphore, #tpu.memory_space<semaphore_mem>>)
    %dma_wait3A_150 = tpu.memref_slice %arg7[%multiple_of3A_125, %multiple_of3A_102] : memref<10240x256xf32, #tpu.memory_space<hbm>> -> memref<80x128xf32, #tpu.memory_space<hbm>>
    %dma_wait3A_151 = tpu.memref_slice %arg7[%multiple_of3A_125, %multiple_of3A_102] : memref<10240x256xf32, #tpu.memory_space<hbm>> -> memref<80x128xf32, #tpu.memory_space<hbm>>
    tpu.wait_dma2 semaphore(%arg20 : memref<!tpu.dma_semaphore, #tpu.memory_space<semaphore_mem>>) src(%arg14 : memref<80x128xf32, #tpu.memory_space<vmem>>) dst(%dma_wait3A_151 : memref<80x128xf32, #tpu.memory_space<hbm>>)
    %add3A_152 = arith.constant 240 : i32
    %add3A_153 = arith.addi %mul3A_0, %add3A_152 : i32
    %multiple_of3A_154 = tpu.assume_multiple %add3A_153, 8 : i32
    %dma_start3A_155 = arith.constant 0 : i32
    %dma_start3A_156 = tpu.memref_slice %arg9[%multiple_of3A_154, %dma_start3A_155] : memref<10240x128xf32, #tpu.memory_space<vmem_shared>> -> memref<80x128xf32, #tpu.memory_space<vmem_shared>>
    %dma_start3A_157 = arith.constant 0 : i32
    %dma_start3A_158 = tpu.memref_slice %arg9[%multiple_of3A_154, %dma_start3A_157] : memref<10240x128xf32, #tpu.memory_space<vmem_shared>> -> memref<80x128xf32, #tpu.memory_space<vmem_shared>>
    tpu.enqueue_dma source(%dma_start3A_158 : memref<80x128xf32, #tpu.memory_space<vmem_shared>>) target(%arg14 : memref<80x128xf32, #tpu.memory_space<vmem>>) target_semaphore(%arg18 : memref<!tpu.dma_semaphore, #tpu.memory_space<semaphore_mem>>)
    %add3A_159 = arith.constant 240 : i32
    %add3A_160 = arith.addi %mul3A_0, %add3A_159 : i32
    %multiple_of3A_161 = tpu.assume_multiple %add3A_160, 8 : i32
    %dma_wait3A_162 = arith.constant 0 : i32
    %dma_wait3A_163 = tpu.memref_slice %arg9[%multiple_of3A_154, %dma_wait3A_162] : memref<10240x128xf32, #tpu.memory_space<vmem_shared>> -> memref<80x128xf32, #tpu.memory_space<vmem_shared>>
    %dma_wait3A_164 = arith.constant 0 : i32
    %dma_wait3A_165 = tpu.memref_slice %arg9[%multiple_of3A_154, %dma_wait3A_164] : memref<10240x128xf32, #tpu.memory_space<vmem_shared>> -> memref<80x128xf32, #tpu.memory_space<vmem_shared>>
    tpu.wait_dma2 semaphore(%arg18 : memref<!tpu.dma_semaphore, #tpu.memory_space<semaphore_mem>>) src(%dma_wait3A_165 : memref<80x128xf32, #tpu.memory_space<vmem_shared>>) dst(%arg14 : memref<80x128xf32, #tpu.memory_space<vmem>>)
    %dma_start3A_166 = tpu.memref_slice %arg7[%multiple_of3A_161, %multiple_of3A_102] : memref<10240x256xf32, #tpu.memory_space<hbm>> -> memref<80x128xf32, #tpu.memory_space<hbm>>
    %dma_start3A_167 = tpu.memref_slice %arg7[%multiple_of3A_161, %multiple_of3A_102] : memref<10240x256xf32, #tpu.memory_space<hbm>> -> memref<80x128xf32, #tpu.memory_space<hbm>>
    tpu.enqueue_dma source(%arg14 : memref<80x128xf32, #tpu.memory_space<vmem>>) target(%dma_start3A_167 : memref<80x128xf32, #tpu.memory_space<hbm>>) target_semaphore(%arg20 : memref<!tpu.dma_semaphore, #tpu.memory_space<semaphore_mem>>)
    %dma_wait3A_168 = tpu.memref_slice %arg7[%multiple_of3A_143, %multiple_of3A_102] : memref<10240x256xf32, #tpu.memory_space<hbm>> -> memref<80x128xf32, #tpu.memory_space<hbm>>
    %dma_wait3A_169 = tpu.memref_slice %arg7[%multiple_of3A_143, %multiple_of3A_102] : memref<10240x256xf32, #tpu.memory_space<hbm>> -> memref<80x128xf32, #tpu.memory_space<hbm>>
    tpu.wait_dma2 semaphore(%arg19 : memref<!tpu.dma_semaphore, #tpu.memory_space<semaphore_mem>>) src(%arg13 : memref<80x128xf32, #tpu.memory_space<vmem>>) dst(%dma_wait3A_169 : memref<80x128xf32, #tpu.memory_space<hbm>>)
    %add3A_170 = arith.constant 320 : i32
    %add3A_171 = arith.addi %mul3A_0, %add3A_170 : i32
    %multiple_of3A_172 = tpu.assume_multiple %add3A_171, 8 : i32
    %dma_start3A_173 = arith.constant 0 : i32
    %dma_start3A_174 = tpu.memref_slice %arg9[%multiple_of3A_172, %dma_start3A_173] : memref<10240x128xf32, #tpu.memory_space<vmem_shared>> -> memref<80x128xf32, #tpu.memory_space<vmem_shared>>
    %dma_start3A_175 = arith.constant 0 : i32
    %dma_start3A_176 = tpu.memref_slice %arg9[%multiple_of3A_172, %dma_start3A_175] : memref<10240x128xf32, #tpu.memory_space<vmem_shared>> -> memref<80x128xf32, #tpu.memory_space<vmem_shared>>
    tpu.enqueue_dma source(%dma_start3A_176 : memref<80x128xf32, #tpu.memory_space<vmem_shared>>) target(%arg13 : memref<80x128xf32, #tpu.memory_space<vmem>>) target_semaphore(%arg17 : memref<!tpu.dma_semaphore, #tpu.memory_space<semaphore_mem>>)
    %add3A_177 = arith.constant 320 : i32
    %add3A_178 = arith.addi %mul3A_0, %add3A_177 : i32
    %multiple_of3A_179 = tpu.assume_multiple %add3A_178, 8 : i32
    %dma_wait3A_180 = arith.constant 0 : i32
    %dma_wait3A_181 = tpu.memref_slice %arg9[%multiple_of3A_172, %dma_wait3A_180] : memref<10240x128xf32, #tpu.memory_space<vmem_shared>> -> memref<80x128xf32, #tpu.memory_space<vmem_shared>>
    %dma_wait3A_182 = arith.constant 0 : i32
    %dma_wait3A_183 = tpu.memref_slice %arg9[%multiple_of3A_172, %dma_wait3A_182] : memref<10240x128xf32, #tpu.memory_space<vmem_shared>> -> memref<80x128xf32, #tpu.memory_space<vmem_shared>>
    tpu.wait_dma2 semaphore(%arg17 : memref<!tpu.dma_semaphore, #tpu.memory_space<semaphore_mem>>) src(%dma_wait3A_183 : memref<80x128xf32, #tpu.memory_space<vmem_shared>>) dst(%arg13 : memref<80x128xf32, #tpu.memory_space<vmem>>)
    %dma_start3A_184 = tpu.memref_slice %arg7[%multiple_of3A_179, %multiple_of3A_102] : memref<10240x256xf32, #tpu.memory_space<hbm>> -> memref<80x128xf32, #tpu.memory_space<hbm>>
    %dma_start3A_185 = tpu.memref_slice %arg7[%multiple_of3A_179, %multiple_of3A_102] : memref<10240x256xf32, #tpu.memory_space<hbm>> -> memref<80x128xf32, #tpu.memory_space<hbm>>
    tpu.enqueue_dma source(%arg13 : memref<80x128xf32, #tpu.memory_space<vmem>>) target(%dma_start3A_185 : memref<80x128xf32, #tpu.memory_space<hbm>>) target_semaphore(%arg19 : memref<!tpu.dma_semaphore, #tpu.memory_space<semaphore_mem>>)
    %dma_wait3A_186 = tpu.memref_slice %arg7[%multiple_of3A_161, %multiple_of3A_102] : memref<10240x256xf32, #tpu.memory_space<hbm>> -> memref<80x128xf32, #tpu.memory_space<hbm>>
    %dma_wait3A_187 = tpu.memref_slice %arg7[%multiple_of3A_161, %multiple_of3A_102] : memref<10240x256xf32, #tpu.memory_space<hbm>> -> memref<80x128xf32, #tpu.memory_space<hbm>>
    tpu.wait_dma2 semaphore(%arg20 : memref<!tpu.dma_semaphore, #tpu.memory_space<semaphore_mem>>) src(%arg14 : memref<80x128xf32, #tpu.memory_space<vmem>>) dst(%dma_wait3A_187 : memref<80x128xf32, #tpu.memory_space<hbm>>)
    %add3A_188 = arith.constant 400 : i32
    %add3A_189 = arith.addi %mul3A_0, %add3A_188 : i32
    %multiple_of3A_190 = tpu.assume_multiple %add3A_189, 8 : i32
    %dma_start3A_191 = arith.constant 0 : i32
    %dma_start3A_192 = tpu.memref_slice %arg9[%multiple_of3A_190, %dma_start3A_191] : memref<10240x128xf32, #tpu.memory_space<vmem_shared>> -> memref<80x128xf32, #tpu.memory_space<vmem_shared>>
    %dma_start3A_193 = arith.constant 0 : i32
    %dma_start3A_194 = tpu.memref_slice %arg9[%multiple_of3A_190, %dma_start3A_193] : memref<10240x128xf32, #tpu.memory_space<vmem_shared>> -> memref<80x128xf32, #tpu.memory_space<vmem_shared>>
    tpu.enqueue_dma source(%dma_start3A_194 : memref<80x128xf32, #tpu.memory_space<vmem_shared>>) target(%arg14 : memref<80x128xf32, #tpu.memory_space<vmem>>) target_semaphore(%arg18 : memref<!tpu.dma_semaphore, #tpu.memory_space<semaphore_mem>>)
    %add3A_195 = arith.constant 400 : i32
    %add3A_196 = arith.addi %mul3A_0, %add3A_195 : i32
    %multiple_of3A_197 = tpu.assume_multiple %add3A_196, 8 : i32
    %dma_wait3A_198 = arith.constant 0 : i32
    %dma_wait3A_199 = tpu.memref_slice %arg9[%multiple_of3A_190, %dma_wait3A_198] : memref<10240x128xf32, #tpu.memory_space<vmem_shared>> -> memref<80x128xf32, #tpu.memory_space<vmem_shared>>
    %dma_wait3A_200 = arith.constant 0 : i32
    %dma_wait3A_201 = tpu.memref_slice %arg9[%multiple_of3A_190, %dma_wait3A_200] : memref<10240x128xf32, #tpu.memory_space<vmem_shared>> -> memref<80x128xf32, #tpu.memory_space<vmem_shared>>
    tpu.wait_dma2 semaphore(%arg18 : memref<!tpu.dma_semaphore, #tpu.memory_space<semaphore_mem>>) src(%dma_wait3A_201 : memref<80x128xf32, #tpu.memory_space<vmem_shared>>) dst(%arg14 : memref<80x128xf32, #tpu.memory_space<vmem>>)
    %dma_start3A_202 = tpu.memref_slice %arg7[%multiple_of3A_197, %multiple_of3A_102] : memref<10240x256xf32, #tpu.memory_space<hbm>> -> memref<80x128xf32, #tpu.memory_space<hbm>>
    %dma_start3A_203 = tpu.memref_slice %arg7[%multiple_of3A_197, %multiple_of3A_102] : memref<10240x256xf32, #tpu.memory_space<hbm>> -> memref<80x128xf32, #tpu.memory_space<hbm>>
    tpu.enqueue_dma source(%arg14 : memref<80x128xf32, #tpu.memory_space<vmem>>) target(%dma_start3A_203 : memref<80x128xf32, #tpu.memory_space<hbm>>) target_semaphore(%arg20 : memref<!tpu.dma_semaphore, #tpu.memory_space<semaphore_mem>>)
    %dma_wait3A_204 = tpu.memref_slice %arg7[%multiple_of3A_179, %multiple_of3A_102] : memref<10240x256xf32, #tpu.memory_space<hbm>> -> memref<80x128xf32, #tpu.memory_space<hbm>>
    %dma_wait3A_205 = tpu.memref_slice %arg7[%multiple_of3A_179, %multiple_of3A_102] : memref<10240x256xf32, #tpu.memory_space<hbm>> -> memref<80x128xf32, #tpu.memory_space<hbm>>
    tpu.wait_dma2 semaphore(%arg19 : memref<!tpu.dma_semaphore, #tpu.memory_space<semaphore_mem>>) src(%arg13 : memref<80x128xf32, #tpu.memory_space<vmem>>) dst(%dma_wait3A_205 : memref<80x128xf32, #tpu.memory_space<hbm>>)
    %add3A_206 = arith.constant 480 : i32
    %add3A_207 = arith.addi %mul3A_0, %add3A_206 : i32
    %multiple_of3A_208 = tpu.assume_multiple %add3A_207, 8 : i32
    %dma_start3A_209 = arith.constant 0 : i32
    %dma_start3A_210 = tpu.memref_slice %arg9[%multiple_of3A_208, %dma_start3A_209] : memref<10240x128xf32, #tpu.memory_space<vmem_shared>> -> memref<80x128xf32, #tpu.memory_space<vmem_shared>>
    %dma_start3A_211 = arith.constant 0 : i32
    %dma_start3A_212 = tpu.memref_slice %arg9[%multiple_of3A_208, %dma_start3A_211] : memref<10240x128xf32, #tpu.memory_space<vmem_shared>> -> memref<80x128xf32, #tpu.memory_space<vmem_shared>>
    tpu.enqueue_dma source(%dma_start3A_212 : memref<80x128xf32, #tpu.memory_space<vmem_shared>>) target(%arg13 : memref<80x128xf32, #tpu.memory_space<vmem>>) target_semaphore(%arg17 : memref<!tpu.dma_semaphore, #tpu.memory_space<semaphore_mem>>)
    %add3A_213 = arith.constant 480 : i32
    %add3A_214 = arith.addi %mul3A_0, %add3A_213 : i32
    %multiple_of3A_215 = tpu.assume_multiple %add3A_214, 8 : i32
    %dma_wait3A_216 = arith.constant 0 : i32
    %dma_wait3A_217 = tpu.memref_slice %arg9[%multiple_of3A_208, %dma_wait3A_216] : memref<10240x128xf32, #tpu.memory_space<vmem_shared>> -> memref<80x128xf32, #tpu.memory_space<vmem_shared>>
    %dma_wait3A_218 = arith.constant 0 : i32
    %dma_wait3A_219 = tpu.memref_slice %arg9[%multiple_of3A_208, %dma_wait3A_218] : memref<10240x128xf32, #tpu.memory_space<vmem_shared>> -> memref<80x128xf32, #tpu.memory_space<vmem_shared>>
    tpu.wait_dma2 semaphore(%arg17 : memref<!tpu.dma_semaphore, #tpu.memory_space<semaphore_mem>>) src(%dma_wait3A_219 : memref<80x128xf32, #tpu.memory_space<vmem_shared>>) dst(%arg13 : memref<80x128xf32, #tpu.memory_space<vmem>>)
    %dma_start3A_220 = tpu.memref_slice %arg7[%multiple_of3A_215, %multiple_of3A_102] : memref<10240x256xf32, #tpu.memory_space<hbm>> -> memref<80x128xf32, #tpu.memory_space<hbm>>
    %dma_start3A_221 = tpu.memref_slice %arg7[%multiple_of3A_215, %multiple_of3A_102] : memref<10240x256xf32, #tpu.memory_space<hbm>> -> memref<80x128xf32, #tpu.memory_space<hbm>>
    tpu.enqueue_dma source(%arg13 : memref<80x128xf32, #tpu.memory_space<vmem>>) target(%dma_start3A_221 : memref<80x128xf32, #tpu.memory_space<hbm>>) target_semaphore(%arg19 : memref<!tpu.dma_semaphore, #tpu.memory_space<semaphore_mem>>)
    %dma_wait3A_222 = tpu.memref_slice %arg7[%multiple_of3A_197, %multiple_of3A_102] : memref<10240x256xf32, #tpu.memory_space<hbm>> -> memref<80x128xf32, #tpu.memory_space<hbm>>
    %dma_wait3A_223 = tpu.memref_slice %arg7[%multiple_of3A_197, %multiple_of3A_102] : memref<10240x256xf32, #tpu.memory_space<hbm>> -> memref<80x128xf32, #tpu.memory_space<hbm>>
    tpu.wait_dma2 semaphore(%arg20 : memref<!tpu.dma_semaphore, #tpu.memory_space<semaphore_mem>>) src(%arg14 : memref<80x128xf32, #tpu.memory_space<vmem>>) dst(%dma_wait3A_223 : memref<80x128xf32, #tpu.memory_space<hbm>>)
    %add3A_224 = arith.constant 560 : i32
    %add3A_225 = arith.addi %mul3A_0, %add3A_224 : i32
    %multiple_of3A_226 = tpu.assume_multiple %add3A_225, 8 : i32
    %dma_start3A_227 = arith.constant 0 : i32
    %dma_start3A_228 = tpu.memref_slice %arg9[%multiple_of3A_226, %dma_start3A_227] : memref<10240x128xf32, #tpu.memory_space<vmem_shared>> -> memref<80x128xf32, #tpu.memory_space<vmem_shared>>
    %dma_start3A_229 = arith.constant 0 : i32
    %dma_start3A_230 = tpu.memref_slice %arg9[%multiple_of3A_226, %dma_start3A_229] : memref<10240x128xf32, #tpu.memory_space<vmem_shared>> -> memref<80x128xf32, #tpu.memory_space<vmem_shared>>
    tpu.enqueue_dma source(%dma_start3A_230 : memref<80x128xf32, #tpu.memory_space<vmem_shared>>) target(%arg14 : memref<80x128xf32, #tpu.memory_space<vmem>>) target_semaphore(%arg18 : memref<!tpu.dma_semaphore, #tpu.memory_space<semaphore_mem>>)
    %add3A_231 = arith.constant 560 : i32
    %add3A_232 = arith.addi %mul3A_0, %add3A_231 : i32
    %multiple_of3A_233 = tpu.assume_multiple %add3A_232, 8 : i32
    %dma_wait3A_234 = arith.constant 0 : i32
    %dma_wait3A_235 = tpu.memref_slice %arg9[%multiple_of3A_226, %dma_wait3A_234] : memref<10240x128xf32, #tpu.memory_space<vmem_shared>> -> memref<80x128xf32, #tpu.memory_space<vmem_shared>>
    %dma_wait3A_236 = arith.constant 0 : i32
    %dma_wait3A_237 = tpu.memref_slice %arg9[%multiple_of3A_226, %dma_wait3A_236] : memref<10240x128xf32, #tpu.memory_space<vmem_shared>> -> memref<80x128xf32, #tpu.memory_space<vmem_shared>>
    tpu.wait_dma2 semaphore(%arg18 : memref<!tpu.dma_semaphore, #tpu.memory_space<semaphore_mem>>) src(%dma_wait3A_237 : memref<80x128xf32, #tpu.memory_space<vmem_shared>>) dst(%arg14 : memref<80x128xf32, #tpu.memory_space<vmem>>)
    %dma_start3A_238 = tpu.memref_slice %arg7[%multiple_of3A_233, %multiple_of3A_102] : memref<10240x256xf32, #tpu.memory_space<hbm>> -> memref<80x128xf32, #tpu.memory_space<hbm>>
    %dma_start3A_239 = tpu.memref_slice %arg7[%multiple_of3A_233, %multiple_of3A_102] : memref<10240x256xf32, #tpu.memory_space<hbm>> -> memref<80x128xf32, #tpu.memory_space<hbm>>
    tpu.enqueue_dma source(%arg14 : memref<80x128xf32, #tpu.memory_space<vmem>>) target(%dma_start3A_239 : memref<80x128xf32, #tpu.memory_space<hbm>>) target_semaphore(%arg20 : memref<!tpu.dma_semaphore, #tpu.memory_space<semaphore_mem>>)
    %dma_wait3A_240 = tpu.memref_slice %arg7[%multiple_of3A_215, %multiple_of3A_102] : memref<10240x256xf32, #tpu.memory_space<hbm>> -> memref<80x128xf32, #tpu.memory_space<hbm>>
    %dma_wait3A_241 = tpu.memref_slice %arg7[%multiple_of3A_215, %multiple_of3A_102] : memref<10240x256xf32, #tpu.memory_space<hbm>> -> memref<80x128xf32, #tpu.memory_space<hbm>>
    tpu.wait_dma2 semaphore(%arg19 : memref<!tpu.dma_semaphore, #tpu.memory_space<semaphore_mem>>) src(%arg13 : memref<80x128xf32, #tpu.memory_space<vmem>>) dst(%dma_wait3A_241 : memref<80x128xf32, #tpu.memory_space<hbm>>)
    %dma_wait3A_242 = tpu.memref_slice %arg7[%multiple_of3A_233, %multiple_of3A_102] : memref<10240x256xf32, #tpu.memory_space<hbm>> -> memref<80x128xf32, #tpu.memory_space<hbm>>
    %dma_wait3A_243 = tpu.memref_slice %arg7[%multiple_of3A_233, %multiple_of3A_102] : memref<10240x256xf32, #tpu.memory_space<hbm>> -> memref<80x128xf32, #tpu.memory_space<hbm>>
    tpu.wait_dma2 semaphore(%arg20 : memref<!tpu.dma_semaphore, #tpu.memory_space<semaphore_mem>>) src(%arg14 : memref<80x128xf32, #tpu.memory_space<vmem>>) dst(%dma_wait3A_243 : memref<80x128xf32, #tpu.memory_space<hbm>>)
    %lt3A_244 = arith.constant 10 : i32
    %lt3A_245 = arith.cmpi slt, %arg1, %lt3A_244 : i32
    %convert_element_type3A_246 = arith.extui %lt3A_245 : i1 to i32
    %cond3A_247 = arith.constant 0 : i32
    %cond3A_248 = arith.cmpi ne, %convert_element_type3A_246, %cond3A_247 : i32
    scf.if %cond3A_248 {
      %mul3A_249 = arith.constant 8 : i32
      %mul3A_250 = arith.muli %arg1, %mul3A_249 : i32
      %multiple_of3A_251 = tpu.assume_multiple %mul3A_250, 8 : i32
      "tpu.region"() ({
        %run_scoped3A_252 = tpu.sem_alloc : memref<!tpu.dma_semaphore, #tpu.memory_space<semaphore_mem>>
        %dma_start3A_253 = arith.constant 0 : i32
        %dma_start3A_254 = arith.constant 0 : i32
        %dma_start3A_255 = tpu.memref_slice %arg14[%dma_start3A_253, %dma_start3A_254] : memref<80x128xf32, #tpu.memory_space<vmem>> -> memref<8x128xf32, #tpu.memory_space<vmem>>
        %dma_start3A_256 = arith.constant 0 : i32
        %dma_start3A_257 = tpu.memref_slice %arg10[%multiple_of3A_251, %dma_start3A_256] : memref<80x128xf32, #tpu.memory_space<vmem_shared>> -> memref<8x128xf32, #tpu.memory_space<vmem_shared>>
        %dma_start3A_258 = arith.constant 0 : i32
        %dma_start3A_259 = arith.constant 0 : i32
        %dma_start3A_260 = tpu.memref_slice %arg14[%dma_start3A_258, %dma_start3A_259] : memref<80x128xf32, #tpu.memory_space<vmem>> -> memref<8x128xf32, #tpu.memory_space<vmem>>
        %dma_start3A_261 = arith.constant 0 : i32
        %dma_start3A_262 = tpu.memref_slice %arg10[%multiple_of3A_251, %dma_start3A_261] : memref<80x128xf32, #tpu.memory_space<vmem_shared>> -> memref<8x128xf32, #tpu.memory_space<vmem_shared>>
        tpu.enqueue_dma source(%dma_start3A_262 : memref<8x128xf32, #tpu.memory_space<vmem_shared>>) target(%dma_start3A_260 : memref<8x128xf32, #tpu.memory_space<vmem>>) target_semaphore(%run_scoped3A_252 : memref<!tpu.dma_semaphore, #tpu.memory_space<semaphore_mem>>)
        %dma_wait3A_263 = arith.constant 0 : i32
        %dma_wait3A_264 = arith.constant 0 : i32
        %dma_wait3A_265 = tpu.memref_slice %arg14[%dma_wait3A_263, %dma_wait3A_264] : memref<80x128xf32, #tpu.memory_space<vmem>> -> memref<8x128xf32, #tpu.memory_space<vmem>>
        %dma_wait3A_266 = arith.constant 0 : i32
        %dma_wait3A_267 = tpu.memref_slice %arg10[%multiple_of3A_251, %dma_wait3A_266] : memref<80x128xf32, #tpu.memory_space<vmem_shared>> -> memref<8x128xf32, #tpu.memory_space<vmem_shared>>
        %dma_wait3A_268 = arith.constant 0 : i32
        %dma_wait3A_269 = arith.constant 0 : i32
        %dma_wait3A_270 = tpu.memref_slice %arg14[%dma_wait3A_268, %dma_wait3A_269] : memref<80x128xf32, #tpu.memory_space<vmem>> -> memref<8x128xf32, #tpu.memory_space<vmem>>
        %dma_wait3A_271 = arith.constant 0 : i32
        %dma_wait3A_272 = tpu.memref_slice %arg10[%multiple_of3A_251, %dma_wait3A_271] : memref<80x128xf32, #tpu.memory_space<vmem_shared>> -> memref<8x128xf32, #tpu.memory_space<vmem_shared>>
        tpu.wait_dma2 semaphore(%run_scoped3A_252 : memref<!tpu.dma_semaphore, #tpu.memory_space<semaphore_mem>>) src(%dma_wait3A_272 : memref<8x128xf32, #tpu.memory_space<vmem_shared>>) dst(%dma_wait3A_270 : memref<8x128xf32, #tpu.memory_space<vmem>>)
        tpu.yield
      }) : () -> ()
      "tpu.region"() ({
        %run_scoped3A_252 = tpu.sem_alloc : memref<!tpu.dma_semaphore, #tpu.memory_space<semaphore_mem>>
        %dma_start3A_253 = arith.constant 0 : i32
        %dma_start3A_254 = arith.constant 0 : i32
        %dma_start3A_255 = tpu.memref_slice %arg14[%dma_start3A_253, %dma_start3A_254] : memref<80x128xf32, #tpu.memory_space<vmem>> -> memref<8x128xf32, #tpu.memory_space<vmem>>
        %dma_start3A_256 = arith.constant 0 : i32
        %dma_start3A_257 = tpu.memref_slice %arg8[%arg0, %multiple_of3A_251, %dma_start3A_256] : memref<2x80x128xf32, #tpu.memory_space<hbm>> -> memref<1x8x128xf32, #tpu.memory_space<hbm>>
        %dma_start3A_258 = tpu.memref_squeeze %dma_start3A_257 : memref<1x8x128xf32, #tpu.memory_space<hbm>> -> memref<8x128xf32, #tpu.memory_space<hbm>>
        %dma_start3A_259 = arith.constant 0 : i32
        %dma_start3A_260 = tpu.memref_slice %arg8[%arg0, %multiple_of3A_251, %dma_start3A_259] : memref<2x80x128xf32, #tpu.memory_space<hbm>> -> memref<1x8x128xf32, #tpu.memory_space<hbm>>
        %dma_start3A_261 = tpu.memref_squeeze %dma_start3A_260 : memref<1x8x128xf32, #tpu.memory_space<hbm>> -> memref<8x128xf32, #tpu.memory_space<hbm>>
        %dma_start3A_262 = arith.constant 0 : i32
        %dma_start3A_263 = arith.constant 0 : i32
        %dma_start3A_264 = tpu.memref_slice %arg14[%dma_start3A_262, %dma_start3A_263] : memref<80x128xf32, #tpu.memory_space<vmem>> -> memref<8x128xf32, #tpu.memory_space<vmem>>
        tpu.enqueue_dma source(%dma_start3A_264 : memref<8x128xf32, #tpu.memory_space<vmem>>) target(%dma_start3A_261 : memref<8x128xf32, #tpu.memory_space<hbm>>) target_semaphore(%run_scoped3A_252 : memref<!tpu.dma_semaphore, #tpu.memory_space<semaphore_mem>>)
        %dma_wait3A_265 = arith.constant 0 : i32
        %dma_wait3A_266 = arith.constant 0 : i32
        %dma_wait3A_267 = tpu.memref_slice %arg14[%dma_wait3A_265, %dma_wait3A_266] : memref<80x128xf32, #tpu.memory_space<vmem>> -> memref<8x128xf32, #tpu.memory_space<vmem>>
        %dma_wait3A_268 = arith.constant 0 : i32
        %dma_wait3A_269 = tpu.memref_slice %arg8[%arg0, %multiple_of3A_251, %dma_wait3A_268] : memref<2x80x128xf32, #tpu.memory_space<hbm>> -> memref<1x8x128xf32, #tpu.memory_space<hbm>>
        %dma_wait3A_270 = tpu.memref_squeeze %dma_wait3A_269 : memref<1x8x128xf32, #tpu.memory_space<hbm>> -> memref<8x128xf32, #tpu.memory_space<hbm>>
        %dma_wait3A_271 = arith.constant 0 : i32
        %dma_wait3A_272 = tpu.memref_slice %arg8[%arg0, %multiple_of3A_251, %dma_wait3A_271] : memref<2x80x128xf32, #tpu.memory_space<hbm>> -> memref<1x8x128xf32, #tpu.memory_space<hbm>>
        %dma_wait3A_273 = tpu.memref_squeeze %dma_wait3A_272 : memref<1x8x128xf32, #tpu.memory_space<hbm>> -> memref<8x128xf32, #tpu.memory_space<hbm>>
        %dma_wait3A_274 = arith.constant 0 : i32
        %dma_wait3A_275 = arith.constant 0 : i32
        %dma_wait3A_276 = tpu.memref_slice %arg14[%dma_wait3A_274, %dma_wait3A_275] : memref<80x128xf32, #tpu.memory_space<vmem>> -> memref<8x128xf32, #tpu.memory_space<vmem>>
        tpu.wait_dma2 semaphore(%run_scoped3A_252 : memref<!tpu.dma_semaphore, #tpu.memory_space<semaphore_mem>>) src(%dma_wait3A_276 : memref<8x128xf32, #tpu.memory_space<vmem>>) dst(%dma_wait3A_273 : memref<8x128xf32, #tpu.memory_space<hbm>>)
        tpu.yield
      }) : () -> ()
    } else {
    }
    return
  }
}

module attributes {stable_mosaic.version = 14 : i64} {
  func.func @body(%arg0: i32, %arg1: memref<1000x256xf32, #tpu.memory_space<vmem>>, %arg2: memref<1000x2xf32, #tpu.memory_space<vmem>>, %arg3: memref<256x256xf32, #tpu.memory_space<vmem>>, %arg4: memref<1x256xf32, #tpu.memory_space<vmem>>, %arg5: memref<1000x256xf32, #tpu.memory_space<vmem>>) attributes {dimension_semantics = [#tpu.dimension_semantics<arbitrary>], iteration_bounds = array<i64: 10>, scalar_prefetch = 0 : i64, scratch_operands = 0 : i64, tpu.core_type = #tpu.core_type<tc>, window_params = [{transform_indices = @transform_0, window_bounds = array<i64: 1000, 256>}, {transform_indices = @transform_1, window_bounds = array<i64: 1000, 2>}, {pipeline_mode = #tpu.pipeline_mode<synchronous>, transform_indices = @transform_2, window_bounds = array<i64: 256, 256>}, {pipeline_mode = #tpu.pipeline_mode<synchronous>, transform_indices = @transform_3, window_bounds = array<i64: 1, 256>}, {transform_indices = @transform_4, window_bounds = array<i64: 1000, 256>}]} {
    %get3A = arith.constant 0 : index
    %get3A_0 = arith.constant 0 : index
    %get3A_1 = vector.load %arg2[%get3A, %get3A_0] : memref<1000x2xf32, #tpu.memory_space<vmem>>, vector<1000x1xf32>
    %get3A_2 = arith.constant 0 : index
    %get3A_3 = arith.constant 1 : index
    %get3A_4 = vector.load %arg2[%get3A_2, %get3A_3] : memref<1000x2xf32, #tpu.memory_space<vmem>>, vector<1000x1xf32>
    %add3A = arith.addf %get3A_1, %get3A_4 : vector<1000x1xf32>
    %gt3A = arith.constant 0.000000e+00 : f32
    %gt3A_5 = vector.broadcast %gt3A : f32 to vector<1000x1xf32>
    %gt3A_6 = arith.cmpf ogt, %add3A, %gt3A_5 : vector<1000x1xf32>
    %div3A = arith.constant 1.000000e+00 : f32
    %div3A_7 = vector.broadcast %div3A : f32 to vector<1000x1xf32>
    %div3A_8 = arith.divf %div3A_7, %add3A : vector<1000x1xf32>
    %jit3A = arith.constant 0.000000e+00 : f32
    %broadcast_in_dim3A = vector.broadcast %jit3A : f32 to vector<1000x1xf32>
    %select_n3A = arith.select %gt3A_6, %div3A_8, %broadcast_in_dim3A : vector<1000x1xi1>, vector<1000x1xf32>
    %get3A_9 = arith.constant 0 : index
    %get3A_10 = arith.constant 0 : index
    %get3A_11 = vector.load %arg1[%get3A_9, %get3A_10] : memref<1000x256xf32, #tpu.memory_space<vmem>>, vector<1000x256xf32>
    %mul3A = vector.broadcast %select_n3A : vector<1000x1xf32> to vector<1000x256xf32>
    %mul3A_12 = arith.mulf %get3A_11, %mul3A : vector<1000x256xf32>
    %get3A_13 = arith.constant 0 : index
    %get3A_14 = arith.constant 0 : index
    %get3A_15 = vector.load %arg3[%get3A_13, %get3A_14] : memref<256x256xf32, #tpu.memory_space<vmem>>, vector<256x256xf32>
    %dot_general3A = arith.constant dense<0.000000e+00> : vector<1000x256xf32>
    %dot_general3A_16 = tpu.matmul %mul3A_12, %get3A_15, %dot_general3A {dimension_numbers = #tpu.dot_dimension_numbers<[1], [0], [0], [1], [0, 0, 1, 1], [], []>, transpose_lhs_hint = false} : vector<1000x256xf32>, vector<256x256xf32>, vector<1000x256xf32> -> vector<1000x256xf32>
    %get3A_17 = arith.constant 0 : index
    %get3A_18 = arith.constant 0 : index
    %get3A_19 = vector.load %arg4[%get3A_17, %get3A_18] : memref<1x256xf32, #tpu.memory_space<vmem>>, vector<1x256xf32>
    %add3A_20 = vector.broadcast %get3A_19 : vector<1x256xf32> to vector<1000x256xf32>
    %add3A_21 = arith.addf %dot_general3A_16, %add3A_20 : vector<1000x256xf32>
    %swap3A = arith.constant 0 : index
    %swap3A_22 = arith.constant 0 : index
    %swap3A_23 = vector.load %arg5[%swap3A, %swap3A_22] : memref<1000x256xf32, #tpu.memory_space<vmem>>, vector<1000x256xf32>
    tpu.vector_store %arg5[%swap3A, %swap3A_22], %add3A_21 {strides = array<i32>} : memref<1000x256xf32, #tpu.memory_space<vmem>>, vector<1000x256xf32>,
    return
  }
  func.func @transform_0(%arg0: i32) -> (i32, i32) {
    %c0_i32 = arith.constant 0 : i32
    %c0_i32_0 = arith.constant 0 : i32
    return %arg0, %c0_i32 : i32, i32
  }
  func.func @transform_1(%arg0: i32) -> (i32, i32) {
    %c0_i32 = arith.constant 0 : i32
    %c0_i32_0 = arith.constant 0 : i32
    return %arg0, %c0_i32 : i32, i32
  }
  func.func @transform_2(%arg0: i32) -> (i32, i32) {
    %c0_i32 = arith.constant 0 : i32
    %c0_i32_0 = arith.constant 0 : i32
    %c0_i32_1 = arith.constant 0 : i32
    return %c0_i32, %c0_i32_0 : i32, i32
  }
  func.func @transform_3(%arg0: i32) -> (i32, i32) {
    %c0_i32 = arith.constant 0 : i32
    %c0_i32_0 = arith.constant 0 : i32
    %c0_i32_1 = arith.constant 0 : i32
    return %c0_i32, %c0_i32_0 : i32, i32
  }
  func.func @transform_4(%arg0: i32) -> (i32, i32) {
    %c0_i32 = arith.constant 0 : i32
    %c0_i32_0 = arith.constant 0 : i32
    return %arg0, %c0_i32 : i32, i32
  }
}

</mosaic_0001>

<sc_bundles>
// kernel: kernel.4.cloned.1.call-start
scs
__scs_entry_jumppad:
0x0: {  	(pc) =	sbr.rel $0x88, $3  }
0x1: {  	(tag) =	ssettag $0x0;
	lr =	simm.s32 $0x1  }
0x2: {  	[smem:$0x3F9D] =	sst lr;
	_ =	strace $0xD0000000  }
0x3: {  	_ = 	snop  }
0x4: {  	_ = 	snop  }
0x5: {  	_ = 	snop  }
0x6: {  	_ = 	snop  }
0x7: {  	_ = 	snop  }
__scs_overlays_trampoline_lowered:
0x8: {  	[smem:$0x3FAC] =	sst s0  }
0x9: {  	[smem:$0x3FAD] =	sst s1  }
0xa: {  	[smem:$0x3FAE] =	sst s2  }
0xb: {  	[smem:$0x3FAF] =	sst s3  }
0xc: {  	[smem:$0x3FB0] =	sst s4  }
0xd: {  	[smem:$0x3FB1] =	sst s5  }
0xe: {  	[smem:$0x3FB2] =	sst s6  }
0xf: {  	[smem:$0x3FB3] =	sst s7  }
0x10: {  	[smem:$0x3FB4] =	sst s8  }
0x11: {  	[smem:$0x3FB5] =	sst s9;
	s0 =	simm.s32 @!p0 $0x0  }
0x12: {  	s1 =	sld [smem:$0x3F9B];
	s0 =	simm.s32 @p0 $0x1  }
0x13: {  	[smem:$0x3FB6] =	sst s0;
	s0 =	simm.s32 @!p1 $0x0  }
0x14: {  	s2 =	sld [smem:$0x3F9A];
	s0 =	simm.s32 @p1 $0x1  }
0x15: {  	[smem:$0x3FB7] =	sst s0;
	s0 =	simm.s32 @!p2 $0x0  }
0x16: {  	s3 =	sld [smem:$0x3FDB];
	s0 =	simm.s32 @p2 $0x1  }
0x17: {  	s4 =	simm.s32 $0x1BF5;
	[smem:$0x3FB9] =	sst s0  }
0x18: {  	s0 =	sld [smem:$0x3F9C];
	_ =	swait.ge [sflag:s4], $0x0  }
0x19: {  	s7 =	sld [smem:$0x3F9D]  }
0x1a: {  	s8 =	sadd.s32 $0xFFFFE003, lr  }
0x1b: {  	s9 =	sadd.s32 $0xFFFFFEF7, lr;
	s5 =	simm.s32 $0xFFFFFFFF;
	p2 =	slt.u32 s8, $0xFFFFF086  }
0x1c: {  	p1 =	slt.u32 s9, $0xF7A;
	s5 =	simm.s32 @!p2 $0x0  }
0x1d: {  	s5 =	simm.s32 @p1 $0x1;
	p0 =	seq.s32 s7, s2  }
0x1e: {  	s7 =	smul.u32 @!p0 $0xF7A, s2;
	p2 =	seq.s32 @!p0 s5, $0x0  }
0x1f: {  	s9 =	smul.u32 $0xF7A, s1;
	s8 =	simm.s32 @!p0 $0x1BF5;
	p2 =	por !p2, p0  }
0x20: {  	[sflag:s8] =	ssyncset.s32 @!p0 $0xFFFFF086;
	s6 =	sadd.s32 @!p0 s3, s7;
	s7 =	simm.s32 @!p0 $0x108  }
0x21: {  	s3 =	sadd.s32 s3, s9;
	s6 =	sadd.s32 @!p0 $0x88, s6;
	s7 =	simm.s32 @p2 $0x1082  }
0x22: {  	[simem:s7], [sflag:s8] =	dma.local @!p0 [hbm:s6], $0xF7A  }
0x23: {  	s9 =	sor.u32 $0xD0000000, s2;
	s6 =	simm.s32 $0x108;
	_ =	swait.ge @!p0 [sflag:s8], $0x0  }
0x24: {  	s3 =	sadd.s32 $0x88, s3;
	s6 =	simm.s32 @!p1 $0x1082;
	[sflag:s4] =	ssyncset.s32 $0xFFFFF086  }
0x25: {  	[simem:s6], [sflag:s4] =	dma.local [hbm:s3], $0xF7A  }
0x26: {  	[smem:$0x3F9D] =	sst s1;
	(tag) =	ssettag s2;
	_ =	strace s9  }
0x27: {  	s1 =	sld [smem:$0x3FAD]  }
0x28: {  	s2 =	sld [smem:$0x3FAE]  }
0x29: {  	s4 =	sld [smem:$0x3FB0]  }
0x2a: {  	p0 =	seq.s32 s5, $0x0;
	s5 =	sld [smem:$0x3FB1]  }
0x2b: {  	s6 =	sld [smem:$0x3FB2]  }
0x2c: {  	s7 =	sld [smem:$0x3FB3]  }
0x2d: {  	s3 =	simm.s32 $0x108;
	s8 =	sld [smem:$0x3FB4]  }
0x2e: {  	s3 =	simm.s32 @!p0 $0x1082;
	s9 =	sld [smem:$0x3FB5]  }
0x2f: {  	lr =	sadd.s32 s0, s3;
	s0 =	sld [smem:$0x3FAC]  }
0x30: {  	s3 =	sld [smem:$0x3FAF]  }
0x31: {  	[smem:$0x3FB8] =	sst s10  }
0x32: {  	s10 =	sld [smem:$0x3FB6];
	_ =	sdelay $0x3  }
0x33: {  	p0 =	seq.s32 s10, $0x1;
	s10 =	sld [smem:$0x3FB8];
	_ =	sdelay $0x3  }
0x34: {  	[smem:$0x3FB8] =	sst s10  }
0x35: {  	s10 =	sld [smem:$0x3FB7];
	_ =	sdelay $0x3  }
0x36: {  	p1 =	seq.s32 s10, $0x1;
	s10 =	sld [smem:$0x3FB8];
	_ =	sdelay $0x3  }
0x37: {  	[smem:$0x3FB8] =	sst s10  }
0x38: {  	s10 =	sld [smem:$0x3FB9]  }
0x39: {  	_ = 	snop;
	(pc) =	sbr.ind lr, $3  }
0x3a: {  	_ = 	snop  }
0x3b: {  	_ = 	snop  }
0x3c: {  	p2 =	seq.s32 s10, $0x1;
	s10 =	sld [smem:$0x3FB8]  }
0x3d: {  	_ =	shalt  }
0x3e: {  	_ =	shalt  }
0x3f: {  	_ =	shalt  }
0x40: {  	_ =	shalt  }
0x41: {  	_ =	shalt  }
0x42: {  	_ =	shalt  }
0x43: {  	_ =	shalt  }
0x44: {  	_ =	shalt  }
0x45: {  	_ =	shalt  }
0x46: {  	_ =	shalt  }
0x47: {  	_ =	shalt  }
0x48: {  	_ =	shalt  }
0x49: {  	_ =	shalt  }
0x4a: {  	_ =	shalt  }
0x4b: {  	_ =	shalt  }
0x4c: {  	_ =	shalt  }
0x4d: {  	_ =	shalt  }
0x4e: {  	_ =	shalt  }
0x4f: {  	_ =	shalt  }
0x50: {  	_ =	shalt  }
0x51: {  	_ =	shalt  }
0x52: {  	_ =	shalt  }
0x53: {  	_ =	shalt  }
0x54: {  	_ =	shalt  }
0x55: {  	_ =	shalt  }
0x56: {  	_ =	shalt  }
0x57: {  	_ =	shalt  }
0x58: {  	_ =	shalt  }
0x59: {  	_ =	shalt  }
0x5a: {  	_ =	shalt  }
0x5b: {  	_ =	shalt  }
0x5c: {  	_ =	shalt  }
0x5d: {  	_ =	shalt  }
0x5e: {  	_ =	shalt  }
0x5f: {  	_ =	shalt  }
0x60: {  	_ =	shalt  }
0x61: {  	_ =	shalt  }
0x62: {  	_ =	shalt  }
0x63: {  	_ =	shalt  }
0x64: {  	_ =	shalt  }
0x65: {  	_ =	shalt  }
0x66: {  	_ =	shalt  }
0x67: {  	_ =	shalt  }
0x68: {  	_ =	shalt  }
0x69: {  	_ =	shalt  }
0x6a: {  	_ =	shalt  }
0x6b: {  	_ =	shalt  }
0x6c: {  	_ =	shalt  }
0x6d: {  	_ =	shalt  }
0x6e: {  	_ =	shalt  }
0x6f: {  	_ =	shalt  }
0x70: {  	_ =	shalt  }
0x71: {  	_ =	shalt  }
0x72: {  	_ =	shalt  }
0x73: {  	_ =	shalt  }
0x74: {  	_ =	shalt  }
0x75: {  	_ =	shalt  }
0x76: {  	_ =	shalt  }
0x77: {  	_ =	shalt  }
0x78: {  	_ =	shalt  }
0x79: {  	_ =	shalt  }
0x7a: {  	_ =	shalt  }
0x7b: {  	_ =	shalt  }
0x7c: {  	_ =	shalt  }
0x7d: {  	_ =	shalt  }
0x7e: {  	_ =	shalt  }
0x7f: {  	_ =	shalt  }
0x80: {  	_ =	shalt  }
0x81: {  	_ =	shalt  }
0x82: {  	_ =	shalt  }
0x83: {  	_ =	shalt  }
0x84: {  	_ =	shalt  }
0x85: {  	_ =	shalt  }
0x86: {  	_ =	shalt  }
0x87: {  	_ =	shalt  }
.Lfunc_end0:
.L_simem_size_0:
called_computation_lowered:
.L_overlay_start_0:
0x88: {  	s2 =	sld [smem:$0x3FD9]  }
0x89: {  	s3 =	sld [smem:$0x3FFE];
	_ =	sdelay $0x1  }
0x8a: {  	s1 =	srdreg.scid  }
0x8b: {  	s0 =	sand.u32 $0x1, s1  }
0x8c: {  	s17 =	sshll.u32 s0, $0xA;
	s2 =	sadd.s32 s3, s2  }
0x8d: {  	s2 =	sadd.s32 s2, s17  }
0x8e: {  	[smem:$0x3FC4] =	sst s2  }
0x8f: {  	_ = 	snop  }
0x90: {  	s2 =	sld [smem:$0x3FD0];
	(tm) =	ssettm $0x1  }
0x91: {  	s18 =	sld [smem:$0x3FFB];
	_ =	sdelay $0x3  }
0x92: {  	_ =	strace s18  }
0x93: {  	s3 =	sld [smem:$0x3FFC];
	_ =	sdelay $0x3  }
0x94: {  	_ =	strace s3  }
0x95: {  	s3 =	sld [smem:$0x3FFD];
	_ =	sdelay $0x3  }
0x96: {  	_ =	strace s3  }
0x97: {  	_ =	strace $0x8FFFFFFF  }
0x98: {  	s19 =	sld [smem:$0x3FDB];
	_ =	sdelay $0x1  }
0x99: {  	s4 =	simm.s32 $_scs_section_size  }
0x9a: {  	s5 =	simm.s32 $_size__tile_overlayer_lowered;
	s6 =	simm.s32 $_tile_overlayer_lowered  }
0x9b: {  	s22 =	simm.s32 $0x1BFF;
	s21 =	sshll.u32 s6, $0x1;
	s3 =	sadd.s32 s4, s19  }
0x9c: {  	s7 =	simm.s32 $0x0;
	s20 =	sshll.u32 s5, $0x1;
	s5 =	sadd.s32 s21, s3  }
0x9d: {  	[timem:s7], [sflag:s22] =	dma.local [hbm:s5], s20  }
0x9e: {  	_ =	swait.ge [sflag:s22], s20  }
0x9f: {  	s4 =	ssub.s32 $0x0, s20;
	[sflag:s22] =	ssyncset.done $0x0  }
0xa0: {  	[sflag:s22] =	ssyncadd.s32 s4;
	_ =	sdelay $0x1  }
0xa1: {  	s23 =	simm.s32 $0x1B8B  }
0xa2: {  	_ =	swait.ge [sflag:s23], $0x1  }
0xa3: {  	[sflag:s23] =	ssyncset.done $0x0  }
0xa4: {  	s25 =	simm.s32 $0x1B8E;
	s24 =	sld [smem:$0x3FFE];
	[sflag:s23] =	ssyncadd.s32 $0xFFFFFFFF  }
0xa5: {  	s26 =	simm.s32 $execute0_lowered;
	[smem:$0x3FD2] =	sst s25  }
0xa6: {  	s5 =	sshll.u32 s26, $0x1;
	_ =	strace $0x80000046;
	[dreg:$0x1] =	wrdreg $0xFFFFFFFF  }
0xa7: {  	s28 =	simm.s32 $_size_execute0_lowered;
	s3 =	sadd.s32 s3, s5;
	[dreg:$0x0] =	wrdreg $0x0  }
0xa8: {  	s5 =	sshll.u32 s28, $0x1;
	[dreg:$0x2] =	wrdreg s3  }
0xa9: {  	[dreg:$0x3] =	wrdreg s5  }
0xaa: {  	[dreg:$0x4] =	wrdreg $0xC0  }
0xab: {  	_ =	task [dreg:s7], $0x5FFFF  }
0xac: {  	[dreg:$0x1] =	wrdreg $0xFFFFFFFF  }
0xad: {  	[dreg:$0x0] =	wrdreg $0x60  }
0xae: {  	[dreg:$0x2] =	wrdreg s2  }
0xaf: {  	[dreg:$0x3] =	wrdreg s24  }
0xb0: {  	[dreg:$0x4] =	wrdreg $0x0  }
0xb1: {  	[dreg:$0x5] =	wrdreg $0x140000  }
0xb2: {  	[dreg:$0x6] =	wrdreg $0x9  }
0xb3: {  	_ =	task.clear_ibuf [dreg:s7], $0x7FFFF;
	_ =	strace $0x90000046  }
0xb4: {  	s29 =	simm.s32 $0x9;
	_ =	strace $0x80000048  }
0xb5: {  	_ =	swait.ge [sflag:s29], $0x1  }
0xb6: {  	[sflag:s29] =	ssyncadd.s32 $0xFFFFFFFF  }
0xb7: {  	_ =	strace $0x90000048  }
0xb8: {  	_ =	sfence  }
0xb9: {  	s30 =	sld [smem:$0x0];
	_ =	sdelay $0x2  }
0xba: {  	s31 =	sshll.u32 s1, $0xD;
	s1 =	sshrl.u32 s1, $0x2  }
0xbb: {  	s3 =	sand.u32 $0x4000, s31;
	s1 =	sadd.s32 s1, s30  }
0xbc: {  	s0 =	sor.u32 s3, s0;
	s1 =	sshll.u32 s1, $0x11  }
0xbd: {  	s0 =	sor.u32 s1, s0  }
0xbe: {  	s0 =	sadd.s32 $0x8F2B, s0  }
0xbf: {  	[sflag:s0] =	ssyncadd.remote.s32 $0x1  }
0xc0: {  	_ =	sfence.sel $0xFFFF  }
0xc1: {  	[dreg:$0x0] =	wrdreg $0xFFFFFFFF;
	(pc) =	sbr.abs _section_cstart, $3  }
0xc2: {  	[dreg:$0x1] =	wrdreg $0xFFFFFFFF  }
0xc3: {  	_ =	task.clear_ibuf [dreg:s7], $0x2FFFF;
	_ =	strace $0x9FFFFFFF  }
0xc4: {  	(tm) =	ssettm $0x7FFFFFFF  }
0xc5: {  	_ =	shalt  }
tec
execute0_lowered:
.L_overlay_start_1:
0x0: {  	(tag) =	ssettag $0x1  }
0x1: {  	s0 =	rddreg [dreg:$0x0]  }
0x2: {  	s4 =	rddreg [dreg:$0x1]  }
0x3: {  	s3 =	rddreg [dreg:$0x2];
	s1 =	srdreg.scid  }
0x4: {  	s24 =	rddreg [dreg:$0x3];
	s23 =	stileid.u32  }
0x5: {  	s5 =	simm.s32 $0x0;
	s30 =	simm.s32 $0x1A280;
	s31 =	simm.s32 $0x5  }
0x6: {  	s1 =	sand.u32 $0x1, s1;
	s6 =	smul.u32 $0x280, s23;
	s7 =	sadd.s32 $0x19C00, s4  }
0x7: {  	s12 =	smul.u32 $0x28000, s23;
	[smem:$0x7FF] =	sst s5;
	p1 =	sgt.u32 s23, $0x9  }
0x8: {  	s2 =	ssub.s32 $0x2, s1;
	s15 =	sshll.u32 s1, $0xA;
	p0 =	sne.s32 s1, $0x0  }
0x9: {  	s8 =	sshrl.u32 s2, $0x1;
	s9 =	sadd.s32 $0xA0, s6;
	s10 =	sadd.s32 $0xF0, s6  }
0xa: {  	s11 =	sadd.s32 $0x140, s6;
	s13 =	sadd.s32 $0x190, s6;
	s14 =	sadd.s32 $0x1E0, s6  }
0xb: {  	s12 =	sor.u32 s15, s12;
	s2 =	ssub.s32 s2, s8;
	s8 =	sor.u32 $0x50, s6  }
0xc: {  	s6 =	sadd.s32 $0x230, s6;
	s17 =	sshll.u32 s9, $0x8;
	s18 =	sshll.u32 s10, $0x8  }
0xd: {  	s19 =	sshll.u32 s11, $0x8;
	s20 =	sshll.u32 s13, $0x8;
	s21 =	sshll.u32 s14, $0x8  }
0xe: {  	s12 =	sshrl.u32 s12, $0x3;
	s16 =	sshll.u32 s8, $0x8;
	s17 =	sor.u32 s15, s17  }
0xf: {  	s18 =	sor.u32 s15, s18;
	s19 =	sor.u32 s15, s19;
	s20 =	sor.u32 s15, s20  }
0x10: {  	s21 =	sor.u32 s15, s21;
	s22 =	sshll.u32 s6, $0x8;
	s12 =	sadd.s32 s7, s12  }
0x11: {  	s8 =	sshll.u32 s8, $0x7;
	s6 =	sshll.u32 s6, $0x7;
	s2 =	smax.u32 s2, $0x1  }
0x12: {  	s16 =	sor.u32 s15, s16;
	s15 =	sor.u32 s15, s22;
	s22 =	smul.u32 $0x2800, s1  }
0x13: {  	[dreg:$0x5] =	wrdreg s12;
	s17 =	sshrl.u32 s17, $0x3;
	s26 =	sshrl.u32 s18, $0x3  }
0x14: {  	s1 =	sshll.u32 s1, $0xF;
	s16 =	sshrl.u32 s16, $0x3;
	s25 =	sadd.s32 s7, s17  }
0x15: {  	s17 =	sshrl.u32 s20, $0x3;
	s20 =	sshrl.u32 s15, $0x3;
	s15 =	sshll.u32 s23, $0xA  }
0x16: {  	s12 =	sadd.s32 s7, s16;
	[dreg:$0x7] =	wrdreg s25;
	s16 =	sshrl.u32 s19, $0x3  }
0x17: {  	s18 =	sadd.s32 s7, s17;
	s19 =	sshrl.u32 s21, $0x3;
	s21 =	sadd.s32 s15, s22  }
0x18: {  	s22 =	sshll.u32 s23, $0xB;
	s25 =	smul.u32 $0x50000, s23;
	[dreg:$0x6] =	wrdreg s12  }
0x19: {  	s23 =	simm.s32 $0x14A00;
	s12 =	sadd.s32 s7, s26;
	[dreg:$0xa] =	wrdreg s18  }
0x1a: {  	s26 =	sadd.s32 $0x18C00, s4;
	s18 =	sshll.u32 s9, $0x7;
	s9 =	simm.s32 $0x15280  }
0x1b: {  	[dreg:$0x8] =	wrdreg s12;
	s12 =	sadd.s32 s7, s16;
	s16 =	sshrl.u32 s25, $0x2  }
0x1c: {  	[dreg:$0x9] =	wrdreg s12;
	s12 =	sadd.s32 s7, s19;
	s7 =	sadd.s32 s7, s20  }
0x1d: {  	s25 =	sadd.s32 s16, s3;
	s19 =	sshll.u32 s10, $0x7;
	s20 =	sshll.u32 s11, $0x7  }
0x1e: {  	s16 =	sadd.s32 s18, s3;
	s11 =	simm.s32 $0x17A80;
	[dreg:$0xb] =	wrdreg s12  }
0x1f: {  	s10 =	simm.s32 $0x0;
	[dreg:$0xc] =	wrdreg s7;
	s7 =	sshrl.u32 s21, $0x3  }
0x20: {  	s12 =	sadd.s32 s22, s4;
	s17 =	sadd.s32 s19, s3;
	s18 =	sadd.s32 s20, s3  }
0x21: {  	s21 =	sshll.u32 s13, $0x7;
	_ =	strace $0x80000047;
	[dreg:$0xd] =	wrdreg s26  }
0x22: {  	s22 =	sshll.u32 s14, $0x7;
	s19 =	sadd.s32 s6, s3;
	[dreg:$0x18] =	wrdreg s2  }
0x23: {  	s20 =	sadd.s32 s15, s24;
	s6 =	simm.s32 $0x14280;
	[dreg:$0x19] =	wrdreg s10  }
0x24: {  	s15 =	simm.s32 $0x4;
	s7 =	sadd.s32 s7, s4;
	[dreg:$0x10] =	wrdreg s16  }
0x25: {  	s4 =	sadd.s32 $0x18A00, s4;
	s26 =	sadd.s32 s8, s3;
	[dreg:$0x11] =	wrdreg s17  }
0x26: {  	s13 =	sadd.s32 s21, s3;
	s14 =	sadd.s32 s22, s3;
	[dreg:$0x12] =	wrdreg s18  }
0x27: {  	s1 =	sadd.s32 s1, s12;
	s29 =	sadd.s32 $0xA00, s12;
	[dreg:$0x15] =	wrdreg s19  }
0x28: {  	s2 =	simm.s32 $0x1;
	s8 =	simm.s32 $0x50;
	[dreg:$0x16] =	wrdreg s20  }
.Ltmp0:
0x29: {  	s21 =	simm.s32 $0x14300;
	[dreg:$0xe] =	wrdreg s4;
	(pc) =	sbr.rel .LBB2_1-.Ltmp0, $4  }
0x2a: {  	s12 =	simm.s32 $0x3;
	s22 =	simm.s32 $0x14B00;
	[dreg:$0xf] =	wrdreg s26  }
0x2b: {  	s24 =	sadd.s32 $0x19200, s7;
	s28 =	sadd.s32 $0x8A00, s1;
	[dreg:$0x13] =	wrdreg s13  }
0x2c: {  	s1 =	simm.s32 $0x1CA80;
	s4 =	simm.s32 $0x2;
	[dreg:$0x14] =	wrdreg s14  }
0x2d: {  	v0 =	vimm.f32 $1.000000000e+00;
	s7 =	simm.s32 $0x14A80;
	[dreg:$0x17] =	wrdreg s24;
	s24 =	simm.s32 $0x15200  }
.LBB2_6:
0x2e: {  	s10 =	rddreg [dreg:$0x3]  }
0x2f: {  	[spmem:s10] =	stream.indirect.scatter.add.f32 [tilespmem:s30], [sflag:$0x5], $0x80, s1, s8, $0xb8;
	[tilespmem:$0x1CE80] =	vst v63  }
0x30: {  	_ =	swait.ge [sflag:s31], $0x2800  }
0x31: {  	[sflag:s31] =	ssyncset.done $0x0  }
0x32: {  	[sflag:s31] =	ssyncadd.s32 $0xFFFFD800  }
0x33: {  	[bflag:$0x0] =	sbarrier.arrive $0xFFFF  }
0x34: {  	[tilespmem:s9], [sflag:$0x1] =	stream.linear.gather [spmem:s14], $0x2800, $0x38;
	[tilespmem:$0x1CE80] =	vst v63  }
0x35: {  	_ =	swait.ge [sflag:s2], $0x2800  }
0x36: {  	s13 =	simm.s32 $0x400;
	[sflag:s2] =	ssyncset.done $0x0  }
0x37: {  	s20 =	simm.s32 $0x800;
	s16 =	rddreg [dreg:$0x5];
	[sflag:s2] =	ssyncadd.s32 $0xFFFFD800  }
0x38: {  	[hbm4b:s16+s13] =	stream.strided.scatter [tilespmem:s9], [sflag:$0x3], $0x2800, s20, s13, $0x38;
	[tilespmem:$0x1CE80] =	vst v63  }
0x39: {  	s26 =	rddreg [dreg:$0xf]  }
0x3a: {  	[tilespmem:s11], [sflag:$0x2] =	stream.linear.gather [spmem:s26], $0x2800, $0x38;
	[tilespmem:$0x1CE80] =	vst v63  }
0x3b: {  	_ =	swait.ge [sflag:s4], $0x2800  }
0x3c: {  	[sflag:s4] =	ssyncset.done $0x0  }
0x3d: {  	s17 =	rddreg [dreg:$0x6];
	[sflag:s4] =	ssyncadd.s32 $0xFFFFD800  }
0x3e: {  	[hbm4b:s17+s13] =	stream.strided.scatter [tilespmem:s11], [sflag:$0x4], $0x2800, s20, s13, $0x38;
	[tilespmem:$0x1CE80] =	vst v63  }
0x3f: {  	_ =	swait.ge [sflag:s12], $0x2800  }
0x40: {  	[sflag:s12] =	ssyncset.done $0x0  }
0x41: {  	s16 =	rddreg [dreg:$0x10];
	[sflag:s12] =	ssyncadd.s32 $0xFFFFD800  }
0x42: {  	[tilespmem:s9], [sflag:$0x1] =	stream.linear.gather [spmem:s16], $0x2800, $0x38;
	[tilespmem:$0x1CE80] =	vst v63  }
0x43: {  	_ =	swait.ge [sflag:s2], $0x2800  }
0x44: {  	[sflag:s2] =	ssyncset.done $0x0  }
0x45: {  	s18 =	rddreg [dreg:$0x7];
	[sflag:s2] =	ssyncadd.s32 $0xFFFFD800  }
0x46: {  	[hbm4b:s18+s13] =	stream.strided.scatter [tilespmem:s9], [sflag:$0x3], $0x2800, s20, s13, $0x38;
	[tilespmem:$0x1CE80] =	vst v63  }
0x47: {  	_ =	swait.ge [sflag:s15], $0x2800  }
0x48: {  	[sflag:s15] =	ssyncset.done $0x0  }
0x49: {  	s17 =	rddreg [dreg:$0x11];
	[sflag:s15] =	ssyncadd.s32 $0xFFFFD800  }
0x4a: {  	[tilespmem:s11], [sflag:$0x2] =	stream.linear.gather [spmem:s17], $0x2800, $0x38;
	[tilespmem:$0x1CE80] =	vst v63  }
0x4b: {  	_ =	swait.ge [sflag:s4], $0x2800  }
0x4c: {  	[sflag:s4] =	ssyncset.done $0x0  }
0x4d: {  	s19 =	rddreg [dreg:$0x8];
	[sflag:s4] =	ssyncadd.s32 $0xFFFFD800  }
0x4e: {  	[hbm4b:s19+s13] =	stream.strided.scatter [tilespmem:s11], [sflag:$0x4], $0x2800, s20, s13, $0x38;
	[tilespmem:$0x1CE80] =	vst v63  }
0x4f: {  	_ =	swait.ge [sflag:s12], $0x2800  }
0x50: {  	[sflag:s12] =	ssyncset.done $0x0  }
0x51: {  	s18 =	rddreg [dreg:$0x12];
	[sflag:s12] =	ssyncadd.s32 $0xFFFFD800  }
0x52: {  	[tilespmem:s9], [sflag:$0x1] =	stream.linear.gather [spmem:s18], $0x2800, $0x38;
	[tilespmem:$0x1CE80] =	vst v63  }
0x53: {  	_ =	swait.ge [sflag:s2], $0x2800  }
0x54: {  	[sflag:s2] =	ssyncset.done $0x0  }
0x55: {  	s21 =	rddreg [dreg:$0x9];
	[sflag:s2] =	ssyncadd.s32 $0xFFFFD800  }
0x56: {  	[hbm4b:s21+s13] =	stream.strided.scatter [tilespmem:s9], [sflag:$0x3], $0x2800, s20, s13, $0x38;
	[tilespmem:$0x1CE80] =	vst v63  }
0x57: {  	_ =	swait.ge [sflag:s15], $0x2800  }
0x58: {  	[sflag:s15] =	ssyncset.done $0x0  }
0x59: {  	s1 =	rddreg [dreg:$0x13];
	[sflag:s15] =	ssyncadd.s32 $0xFFFFD800  }
0x5a: {  	[tilespmem:s11], [sflag:$0x2] =	stream.linear.gather [spmem:s1], $0x2800, $0x38;
	[tilespmem:$0x1CE80] =	vst v63  }
0x5b: {  	_ =	swait.ge [sflag:s4], $0x2800  }
0x5c: {  	[sflag:s4] =	ssyncset.done $0x0  }
0x5d: {  	s22 =	rddreg [dreg:$0xa];
	[sflag:s4] =	ssyncadd.s32 $0xFFFFD800  }
0x5e: {  	[hbm4b:s22+s13] =	stream.strided.scatter [tilespmem:s11], [sflag:$0x4], $0x2800, s20, s13, $0x38;
	[tilespmem:$0x1CE80] =	vst v63  }
0x5f: {  	_ =	swait.ge [sflag:s12], $0x2800  }
0x60: {  	[sflag:s12] =	ssyncset.done $0x0  }
0x61: {  	s21 =	rddreg [dreg:$0x14];
	[sflag:s12] =	ssyncadd.s32 $0xFFFFD800  }
0x62: {  	[tilespmem:s9], [sflag:$0x1] =	stream.linear.gather [spmem:s21], $0x2800, $0x38;
	[tilespmem:$0x1CE80] =	vst v63  }
0x63: {  	_ =	swait.ge [sflag:s2], $0x2800  }
0x64: {  	[sflag:s2] =	ssyncset.done $0x0  }
0x65: {  	s23 =	rddreg [dreg:$0xb];
	[sflag:s2] =	ssyncadd.s32 $0xFFFFD800  }
0x66: {  	[hbm4b:s23+s13] =	stream.strided.scatter [tilespmem:s9], [sflag:$0x3], $0x2800, s20, s13, $0x38;
	[tilespmem:$0x1CE80] =	vst v63  }
0x67: {  	_ =	swait.ge [sflag:s15], $0x2800  }
0x68: {  	[sflag:s15] =	ssyncset.done $0x0  }
0x69: {  	s19 =	rddreg [dreg:$0x15];
	[sflag:s15] =	ssyncadd.s32 $0xFFFFD800  }
0x6a: {  	[tilespmem:s11], [sflag:$0x2] =	stream.linear.gather [spmem:s19], $0x2800, $0x38;
	[tilespmem:$0x1CE80] =	vst v63  }
0x6b: {  	_ =	swait.ge [sflag:s4], $0x2800  }
0x6c: {  	[sflag:s4] =	ssyncset.done $0x0  }
0x6d: {  	s25 =	rddreg [dreg:$0xc];
	[sflag:s4] =	ssyncadd.s32 $0xFFFFD800  }
0x6e: {  	[hbm4b:s25+s13] =	stream.strided.scatter [tilespmem:s11], [sflag:$0x4], $0x2800, s20, s13, $0x38;
	[tilespmem:$0x1CE80] =	vst v63  }
0x6f: {  	_ =	swait.ge [sflag:s12], $0x2800  }
0x70: {  	[sflag:s12] =	ssyncset.done $0x0  }
0x71: {  	[sflag:s12] =	ssyncadd.s32 $0xFFFFD800  }
0x72: {  	_ =	swait.ge [sflag:s15], $0x2800  }
0x73: {  	s10 =	simm.s32 @!p1 $0x17A80;
	[sflag:s15] =	ssyncset.done $0x0  }
0x74: {  	s13 =	simm.s32 @!p1 $0x5;
	s20 =	rddreg [dreg:$0x16];
	[sflag:s15] =	ssyncadd.s32 $0xFFFFD800  }
0x75: {  	[tilespmem:s10], [sflag:$0x5] =	stream.linear.gather @!p1 [spmem:s20], $0x400, $0x38;
	[tilespmem:$0x1CE80] =	vst v63  }
0x76: {  	_ =	swait.ge @!p1 [sflag:s13], $0x400  }
0x77: {  	s25 =	smov.u32 s14;
	[sflag:s13] =	ssyncset.done @!p1 $0x0  }
0x78: {  	s14 =	simm.s32 @!p1 $0x0;
	s22 =	rddreg [dreg:$0x17];
	[sflag:s13] =	ssyncadd.s32 @!p1 $0xFFFFFC00  }
0x79: {  	[hbm4b:s22+s14] =	stream.linear.scatter @!p1 [tilespmem:s10], [sflag:$0x5], $0x400, $0x38;
	[tilespmem:$0x1CE80] =	vst v63  }
0x7a: {  	_ =	swait.ge @!p1 [sflag:s13], $0x400  }
0x7b: {  	s23 =	rddreg [dreg:$0x19]  }
0x7c: {  	s10 =	rddreg [dreg:$0x18];
	s23 =	sadd.s32 $0x1, s23  }
0x7d: {  	p2 =	sne.s32 s23, s10  }
.Ltmp1:
0x7e: {  	_ = 	snop;
	(pc) =	sbr.rel @!p2 .LBB2_7-.Ltmp1, $4  }
0x7f: {  	_ = 	snop  }
0x80: {  	s22 =	simm.s32 $0x14B00;
	s14 =	smov.u32 s21;
	[sflag:s13] =	ssyncset.done @!p1 $0x0  }
0x81: {  	s21 =	simm.s32 $0x14300;
	[sflag:s13] =	ssyncadd.s32 @!p1 $0xFFFFFC00;
	s13 =	smov.u32 s1  }
0x82: {  	s1 =	simm.s32 $0x1CA80;
	[dreg:$0x19] =	wrdreg s23;
	s23 =	simm.s32 $0x14A00  }
.LBB2_1:
0x83: {  	s10 =	rddreg [dreg:$0xd]  }
0x84: {  	[tilespmem:s30], [sflag:$0x5] =	stream.linear.gather [hbm4b:s10+s5], $0x2800, $0x38;
	[tilespmem:$0x1CE80] =	vst v63  }
0x85: {  	_ =	swait.ge [sflag:s31], $0x2800  }
0x86: {  	[sflag:s31] =	ssyncset.done $0x0  }
0x87: {  	s10 =	rddreg [dreg:$0xe];
	[sflag:s31] =	ssyncadd.s32 $0xFFFFD800  }
0x88: {  	[tilespmem:s1], [sflag:$0x5] =	stream.linear.gather [hbm4b:s10+s5], $0x400, $0x38;
	[tilespmem:$0x1CE80] =	vst v63  }
0x89: {  	_ =	swait.ge [sflag:s31], $0x400  }
0x8a: {  	[sflag:s31] =	ssyncset.done $0x0  }
0x8b: {  	[sflag:s31] =	ssyncadd.s32 $0xFFFFFC00  }
0x8c: {  	[spmem:s25] =	stream.linear.scatter [tilespmem:s30], [sflag:$0x1], $0x2800, $0x38;
	[tilespmem:$0x1CE80] =	vst v63  }
0x8d: {  	_ = 	snop  }
0x8e: {  	[spmem:s26] =	stream.linear.scatter [tilespmem:s30], [sflag:$0x2], $0x2800, $0x38;
	[tilespmem:$0x1CE80] =	vst v63  }
0x8f: {  	_ = 	snop  }
0x90: {  	[spmem:s16] =	stream.linear.scatter [tilespmem:s30], [sflag:$0x1], $0x2800, $0x38;
	[tilespmem:$0x1CE80] =	vst v63  }
0x91: {  	_ = 	snop  }
0x92: {  	[spmem:s17] =	stream.linear.scatter [tilespmem:s30], [sflag:$0x2], $0x2800, $0x38;
	[tilespmem:$0x1CE80] =	vst v63  }
0x93: {  	_ = 	snop  }
0x94: {  	[spmem:s18] =	stream.linear.scatter [tilespmem:s30], [sflag:$0x1], $0x2800, $0x38;
	[tilespmem:$0x1CE80] =	vst v63  }
0x95: {  	_ = 	snop  }
0x96: {  	[spmem:s13] =	stream.linear.scatter [tilespmem:s30], [sflag:$0x2], $0x2800, $0x38;
	[tilespmem:$0x1CE80] =	vst v63  }
0x97: {  	_ = 	snop  }
0x98: {  	[spmem:s14] =	stream.linear.scatter [tilespmem:s30], [sflag:$0x1], $0x2800, $0x38;
	[tilespmem:$0x1CE80] =	vst v63  }
0x99: {  	_ = 	snop  }
0x9a: {  	[spmem:s19] =	stream.linear.scatter [tilespmem:s30], [sflag:$0x2], $0x2800, $0x38;
	[tilespmem:$0x1CE80] =	vst v63  }
0x9b: {  	_ =	swait.ge [sflag:s2], $0x2800  }
0x9c: {  	[sflag:s2] =	ssyncset.done $0x0  }
0x9d: {  	[sflag:s2] =	ssyncadd.s32 $0xFFFFD800  }
0x9e: {  	_ =	swait.ge [sflag:s4], $0x2800  }
0x9f: {  	[sflag:s4] =	ssyncset.done $0x0  }
0xa0: {  	[sflag:s4] =	ssyncadd.s32 $0xFFFFD800  }
0xa1: {  	_ =	swait.ge [sflag:s2], $0x2800  }
0xa2: {  	[sflag:s2] =	ssyncset.done $0x0  }
0xa3: {  	[sflag:s2] =	ssyncadd.s32 $0xFFFFD800  }
0xa4: {  	_ =	swait.ge [sflag:s4], $0x2800  }
0xa5: {  	[sflag:s4] =	ssyncset.done $0x0  }
0xa6: {  	[sflag:s4] =	ssyncadd.s32 $0xFFFFD800  }
0xa7: {  	_ =	swait.ge [sflag:s2], $0x2800  }
0xa8: {  	[sflag:s2] =	ssyncset.done $0x0  }
0xa9: {  	[sflag:s2] =	ssyncadd.s32 $0xFFFFD800  }
0xaa: {  	_ =	swait.ge [sflag:s4], $0x2800  }
0xab: {  	[sflag:s4] =	ssyncset.done $0x0  }
0xac: {  	[sflag:s4] =	ssyncadd.s32 $0xFFFFD800  }
0xad: {  	_ =	swait.ge [sflag:s2], $0x2800  }
0xae: {  	[sflag:s2] =	ssyncset.done $0x0  }
0xaf: {  	[sflag:s2] =	ssyncadd.s32 $0xFFFFD800  }
0xb0: {  	_ =	swait.ge [sflag:s4], $0x2800  }
0xb1: {  	[sflag:s4] =	ssyncset.done $0x0  }
0xb2: {  	s10 =	simm.s32 @!p1 $0x1A280;
	[sflag:s4] =	ssyncadd.s32 $0xFFFFD800  }
0xb3: {  	[spmem:s20] =	stream.linear.scatter @!p1 [tilespmem:s10], [sflag:$0x5], $0x400, $0x38;
	[tilespmem:$0x1CE80] =	vst v63  }
0xb4: {  	s10 =	simm.s32 @!p1 $0x5  }
.Ltmp2:
0xb5: {  	_ =	swait.ge @!p1 [sflag:s10], $0x400;
	(pc) =	sbr.rel .LBB2_2-.Ltmp2, $4  }
0xb6: {  	s26 =	simm.s32 $0x14500;
	s16 =	simm.s32 $0x14380;
	[sflag:s10] =	ssyncset.done @!p1 $0x0  }
0xb7: {  	s17 =	simm.s32 $0x14B80;
	s18 =	simm.s32 $0x14400;
	[sflag:s10] =	ssyncadd.s32 @!p1 $0xFFFFFC00  }
0xb8: {  	s14 =	smov.u32 s25;
	s25 =	simm.s32 $0x14C80;
	[bflag:$0x0] =	sbarrier.arrive $0xFFFF  }
0xb9: {  	s19 =	simm.s32 $0x14C00;
	s20 =	simm.s32 $0x14480;
	s10 =	simm.s32 $0x0  }
.LBB2_4:
0xba: {  	_ =	swait.ge [sflag:s4], $0x2800  }
0xbb: {  	[sflag:s4] =	ssyncset.done $0x0  }
0xbc: {  	[sflag:s4] =	ssyncadd.s32 $0xFFFFD800  }
0xbd: {  	_ =	swait.ge [sflag:s12], $0x2800  }
0xbe: {  	[sflag:s12] =	ssyncset.done $0x0  }
0xbf: {  	[sflag:s12] =	ssyncadd.s32 $0xFFFFD800  }
0xc0: {  	[spmem:s3] =	stream.indirect.scatter.add.f32 [tilespmem:s11], [sflag:$0x4], $0x80, s22, s8, $0xb8;
	[tilespmem:$0x1CE80] =	vst v63  }
0xc1: {  	_ = 	snop  }
0xc2: {  	[tilespmem:s9], [sflag:$0x1] =	stream.indirect.gather [hbm4b:s0+s8], $0x80, s16, s8, $0xb8;
	[tilespmem:$0x1CE80] =	vst v63  }
0xc3: {  	v1 =	vld [tilespmem:$0x14B00];
	_ =	sdelay $0x7  }
0xc4: {  	[tilespmem:v1+s30+$0x0] =	vst.idx.add.f32.msk $0xffff, v0  }
0xc5: {  	v1 =	vld [tilespmem:$0x14B10];
	_ =	sdelay $0x7  }
0xc6: {  	[tilespmem:v1+s30+$0x0] =	vst.idx.add.f32.msk $0xffff, v0  }
0xc7: {  	v1 =	vld [tilespmem:$0x14B20];
	_ =	sdelay $0x7  }
0xc8: {  	[tilespmem:v1+s30+$0x0] =	vst.idx.add.f32.msk $0xffff, v0  }
0xc9: {  	v1 =	vld [tilespmem:$0x14B30];
	_ =	sdelay $0x7  }
0xca: {  	[tilespmem:v1+s30+$0x0] =	vst.idx.add.f32.msk $0xffff, v0  }
0xcb: {  	v1 =	vld [tilespmem:$0x14B40];
	_ =	sdelay $0x7  }
0xcc: {  	[tilespmem:v1+s30+$0x0] =	vst.idx.add.f32.msk $0xffff, v0  }
0xcd: {  	_ =	swait.ge [sflag:s2], $0x2800  }
0xce: {  	[sflag:s2] =	ssyncset.done $0x0  }
0xcf: {  	[sflag:s2] =	ssyncadd.s32 $0xFFFFD800  }
0xd0: {  	_ =	swait.ge [sflag:s15], $0x2800  }
0xd1: {  	[sflag:s15] =	ssyncset.done $0x0  }
0xd2: {  	[sflag:s15] =	ssyncadd.s32 $0xFFFFD800  }
0xd3: {  	[spmem:s3] =	stream.indirect.scatter.add.f32 [tilespmem:s9], [sflag:$0x3], $0x80, s17, s8, $0xb8;
	[tilespmem:$0x1CE80] =	vst v63  }
0xd4: {  	_ = 	snop  }
0xd5: {  	[tilespmem:s11], [sflag:$0x2] =	stream.indirect.gather [hbm4b:s0+s8], $0x80, s18, s8, $0xb8;
	[tilespmem:$0x1CE80] =	vst v63  }
0xd6: {  	_ =	swait.ge [sflag:s4], $0x2800  }
0xd7: {  	[sflag:s4] =	ssyncset.done $0x0  }
0xd8: {  	[sflag:s4] =	ssyncadd.s32 $0xFFFFD800  }
0xd9: {  	_ =	swait.ge [sflag:s12], $0x2800  }
0xda: {  	[sflag:s12] =	ssyncset.done $0x0  }
0xdb: {  	[sflag:s12] =	ssyncadd.s32 $0xFFFFD800  }
0xdc: {  	[spmem:s3] =	stream.indirect.scatter.add.f32 [tilespmem:s11], [sflag:$0x4], $0x80, s19, s8, $0xb8;
	[tilespmem:$0x1CE80] =	vst v63  }
0xdd: {  	_ = 	snop  }
0xde: {  	[tilespmem:s9], [sflag:$0x1] =	stream.indirect.gather [hbm4b:s0+s8], $0x80, s20, s8, $0xb8;
	[tilespmem:$0x1CE80] =	vst v63  }
0xdf: {  	v1 =	vld [tilespmem:$0x14C00];
	_ =	sdelay $0x7  }
0xe0: {  	[tilespmem:v1+s30+$0x0] =	vst.idx.add.f32.msk $0xffff, v0  }
0xe1: {  	v1 =	vld [tilespmem:$0x14C10];
	_ =	sdelay $0x7  }
0xe2: {  	[tilespmem:v1+s30+$0x0] =	vst.idx.add.f32.msk $0xffff, v0  }
0xe3: {  	v1 =	vld [tilespmem:$0x14C20];
	_ =	sdelay $0x7  }
0xe4: {  	[tilespmem:v1+s30+$0x0] =	vst.idx.add.f32.msk $0xffff, v0  }
0xe5: {  	v1 =	vld [tilespmem:$0x14C30];
	_ =	sdelay $0x7  }
0xe6: {  	[tilespmem:v1+s30+$0x0] =	vst.idx.add.f32.msk $0xffff, v0  }
0xe7: {  	v1 =	vld [tilespmem:$0x14C40];
	_ =	sdelay $0x7  }
0xe8: {  	[tilespmem:v1+s30+$0x0] =	vst.idx.add.f32.msk $0xffff, v0  }
0xe9: {  	_ =	swait.ge [sflag:s2], $0x2800  }
0xea: {  	[sflag:s2] =	ssyncset.done $0x0  }
0xeb: {  	[sflag:s2] =	ssyncadd.s32 $0xFFFFD800  }
0xec: {  	_ =	swait.ge [sflag:s15], $0x2800  }
0xed: {  	[sflag:s15] =	ssyncset.done $0x0  }
0xee: {  	[sflag:s15] =	ssyncadd.s32 $0xFFFFD800  }
0xef: {  	[spmem:s3] =	stream.indirect.scatter.add.f32 [tilespmem:s9], [sflag:$0x3], $0x80, s25, s8, $0xb8;
	[tilespmem:$0x1CE80] =	vst v63  }
0xf0: {  	_ = 	snop  }
0xf1: {  	[tilespmem:s11], [sflag:$0x2] =	stream.indirect.gather [hbm4b:s0+s8], $0x80, s26, s8, $0xb8;
	[tilespmem:$0x1CE80] =	vst v63  }
0xf2: {  	_ =	swait.ge [sflag:s4], $0x2800  }
0xf3: {  	[sflag:s4] =	ssyncset.done $0x0  }
0xf4: {  	[sflag:s4] =	ssyncadd.s32 $0xFFFFD800  }
0xf5: {  	_ =	swait.ge [sflag:s12], $0x2800  }
0xf6: {  	[sflag:s12] =	ssyncset.done $0x0  }
0xf7: {  	s13 =	simm.s32 $0x14D00;
	[sflag:s12] =	ssyncadd.s32 $0xFFFFD800  }
0xf8: {  	[spmem:s3] =	stream.indirect.scatter.add.f32 [tilespmem:s11], [sflag:$0x4], $0x80, s13, s8, $0xb8;
	[tilespmem:$0x1CE80] =	vst v63  }
0xf9: {  	s13 =	simm.s32 $0x14580  }
0xfa: {  	[tilespmem:s9], [sflag:$0x1] =	stream.indirect.gather [hbm4b:s0+s8], $0x80, s13, s8, $0xb8;
	[tilespmem:$0x1CE80] =	vst v63  }
0xfb: {  	v1 =	vld [tilespmem:$0x14D00];
	_ =	sdelay $0x7  }
0xfc: {  	[tilespmem:v1+s30+$0x0] =	vst.idx.add.f32.msk $0xffff, v0  }
0xfd: {  	v1 =	vld [tilespmem:$0x14D10];
	_ =	sdelay $0x7  }
0xfe: {  	[tilespmem:v1+s30+$0x0] =	vst.idx.add.f32.msk $0xffff, v0  }
0xff: {  	v1 =	vld [tilespmem:$0x14D20];
	_ =	sdelay $0x7  }
0x100: {  	[tilespmem:v1+s30+$0x0] =	vst.idx.add.f32.msk $0xffff, v0  }
0x101: {  	v1 =	vld [tilespmem:$0x14D30];
	_ =	sdelay $0x7  }
0x102: {  	[tilespmem:v1+s30+$0x0] =	vst.idx.add.f32.msk $0xffff, v0  }
0x103: {  	v1 =	vld [tilespmem:$0x14D40];
	_ =	sdelay $0x7  }
0x104: {  	[tilespmem:v1+s30+$0x0] =	vst.idx.add.f32.msk $0xffff, v0  }
0x105: {  	_ =	swait.ge [sflag:s2], $0x2800  }
0x106: {  	[sflag:s2] =	ssyncset.done $0x0  }
0x107: {  	[sflag:s2] =	ssyncadd.s32 $0xFFFFD800  }
0x108: {  	_ =	swait.ge [sflag:s15], $0x2800  }
0x109: {  	[sflag:s15] =	ssyncset.done $0x0  }
0x10a: {  	s13 =	simm.s32 $0x14D80;
	[sflag:s15] =	ssyncadd.s32 $0xFFFFD800  }
0x10b: {  	[spmem:s3] =	stream.indirect.scatter.add.f32 [tilespmem:s9], [sflag:$0x3], $0x80, s13, s8, $0xb8;
	[tilespmem:$0x1CE80] =	vst v63  }
0x10c: {  	s13 =	simm.s32 $0x14600  }
0x10d: {  	[tilespmem:s11], [sflag:$0x2] =	stream.indirect.gather [hbm4b:s0+s8], $0x80, s13, s8, $0xb8;
	[tilespmem:$0x1CE80] =	vst v63  }
0x10e: {  	_ =	swait.ge [sflag:s4], $0x2800  }
0x10f: {  	[sflag:s4] =	ssyncset.done $0x0  }
0x110: {  	[sflag:s4] =	ssyncadd.s32 $0xFFFFD800  }
0x111: {  	_ =	swait.ge [sflag:s12], $0x2800  }
0x112: {  	[sflag:s12] =	ssyncset.done $0x0  }
0x113: {  	s13 =	simm.s32 $0x14E00;
	[sflag:s12] =	ssyncadd.s32 $0xFFFFD800  }
0x114: {  	[spmem:s3] =	stream.indirect.scatter.add.f32 [tilespmem:s11], [sflag:$0x4], $0x80, s13, s8, $0xb8;
	[tilespmem:$0x1CE80] =	vst v63  }
0x115: {  	s13 =	simm.s32 $0x14680  }
0x116: {  	[tilespmem:s9], [sflag:$0x1] =	stream.indirect.gather [hbm4b:s0+s8], $0x80, s13, s8, $0xb8;
	[tilespmem:$0x1CE80] =	vst v63  }
0x117: {  	v1 =	vld [tilespmem:$0x14E00];
	_ =	sdelay $0x7  }
0x118: {  	[tilespmem:v1+s30+$0x0] =	vst.idx.add.f32.msk $0xffff, v0  }
0x119: {  	v1 =	vld [tilespmem:$0x14E10];
	_ =	sdelay $0x7  }
0x11a: {  	[tilespmem:v1+s30+$0x0] =	vst.idx.add.f32.msk $0xffff, v0  }
0x11b: {  	v1 =	vld [tilespmem:$0x14E20];
	_ =	sdelay $0x7  }
0x11c: {  	[tilespmem:v1+s30+$0x0] =	vst.idx.add.f32.msk $0xffff, v0  }
0x11d: {  	v1 =	vld [tilespmem:$0x14E30];
	_ =	sdelay $0x7  }
0x11e: {  	[tilespmem:v1+s30+$0x0] =	vst.idx.add.f32.msk $0xffff, v0  }
0x11f: {  	v1 =	vld [tilespmem:$0x14E40];
	_ =	sdelay $0x7  }
0x120: {  	[tilespmem:v1+s30+$0x0] =	vst.idx.add.f32.msk $0xffff, v0  }
0x121: {  	_ =	swait.ge [sflag:s2], $0x2800  }
0x122: {  	[sflag:s2] =	ssyncset.done $0x0  }
0x123: {  	[sflag:s2] =	ssyncadd.s32 $0xFFFFD800  }
0x124: {  	_ =	swait.ge [sflag:s15], $0x2800  }
0x125: {  	[sflag:s15] =	ssyncset.done $0x0  }
0x126: {  	s13 =	simm.s32 $0x14E80;
	[sflag:s15] =	ssyncadd.s32 $0xFFFFD800  }
0x127: {  	[spmem:s3] =	stream.indirect.scatter.add.f32 [tilespmem:s9], [sflag:$0x3], $0x80, s13, s8, $0xb8;
	[tilespmem:$0x1CE80] =	vst v63  }
0x128: {  	s13 =	simm.s32 $0x14700  }
0x129: {  	[tilespmem:s11], [sflag:$0x2] =	stream.indirect.gather [hbm4b:s0+s8], $0x80, s13, s8, $0xb8;
	[tilespmem:$0x1CE80] =	vst v63  }
0x12a: {  	_ =	swait.ge [sflag:s4], $0x2800  }
0x12b: {  	[sflag:s4] =	ssyncset.done $0x0  }
0x12c: {  	[sflag:s4] =	ssyncadd.s32 $0xFFFFD800  }
0x12d: {  	_ =	swait.ge [sflag:s12], $0x2800  }
0x12e: {  	[sflag:s12] =	ssyncset.done $0x0  }
0x12f: {  	s13 =	simm.s32 $0x14F00;
	[sflag:s12] =	ssyncadd.s32 $0xFFFFD800  }
0x130: {  	[spmem:s3] =	stream.indirect.scatter.add.f32 [tilespmem:s11], [sflag:$0x4], $0x80, s13, s8, $0xb8;
	[tilespmem:$0x1CE80] =	vst v63  }
0x131: {  	s13 =	simm.s32 $0x14780  }
0x132: {  	[tilespmem:s9], [sflag:$0x1] =	stream.indirect.gather [hbm4b:s0+s8], $0x80, s13, s8, $0xb8;
	[tilespmem:$0x1CE80] =	vst v63  }
0x133: {  	v1 =	vld [tilespmem:$0x14F00];
	_ =	sdelay $0x7  }
0x134: {  	[tilespmem:v1+s30+$0x0] =	vst.idx.add.f32.msk $0xffff, v0  }
0x135: {  	v1 =	vld [tilespmem:$0x14F10];
	_ =	sdelay $0x7  }
0x136: {  	[tilespmem:v1+s30+$0x0] =	vst.idx.add.f32.msk $0xffff, v0  }
0x137: {  	v1 =	vld [tilespmem:$0x14F20];
	_ =	sdelay $0x7  }
0x138: {  	[tilespmem:v1+s30+$0x0] =	vst.idx.add.f32.msk $0xffff, v0  }
0x139: {  	v1 =	vld [tilespmem:$0x14F30];
	_ =	sdelay $0x7  }
0x13a: {  	[tilespmem:v1+s30+$0x0] =	vst.idx.add.f32.msk $0xffff, v0  }
0x13b: {  	v1 =	vld [tilespmem:$0x14F40];
	_ =	sdelay $0x7  }
0x13c: {  	[tilespmem:v1+s30+$0x0] =	vst.idx.add.f32.msk $0xffff, v0  }
0x13d: {  	_ =	swait.ge [sflag:s2], $0x2800  }
0x13e: {  	[sflag:s2] =	ssyncset.done $0x0  }
0x13f: {  	[sflag:s2] =	ssyncadd.s32 $0xFFFFD800  }
0x140: {  	_ =	swait.ge [sflag:s15], $0x2800  }
0x141: {  	[sflag:s15] =	ssyncset.done $0x0  }
0x142: {  	s13 =	simm.s32 $0x14F80;
	[sflag:s15] =	ssyncadd.s32 $0xFFFFD800  }
0x143: {  	[spmem:s3] =	stream.indirect.scatter.add.f32 [tilespmem:s9], [sflag:$0x3], $0x80, s13, s8, $0xb8;
	[tilespmem:$0x1CE80] =	vst v63  }
0x144: {  	s13 =	simm.s32 $0x14800  }
0x145: {  	[tilespmem:s11], [sflag:$0x2] =	stream.indirect.gather [hbm4b:s0+s8], $0x80, s13, s8, $0xb8;
	[tilespmem:$0x1CE80] =	vst v63  }
0x146: {  	_ =	swait.ge [sflag:s4], $0x2800  }
0x147: {  	[sflag:s4] =	ssyncset.done $0x0  }
0x148: {  	[sflag:s4] =	ssyncadd.s32 $0xFFFFD800  }
0x149: {  	_ =	swait.ge [sflag:s12], $0x2800  }
0x14a: {  	[sflag:s12] =	ssyncset.done $0x0  }
0x14b: {  	s13 =	simm.s32 $0x15000;
	[sflag:s12] =	ssyncadd.s32 $0xFFFFD800  }
0x14c: {  	[spmem:s3] =	stream.indirect.scatter.add.f32 [tilespmem:s11], [sflag:$0x4], $0x80, s13, s8, $0xb8;
	[tilespmem:$0x1CE80] =	vst v63  }
0x14d: {  	s13 =	simm.s32 $0x14880  }
0x14e: {  	[tilespmem:s9], [sflag:$0x1] =	stream.indirect.gather [hbm4b:s0+s8], $0x80, s13, s8, $0xb8;
	[tilespmem:$0x1CE80] =	vst v63  }
0x14f: {  	v1 =	vld [tilespmem:$0x15000];
	_ =	sdelay $0x7  }
0x150: {  	[tilespmem:v1+s30+$0x0] =	vst.idx.add.f32.msk $0xffff, v0  }
0x151: {  	v1 =	vld [tilespmem:$0x15010];
	_ =	sdelay $0x7  }
0x152: {  	[tilespmem:v1+s30+$0x0] =	vst.idx.add.f32.msk $0xffff, v0  }
0x153: {  	v1 =	vld [tilespmem:$0x15020];
	_ =	sdelay $0x7  }
0x154: {  	[tilespmem:v1+s30+$0x0] =	vst.idx.add.f32.msk $0xffff, v0  }
0x155: {  	v1 =	vld [tilespmem:$0x15030];
	_ =	sdelay $0x7  }
0x156: {  	[tilespmem:v1+s30+$0x0] =	vst.idx.add.f32.msk $0xffff, v0  }
0x157: {  	v1 =	vld [tilespmem:$0x15040];
	_ =	sdelay $0x7  }
0x158: {  	[tilespmem:v1+s30+$0x0] =	vst.idx.add.f32.msk $0xffff, v0  }
0x159: {  	_ =	swait.ge [sflag:s2], $0x2800  }
0x15a: {  	[sflag:s2] =	ssyncset.done $0x0  }
0x15b: {  	[sflag:s2] =	ssyncadd.s32 $0xFFFFD800  }
0x15c: {  	_ =	swait.ge [sflag:s15], $0x2800  }
0x15d: {  	[sflag:s15] =	ssyncset.done $0x0  }
0x15e: {  	s13 =	simm.s32 $0x15080;
	[sflag:s15] =	ssyncadd.s32 $0xFFFFD800  }
0x15f: {  	[spmem:s3] =	stream.indirect.scatter.add.f32 [tilespmem:s9], [sflag:$0x3], $0x80, s13, s8, $0xb8;
	[tilespmem:$0x1CE80] =	vst v63  }
0x160: {  	s13 =	simm.s32 $0x14900  }
0x161: {  	[tilespmem:s11], [sflag:$0x2] =	stream.indirect.gather [hbm4b:s0+s8], $0x80, s13, s8, $0xb8;
	[tilespmem:$0x1CE80] =	vst v63  }
0x162: {  	_ =	swait.ge [sflag:s4], $0x2800  }
0x163: {  	[sflag:s4] =	ssyncset.done $0x0  }
0x164: {  	[sflag:s4] =	ssyncadd.s32 $0xFFFFD800  }
0x165: {  	_ =	swait.ge [sflag:s12], $0x2800  }
0x166: {  	[sflag:s12] =	ssyncset.done $0x0  }
0x167: {  	s13 =	simm.s32 $0x15100;
	[sflag:s12] =	ssyncadd.s32 $0xFFFFD800  }
0x168: {  	[spmem:s3] =	stream.indirect.scatter.add.f32 [tilespmem:s11], [sflag:$0x4], $0x80, s13, s8, $0xb8;
	[tilespmem:$0x1CE80] =	vst v63  }
0x169: {  	s13 =	simm.s32 $0x14980  }
0x16a: {  	[tilespmem:s9], [sflag:$0x1] =	stream.indirect.gather [hbm4b:s0+s8], $0x80, s13, s8, $0xb8;
	[tilespmem:$0x1CE80] =	vst v63  }
0x16b: {  	v1 =	vld [tilespmem:$0x15100];
	_ =	sdelay $0x7  }
0x16c: {  	[tilespmem:v1+s30+$0x0] =	vst.idx.add.f32.msk $0xffff, v0  }
0x16d: {  	v1 =	vld [tilespmem:$0x15110];
	_ =	sdelay $0x7  }
0x16e: {  	[tilespmem:v1+s30+$0x0] =	vst.idx.add.f32.msk $0xffff, v0  }
0x16f: {  	v1 =	vld [tilespmem:$0x15120];
	_ =	sdelay $0x7  }
0x170: {  	[tilespmem:v1+s30+$0x0] =	vst.idx.add.f32.msk $0xffff, v0  }
0x171: {  	v1 =	vld [tilespmem:$0x15130];
	_ =	sdelay $0x7  }
0x172: {  	[tilespmem:v1+s30+$0x0] =	vst.idx.add.f32.msk $0xffff, v0  }
0x173: {  	v1 =	vld [tilespmem:$0x15140];
	_ =	sdelay $0x7  }
0x174: {  	[tilespmem:v1+s30+$0x0] =	vst.idx.add.f32.msk $0xffff, v0  }
0x175: {  	_ =	swait.ge [sflag:s2], $0x2800  }
0x176: {  	[sflag:s2] =	ssyncset.done $0x0  }
0x177: {  	[sflag:s2] =	ssyncadd.s32 $0xFFFFD800  }
0x178: {  	_ =	swait.ge [sflag:s15], $0x2800  }
0x179: {  	[sflag:s15] =	ssyncset.done $0x0  }
0x17a: {  	s13 =	simm.s32 $0x15180;
	[sflag:s15] =	ssyncadd.s32 $0xFFFFD800  }
0x17b: {  	[spmem:s3] =	stream.indirect.scatter.add.f32 [tilespmem:s9], [sflag:$0x3], $0x80, s13, s8, $0xb8;
	[tilespmem:$0x1CE80] =	vst v63  }
0x17c: {  	_ = 	snop  }
0x17d: {  	[tilespmem:s11], [sflag:$0x2] =	stream.indirect.gather [hbm4b:s0+s8], $0x80, s23, s8, $0xb8;
	[tilespmem:$0x1CE80] =	vst v63  }
0x17e: {  	_ =	swait.ge [sflag:s4], $0x2800  }
0x17f: {  	[sflag:s4] =	ssyncset.done $0x0  }
0x180: {  	[sflag:s4] =	ssyncadd.s32 $0xFFFFD800  }
0x181: {  	_ =	swait.ge [sflag:s12], $0x2800  }
0x182: {  	[sflag:s12] =	ssyncset.done $0x0  }
0x183: {  	[sflag:s12] =	ssyncadd.s32 $0xFFFFD800  }
0x184: {  	[spmem:s3] =	stream.indirect.scatter.add.f32 [tilespmem:s11], [sflag:$0x4], $0x80, s24, s8, $0xb8;
	[tilespmem:$0x1CE80] =	vst v63  }
0x185: {  	v1 =	vld [tilespmem:$0x15200];
	_ =	sdelay $0x7  }
0x186: {  	[tilespmem:v1+s30+$0x0] =	vst.idx.add.f32.msk $0xffff, v0  }
0x187: {  	v1 =	vld [tilespmem:$0x15210];
	_ =	sdelay $0x7  }
0x188: {  	[tilespmem:v1+s30+$0x0] =	vst.idx.add.f32.msk $0xffff, v0  }
0x189: {  	v1 =	vld [tilespmem:$0x15220];
	_ =	sdelay $0x7  }
0x18a: {  	[tilespmem:v1+s30+$0x0] =	vst.idx.add.f32.msk $0xffff, v0  }
0x18b: {  	v1 =	vld [tilespmem:$0x15230];
	_ =	sdelay $0x7  }
0x18c: {  	[tilespmem:v1+s30+$0x0] =	vst.idx.add.f32.msk $0xffff, v0  }
0x18d: {  	v1 =	vld [tilespmem:$0x15240];
	_ =	sdelay $0x7  }
0x18e: {  	[tilespmem:v1+s30+$0x0] =	vst.idx.add.f32.msk $0xffff, v0  }
.LBB2_5:
0x18f: {  	s10 =	sadd.s32 $0x100, s10  }
0x190: {  	p2 =	sne.s32 s10, $0x800  }
.Ltmp3:
0x191: {  	_ = 	snop;
	(pc) =	sbr.rel @!p2 .LBB2_6-.Ltmp3, $4  }
0x192: {  	_ = 	snop  }
0x193: {  	_ =	swait.ge [sflag:s15], $0x2800  }
0x194: {  	[sflag:s15] =	ssyncset.done $0x0  }
0x195: {  	[sflag:s15] =	ssyncadd.s32 $0xFFFFD800  }
.LBB2_2:
0x196: {  	s13 =	sadd.s32 s10, s28  }
0x197: {  	[tilespmem:s6], [sflag:$0x5] =	stream.linear.gather [hbm4b:s13+s5], $0x800, $0x38;
	[tilespmem:$0x1CE80] =	vst v63  }
0x198: {  	_ =	swait.ge [sflag:s31], $0x800  }
0x199: {  	[sflag:s31] =	ssyncset.done $0x0  }
0x19a: {  	s13 =	sadd.s32 s10, s29;
	[sflag:s31] =	ssyncadd.s32 $0xFFFFF800  }
0x19b: {  	[tilespmem:s7], [sflag:$0x5] =	stream.linear.gather [hbm4b:s13+s5], $0x800, $0x38;
	[tilespmem:$0x1CE80] =	vst v63  }
0x19c: {  	_ =	swait.ge [sflag:s31], $0x800  }
0x19d: {  	[sflag:s31] =	ssyncset.done $0x0  }
0x19e: {  	[sflag:s31] =	ssyncadd.s32 $0xFFFFF800  }
0x19f: {  	[tilespmem:s9], [sflag:$0x1] =	stream.indirect.gather [hbm4b:s0+s8], $0x80, s6, s8, $0xb8;
	[tilespmem:$0x1CE80] =	vst v63  }
0x1a0: {  	_ =	swait.ge [sflag:s2], $0x2800  }
.Ltmp4:
0x1a1: {  	[sflag:s2] =	ssyncset.done $0x0;
	(pc) =	sbr.rel @p0 .LBB2_4-.Ltmp4, $4  }
0x1a2: {  	[sflag:s2] =	ssyncadd.s32 $0xFFFFD800  }
0x1a3: {  	[spmem:s3] =	stream.indirect.scatter.add.f32 [tilespmem:s9], [sflag:$0x3], $0x80, s7, s8, $0xb8;
	[tilespmem:$0x1CE80] =	vst v63  }
0x1a4: {  	_ = 	snop  }
0x1a5: {  	[tilespmem:s11], [sflag:$0x2] =	stream.indirect.gather [hbm4b:s0+s8], $0x80, s21, s8, $0xb8;
	[tilespmem:$0x1CE80] =	vst v63  }
0x1a6: {  	v1 =	vld [tilespmem:$0x14A80];
	_ =	sdelay $0x7  }
0x1a7: {  	[tilespmem:v1+s30+$0x0] =	vst.idx.add.f32.msk $0xffff, v0  }
0x1a8: {  	v1 =	vld [tilespmem:$0x14A90];
	_ =	sdelay $0x7  }
0x1a9: {  	[tilespmem:v1+s30+$0x0] =	vst.idx.add.f32.msk $0xffff, v0  }
0x1aa: {  	v1 =	vld [tilespmem:$0x14AA0];
	_ =	sdelay $0x7  }
0x1ab: {  	[tilespmem:v1+s30+$0x0] =	vst.idx.add.f32.msk $0xffff, v0  }
0x1ac: {  	v1 =	vld [tilespmem:$0x14AB0];
	_ =	sdelay $0x7  }
0x1ad: {  	[tilespmem:v1+s30+$0x0] =	vst.idx.add.f32.msk $0xffff, v0  }
0x1ae: {  	v1 =	vld [tilespmem:$0x14AC0];
	_ =	sdelay $0x7  }
0x1af: {  	[tilespmem:v1+s30+$0x0] =	vst.idx.add.f32.msk $0xffff, v0  }
0x1b0: {  	_ =	swait.ge [sflag:s4], $0x2800  }
0x1b1: {  	[sflag:s4] =	ssyncset.done $0x0  }
0x1b2: {  	[sflag:s4] =	ssyncadd.s32 $0xFFFFD800  }
0x1b3: {  	_ =	swait.ge [sflag:s12], $0x2800  }
0x1b4: {  	[sflag:s12] =	ssyncset.done $0x0  }
0x1b5: {  	[sflag:s12] =	ssyncadd.s32 $0xFFFFD800  }
0x1b6: {  	[spmem:s3] =	stream.indirect.scatter.add.f32 [tilespmem:s11], [sflag:$0x4], $0x80, s22, s8, $0xb8;
	[tilespmem:$0x1CE80] =	vst v63  }
0x1b7: {  	_ = 	snop  }
0x1b8: {  	[tilespmem:s9], [sflag:$0x1] =	stream.indirect.gather [hbm4b:s0+s8], $0x80, s16, s8, $0xb8;
	[tilespmem:$0x1CE80] =	vst v63  }
0x1b9: {  	_ =	swait.ge [sflag:s2], $0x2800  }
0x1ba: {  	[sflag:s2] =	ssyncset.done $0x0  }
0x1bb: {  	[sflag:s2] =	ssyncadd.s32 $0xFFFFD800  }
0x1bc: {  	_ =	swait.ge [sflag:s15], $0x2800  }
0x1bd: {  	[sflag:s15] =	ssyncset.done $0x0  }
0x1be: {  	[sflag:s15] =	ssyncadd.s32 $0xFFFFD800  }
0x1bf: {  	[spmem:s3] =	stream.indirect.scatter.add.f32 [tilespmem:s9], [sflag:$0x3], $0x80, s17, s8, $0xb8;
	[tilespmem:$0x1CE80] =	vst v63  }
0x1c0: {  	_ = 	snop  }
0x1c1: {  	[tilespmem:s11], [sflag:$0x2] =	stream.indirect.gather [hbm4b:s0+s8], $0x80, s18, s8, $0xb8;
	[tilespmem:$0x1CE80] =	vst v63  }
0x1c2: {  	v1 =	vld [tilespmem:$0x14B80];
	_ =	sdelay $0x7  }
0x1c3: {  	[tilespmem:v1+s30+$0x0] =	vst.idx.add.f32.msk $0xffff, v0  }
0x1c4: {  	v1 =	vld [tilespmem:$0x14B90];
	_ =	sdelay $0x7  }
0x1c5: {  	[tilespmem:v1+s30+$0x0] =	vst.idx.add.f32.msk $0xffff, v0  }
0x1c6: {  	v1 =	vld [tilespmem:$0x14BA0];
	_ =	sdelay $0x7  }
0x1c7: {  	[tilespmem:v1+s30+$0x0] =	vst.idx.add.f32.msk $0xffff, v0  }
0x1c8: {  	v1 =	vld [tilespmem:$0x14BB0];
	_ =	sdelay $0x7  }
0x1c9: {  	[tilespmem:v1+s30+$0x0] =	vst.idx.add.f32.msk $0xffff, v0  }
0x1ca: {  	v1 =	vld [tilespmem:$0x14BC0];
	_ =	sdelay $0x7  }
0x1cb: {  	[tilespmem:v1+s30+$0x0] =	vst.idx.add.f32.msk $0xffff, v0  }
0x1cc: {  	_ =	swait.ge [sflag:s4], $0x2800  }
0x1cd: {  	[sflag:s4] =	ssyncset.done $0x0  }
0x1ce: {  	[sflag:s4] =	ssyncadd.s32 $0xFFFFD800  }
0x1cf: {  	_ =	swait.ge [sflag:s12], $0x2800  }
0x1d0: {  	[sflag:s12] =	ssyncset.done $0x0  }
0x1d1: {  	[sflag:s12] =	ssyncadd.s32 $0xFFFFD800  }
0x1d2: {  	[spmem:s3] =	stream.indirect.scatter.add.f32 [tilespmem:s11], [sflag:$0x4], $0x80, s19, s8, $0xb8;
	[tilespmem:$0x1CE80] =	vst v63  }
0x1d3: {  	_ = 	snop  }
0x1d4: {  	[tilespmem:s9], [sflag:$0x1] =	stream.indirect.gather [hbm4b:s0+s8], $0x80, s20, s8, $0xb8;
	[tilespmem:$0x1CE80] =	vst v63  }
0x1d5: {  	_ =	swait.ge [sflag:s2], $0x2800  }
0x1d6: {  	[sflag:s2] =	ssyncset.done $0x0  }
0x1d7: {  	[sflag:s2] =	ssyncadd.s32 $0xFFFFD800  }
0x1d8: {  	_ =	swait.ge [sflag:s15], $0x2800  }
0x1d9: {  	[sflag:s15] =	ssyncset.done $0x0  }
0x1da: {  	[sflag:s15] =	ssyncadd.s32 $0xFFFFD800  }
0x1db: {  	[spmem:s3] =	stream.indirect.scatter.add.f32 [tilespmem:s9], [sflag:$0x3], $0x80, s25, s8, $0xb8;
	[tilespmem:$0x1CE80] =	vst v63  }
0x1dc: {  	_ = 	snop  }
0x1dd: {  	[tilespmem:s11], [sflag:$0x2] =	stream.indirect.gather [hbm4b:s0+s8], $0x80, s26, s8, $0xb8;
	[tilespmem:$0x1CE80] =	vst v63  }
0x1de: {  	v1 =	vld [tilespmem:$0x14C80];
	_ =	sdelay $0x7  }
0x1df: {  	[tilespmem:v1+s30+$0x0] =	vst.idx.add.f32.msk $0xffff, v0  }
0x1e0: {  	v1 =	vld [tilespmem:$0x14C90];
	_ =	sdelay $0x7  }
0x1e1: {  	[tilespmem:v1+s30+$0x0] =	vst.idx.add.f32.msk $0xffff, v0  }
0x1e2: {  	v1 =	vld [tilespmem:$0x14CA0];
	_ =	sdelay $0x7  }
0x1e3: {  	[tilespmem:v1+s30+$0x0] =	vst.idx.add.f32.msk $0xffff, v0  }
0x1e4: {  	v1 =	vld [tilespmem:$0x14CB0];
	_ =	sdelay $0x7  }
0x1e5: {  	[tilespmem:v1+s30+$0x0] =	vst.idx.add.f32.msk $0xffff, v0  }
0x1e6: {  	v1 =	vld [tilespmem:$0x14CC0];
	_ =	sdelay $0x7  }
0x1e7: {  	[tilespmem:v1+s30+$0x0] =	vst.idx.add.f32.msk $0xffff, v0  }
0x1e8: {  	_ =	swait.ge [sflag:s4], $0x2800  }
0x1e9: {  	[sflag:s4] =	ssyncset.done $0x0  }
0x1ea: {  	[sflag:s4] =	ssyncadd.s32 $0xFFFFD800  }
0x1eb: {  	_ =	swait.ge [sflag:s12], $0x2800  }
0x1ec: {  	[sflag:s12] =	ssyncset.done $0x0  }
0x1ed: {  	s13 =	simm.s32 $0x14D00;
	[sflag:s12] =	ssyncadd.s32 $0xFFFFD800  }
0x1ee: {  	[spmem:s3] =	stream.indirect.scatter.add.f32 [tilespmem:s11], [sflag:$0x4], $0x80, s13, s8, $0xb8;
	[tilespmem:$0x1CE80] =	vst v63  }
0x1ef: {  	s13 =	simm.s32 $0x14580  }
0x1f0: {  	[tilespmem:s9], [sflag:$0x1] =	stream.indirect.gather [hbm4b:s0+s8], $0x80, s13, s8, $0xb8;
	[tilespmem:$0x1CE80] =	vst v63  }
0x1f1: {  	_ =	swait.ge [sflag:s2], $0x2800  }
0x1f2: {  	[sflag:s2] =	ssyncset.done $0x0  }
0x1f3: {  	[sflag:s2] =	ssyncadd.s32 $0xFFFFD800  }
0x1f4: {  	_ =	swait.ge [sflag:s15], $0x2800  }
0x1f5: {  	[sflag:s15] =	ssyncset.done $0x0  }
0x1f6: {  	s13 =	simm.s32 $0x14D80;
	[sflag:s15] =	ssyncadd.s32 $0xFFFFD800  }
0x1f7: {  	[spmem:s3] =	stream.indirect.scatter.add.f32 [tilespmem:s9], [sflag:$0x3], $0x80, s13, s8, $0xb8;
	[tilespmem:$0x1CE80] =	vst v63  }
0x1f8: {  	s13 =	simm.s32 $0x14600  }
0x1f9: {  	[tilespmem:s11], [sflag:$0x2] =	stream.indirect.gather [hbm4b:s0+s8], $0x80, s13, s8, $0xb8;
	[tilespmem:$0x1CE80] =	vst v63  }
0x1fa: {  	v1 =	vld [tilespmem:$0x14D80];
	_ =	sdelay $0x7  }
0x1fb: {  	[tilespmem:v1+s30+$0x0] =	vst.idx.add.f32.msk $0xffff, v0  }
0x1fc: {  	v1 =	vld [tilespmem:$0x14D90];
	_ =	sdelay $0x7  }
0x1fd: {  	[tilespmem:v1+s30+$0x0] =	vst.idx.add.f32.msk $0xffff, v0  }
0x1fe: {  	v1 =	vld [tilespmem:$0x14DA0];
	_ =	sdelay $0x7  }
0x1ff: {  	[tilespmem:v1+s30+$0x0] =	vst.idx.add.f32.msk $0xffff, v0  }
0x200: {  	v1 =	vld [tilespmem:$0x14DB0];
	_ =	sdelay $0x7  }
0x201: {  	[tilespmem:v1+s30+$0x0] =	vst.idx.add.f32.msk $0xffff, v0  }
0x202: {  	v1 =	vld [tilespmem:$0x14DC0];
	_ =	sdelay $0x7  }
0x203: {  	[tilespmem:v1+s30+$0x0] =	vst.idx.add.f32.msk $0xffff, v0  }
0x204: {  	_ =	swait.ge [sflag:s4], $0x2800  }
0x205: {  	[sflag:s4] =	ssyncset.done $0x0  }
0x206: {  	[sflag:s4] =	ssyncadd.s32 $0xFFFFD800  }
0x207: {  	_ =	swait.ge [sflag:s12], $0x2800  }
0x208: {  	[sflag:s12] =	ssyncset.done $0x0  }
0x209: {  	s13 =	simm.s32 $0x14E00;
	[sflag:s12] =	ssyncadd.s32 $0xFFFFD800  }
0x20a: {  	[spmem:s3] =	stream.indirect.scatter.add.f32 [tilespmem:s11], [sflag:$0x4], $0x80, s13, s8, $0xb8;
	[tilespmem:$0x1CE80] =	vst v63  }
0x20b: {  	s13 =	simm.s32 $0x14680  }
0x20c: {  	[tilespmem:s9], [sflag:$0x1] =	stream.indirect.gather [hbm4b:s0+s8], $0x80, s13, s8, $0xb8;
	[tilespmem:$0x1CE80] =	vst v63  }
0x20d: {  	_ =	swait.ge [sflag:s2], $0x2800  }
0x20e: {  	[sflag:s2] =	ssyncset.done $0x0  }
0x20f: {  	[sflag:s2] =	ssyncadd.s32 $0xFFFFD800  }
0x210: {  	_ =	swait.ge [sflag:s15], $0x2800  }
0x211: {  	[sflag:s15] =	ssyncset.done $0x0  }
0x212: {  	s13 =	simm.s32 $0x14E80;
	[sflag:s15] =	ssyncadd.s32 $0xFFFFD800  }
0x213: {  	[spmem:s3] =	stream.indirect.scatter.add.f32 [tilespmem:s9], [sflag:$0x3], $0x80, s13, s8, $0xb8;
	[tilespmem:$0x1CE80] =	vst v63  }
0x214: {  	s13 =	simm.s32 $0x14700  }
0x215: {  	[tilespmem:s11], [sflag:$0x2] =	stream.indirect.gather [hbm4b:s0+s8], $0x80, s13, s8, $0xb8;
	[tilespmem:$0x1CE80] =	vst v63  }
0x216: {  	v1 =	vld [tilespmem:$0x14E80];
	_ =	sdelay $0x7  }
0x217: {  	[tilespmem:v1+s30+$0x0] =	vst.idx.add.f32.msk $0xffff, v0  }
0x218: {  	v1 =	vld [tilespmem:$0x14E90];
	_ =	sdelay $0x7  }
0x219: {  	[tilespmem:v1+s30+$0x0] =	vst.idx.add.f32.msk $0xffff, v0  }
0x21a: {  	v1 =	vld [tilespmem:$0x14EA0];
	_ =	sdelay $0x7  }
0x21b: {  	[tilespmem:v1+s30+$0x0] =	vst.idx.add.f32.msk $0xffff, v0  }
0x21c: {  	v1 =	vld [tilespmem:$0x14EB0];
	_ =	sdelay $0x7  }
0x21d: {  	[tilespmem:v1+s30+$0x0] =	vst.idx.add.f32.msk $0xffff, v0  }
0x21e: {  	v1 =	vld [tilespmem:$0x14EC0];
	_ =	sdelay $0x7  }
0x21f: {  	[tilespmem:v1+s30+$0x0] =	vst.idx.add.f32.msk $0xffff, v0  }
0x220: {  	_ =	swait.ge [sflag:s4], $0x2800  }
0x221: {  	[sflag:s4] =	ssyncset.done $0x0  }
0x222: {  	[sflag:s4] =	ssyncadd.s32 $0xFFFFD800  }
0x223: {  	_ =	swait.ge [sflag:s12], $0x2800  }
0x224: {  	[sflag:s12] =	ssyncset.done $0x0  }
0x225: {  	s13 =	simm.s32 $0x14F00;
	[sflag:s12] =	ssyncadd.s32 $0xFFFFD800  }
0x226: {  	[spmem:s3] =	stream.indirect.scatter.add.f32 [tilespmem:s11], [sflag:$0x4], $0x80, s13, s8, $0xb8;
	[tilespmem:$0x1CE80] =	vst v63  }
0x227: {  	s13 =	simm.s32 $0x14780  }
0x228: {  	[tilespmem:s9], [sflag:$0x1] =	stream.indirect.gather [hbm4b:s0+s8], $0x80, s13, s8, $0xb8;
	[tilespmem:$0x1CE80] =	vst v63  }
0x229: {  	_ =	swait.ge [sflag:s2], $0x2800  }
0x22a: {  	[sflag:s2] =	ssyncset.done $0x0  }
0x22b: {  	[sflag:s2] =	ssyncadd.s32 $0xFFFFD800  }
0x22c: {  	_ =	swait.ge [sflag:s15], $0x2800  }
0x22d: {  	[sflag:s15] =	ssyncset.done $0x0  }
0x22e: {  	s13 =	simm.s32 $0x14F80;
	[sflag:s15] =	ssyncadd.s32 $0xFFFFD800  }
0x22f: {  	[spmem:s3] =	stream.indirect.scatter.add.f32 [tilespmem:s9], [sflag:$0x3], $0x80, s13, s8, $0xb8;
	[tilespmem:$0x1CE80] =	vst v63  }
0x230: {  	s13 =	simm.s32 $0x14800  }
0x231: {  	[tilespmem:s11], [sflag:$0x2] =	stream.indirect.gather [hbm4b:s0+s8], $0x80, s13, s8, $0xb8;
	[tilespmem:$0x1CE80] =	vst v63  }
0x232: {  	v1 =	vld [tilespmem:$0x14F80];
	_ =	sdelay $0x7  }
0x233: {  	[tilespmem:v1+s30+$0x0] =	vst.idx.add.f32.msk $0xffff, v0  }
0x234: {  	v1 =	vld [tilespmem:$0x14F90];
	_ =	sdelay $0x7  }
0x235: {  	[tilespmem:v1+s30+$0x0] =	vst.idx.add.f32.msk $0xffff, v0  }
0x236: {  	v1 =	vld [tilespmem:$0x14FA0];
	_ =	sdelay $0x7  }
0x237: {  	[tilespmem:v1+s30+$0x0] =	vst.idx.add.f32.msk $0xffff, v0  }
0x238: {  	v1 =	vld [tilespmem:$0x14FB0];
	_ =	sdelay $0x7  }
0x239: {  	[tilespmem:v1+s30+$0x0] =	vst.idx.add.f32.msk $0xffff, v0  }
0x23a: {  	v1 =	vld [tilespmem:$0x14FC0];
	_ =	sdelay $0x7  }
0x23b: {  	[tilespmem:v1+s30+$0x0] =	vst.idx.add.f32.msk $0xffff, v0  }
0x23c: {  	_ =	swait.ge [sflag:s4], $0x2800  }
0x23d: {  	[sflag:s4] =	ssyncset.done $0x0  }
0x23e: {  	[sflag:s4] =	ssyncadd.s32 $0xFFFFD800  }
0x23f: {  	_ =	swait.ge [sflag:s12], $0x2800  }
0x240: {  	[sflag:s12] =	ssyncset.done $0x0  }
0x241: {  	s13 =	simm.s32 $0x15000;
	[sflag:s12] =	ssyncadd.s32 $0xFFFFD800  }
0x242: {  	[spmem:s3] =	stream.indirect.scatter.add.f32 [tilespmem:s11], [sflag:$0x4], $0x80, s13, s8, $0xb8;
	[tilespmem:$0x1CE80] =	vst v63  }
0x243: {  	s13 =	simm.s32 $0x14880  }
0x244: {  	[tilespmem:s9], [sflag:$0x1] =	stream.indirect.gather [hbm4b:s0+s8], $0x80, s13, s8, $0xb8;
	[tilespmem:$0x1CE80] =	vst v63  }
0x245: {  	_ =	swait.ge [sflag:s2], $0x2800  }
0x246: {  	[sflag:s2] =	ssyncset.done $0x0  }
0x247: {  	[sflag:s2] =	ssyncadd.s32 $0xFFFFD800  }
0x248: {  	_ =	swait.ge [sflag:s15], $0x2800  }
0x249: {  	[sflag:s15] =	ssyncset.done $0x0  }
0x24a: {  	s13 =	simm.s32 $0x15080;
	[sflag:s15] =	ssyncadd.s32 $0xFFFFD800  }
0x24b: {  	[spmem:s3] =	stream.indirect.scatter.add.f32 [tilespmem:s9], [sflag:$0x3], $0x80, s13, s8, $0xb8;
	[tilespmem:$0x1CE80] =	vst v63  }
0x24c: {  	s13 =	simm.s32 $0x14900  }
0x24d: {  	[tilespmem:s11], [sflag:$0x2] =	stream.indirect.gather [hbm4b:s0+s8], $0x80, s13, s8, $0xb8;
	[tilespmem:$0x1CE80] =	vst v63  }
0x24e: {  	v1 =	vld [tilespmem:$0x15080];
	_ =	sdelay $0x7  }
0x24f: {  	[tilespmem:v1+s30+$0x0] =	vst.idx.add.f32.msk $0xffff, v0  }
0x250: {  	v1 =	vld [tilespmem:$0x15090];
	_ =	sdelay $0x7  }
0x251: {  	[tilespmem:v1+s30+$0x0] =	vst.idx.add.f32.msk $0xffff, v0  }
0x252: {  	v1 =	vld [tilespmem:$0x150A0];
	_ =	sdelay $0x7  }
0x253: {  	[tilespmem:v1+s30+$0x0] =	vst.idx.add.f32.msk $0xffff, v0  }
0x254: {  	v1 =	vld [tilespmem:$0x150B0];
	_ =	sdelay $0x7  }
0x255: {  	[tilespmem:v1+s30+$0x0] =	vst.idx.add.f32.msk $0xffff, v0  }
0x256: {  	v1 =	vld [tilespmem:$0x150C0];
	_ =	sdelay $0x7  }
0x257: {  	[tilespmem:v1+s30+$0x0] =	vst.idx.add.f32.msk $0xffff, v0  }
0x258: {  	_ =	swait.ge [sflag:s4], $0x2800  }
0x259: {  	[sflag:s4] =	ssyncset.done $0x0  }
0x25a: {  	[sflag:s4] =	ssyncadd.s32 $0xFFFFD800  }
0x25b: {  	_ =	swait.ge [sflag:s12], $0x2800  }
0x25c: {  	[sflag:s12] =	ssyncset.done $0x0  }
0x25d: {  	s13 =	simm.s32 $0x15100;
	[sflag:s12] =	ssyncadd.s32 $0xFFFFD800  }
0x25e: {  	[spmem:s3] =	stream.indirect.scatter.add.f32 [tilespmem:s11], [sflag:$0x4], $0x80, s13, s8, $0xb8;
	[tilespmem:$0x1CE80] =	vst v63  }
0x25f: {  	s13 =	simm.s32 $0x14980  }
0x260: {  	[tilespmem:s9], [sflag:$0x1] =	stream.indirect.gather [hbm4b:s0+s8], $0x80, s13, s8, $0xb8;
	[tilespmem:$0x1CE80] =	vst v63  }
0x261: {  	_ =	swait.ge [sflag:s2], $0x2800  }
0x262: {  	[sflag:s2] =	ssyncset.done $0x0  }
0x263: {  	[sflag:s2] =	ssyncadd.s32 $0xFFFFD800  }
0x264: {  	_ =	swait.ge [sflag:s15], $0x2800  }
0x265: {  	[sflag:s15] =	ssyncset.done $0x0  }
0x266: {  	s13 =	simm.s32 $0x15180;
	[sflag:s15] =	ssyncadd.s32 $0xFFFFD800  }
0x267: {  	[spmem:s3] =	stream.indirect.scatter.add.f32 [tilespmem:s9], [sflag:$0x3], $0x80, s13, s8, $0xb8;
	[tilespmem:$0x1CE80] =	vst v63  }
0x268: {  	_ = 	snop  }
0x269: {  	[tilespmem:s11], [sflag:$0x2] =	stream.indirect.gather [hbm4b:s0+s8], $0x80, s23, s8, $0xb8;
	[tilespmem:$0x1CE80] =	vst v63  }
0x26a: {  	v1 =	vld [tilespmem:$0x15180];
	_ =	sdelay $0x7  }
0x26b: {  	[tilespmem:v1+s30+$0x0] =	vst.idx.add.f32.msk $0xffff, v0  }
0x26c: {  	v1 =	vld [tilespmem:$0x15190];
	_ =	sdelay $0x7  }
0x26d: {  	[tilespmem:v1+s30+$0x0] =	vst.idx.add.f32.msk $0xffff, v0  }
0x26e: {  	v1 =	vld [tilespmem:$0x151A0];
	_ =	sdelay $0x7  }
0x26f: {  	[tilespmem:v1+s30+$0x0] =	vst.idx.add.f32.msk $0xffff, v0  }
0x270: {  	v1 =	vld [tilespmem:$0x151B0];
	_ =	sdelay $0x7  }
0x271: {  	[tilespmem:v1+s30+$0x0] =	vst.idx.add.f32.msk $0xffff, v0  }
0x272: {  	v1 =	vld [tilespmem:$0x151C0];
	_ =	sdelay $0x7  }
0x273: {  	[tilespmem:v1+s30+$0x0] =	vst.idx.add.f32.msk $0xffff, v0  }
0x274: {  	_ =	swait.ge [sflag:s4], $0x2800  }
0x275: {  	[sflag:s4] =	ssyncset.done $0x0  }
.Ltmp5:
0x276: {  	[sflag:s4] =	ssyncadd.s32 $0xFFFFD800;
	(pc) =	sbr.rel .LBB2_5-.Ltmp5, $4  }
0x277: {  	_ =	swait.ge [sflag:s12], $0x2800  }
0x278: {  	[sflag:s12] =	ssyncset.done $0x0  }
0x279: {  	[sflag:s12] =	ssyncadd.s32 $0xFFFFD800  }
0x27a: {  	[spmem:s3] =	stream.indirect.scatter.add.f32 [tilespmem:s11], [sflag:$0x4], $0x80, s24, s8, $0xb8;
	[tilespmem:$0x1CE80] =	vst v63  }
.LBB2_7:
0x27b: {  	_ =	sfence.sel $0x180000  }
0x27c: {  	[bflag:$0x0] =	sbarrier.arrive $0xFFFF  }
0x27d: {  	_ =	strace $0x90000047  }
0x27e: {  	s0 =	stileid.u32;
	[bflag:$0x2] =	sbarrier.arrive $0xFFFF  }
0x27f: {  	p0 =	sne.s32 s0, $0x0;
	s0 =	rddreg [dreg:$0x4]  }
0x280: {  	s0 =	sadd.s32 @!p0 $0x100000, s0  }
0x281: {  	[sflag:s0] =	ssyncadd.tile.s32 @!p0 $0x1;
	_ =	shalt  }
.Lfunc_end2:
_tile_overlayer_lowered:
.L_overlay_start_2:
0x282: {  	(tag) =	ssettag $0x2  }
0x283: {  	s0 =	rddreg [dreg:$0x0];
	s2 =	stileid.u32  }
0x284: {  	s1 =	rddreg [dreg:$0x1];
	p0 =	sne.s32 s2, $0x0  }
0x285: {  	s3 =	rddreg [dreg:$0x2];
	[bflag:$0x3] =	sbarrier.arrive $0xFFFF;
	s2 =	simm.s32 @!p0 $0x1C05  }
0x286: {  	[timem:s3], [sflag:s2] =	dma.local @!p0 [hbm:s0], s1  }
0x287: {  	s0 =	simm.s32 @!p0 $0x5  }
0x288: {  	_ =	swait.ge @!p0 [sflag:s0], s1  }
0x289: {  	s1 =	ssub.s32 @!p0 $0x0, s1;
	[sflag:s0] =	ssyncset.done @!p0 $0x0  }
0x28a: {  	[sflag:s0] =	ssyncadd.s32 @!p0 s1  }
0x28b: {  	[bflag:$0x3] =	sbarrier.arrive $0xFFFF  }
0x28c: {  	_ =	shalt  }

</sc_bundles>
